<compile_context>
chip_gen: v7x
topology: tpu7x:2x2x1
jax: 0.10.2.dev20260603
libtpu: 0.0.44.dev20260713+nightly
codegen_flags: <defaults>
</compile_context>

<pallas_src>
import functools

import jax
import jax.numpy as jnp
from jax import lax
from jax.experimental import pallas as pl
from jax.experimental.pallas import tpu as pltpu
from jax.experimental.pallas import tpu_sc as plsc

N = 10000
NPAD = 10240
E = 320000
D = 128

NC = 2
NS = 16
NW = NC * NS

CHUNK = 80
EDGES_PER_W = E // NW
NCH_AGG = EDGES_PER_W // CHUNK
NCHB = 25
NBLK = NCH_AGG // NCHB
EDGES_PER_T = E // NS
ROWS_PER_T = NPAD // NS

_mesh = plsc.VectorSubcoreMesh(core_axis_name="c", subcore_axis_name="s")


def _zero_1d(buf, n):
    def z(t, _):
        buf[pl.ds(t * 32, 16)] = jnp.zeros((16,), jnp.float32)
        buf[pl.ds(t * 32 + 16, 16)] = jnp.zeros((16,), jnp.float32)
        return 0

    lax.fori_loop(0, n // 32, z, 0)


@functools.partial(
    pl.kernel,
    out_type=jax.ShapeDtypeStruct((2, NPAD, D), jnp.float32),
    mesh=_mesh,
    compiler_params=pltpu.CompilerParams(needs_layout_passes=False),
    scratch_types=[
        pltpu.VMEM_SHARED((NS, NPAD), jnp.float32),
        pltpu.VMEM((EDGES_PER_T,), jnp.int32),
        pltpu.VMEM((NPAD,), jnp.float32),
        pltpu.VMEM((ROWS_PER_T,), jnp.float32),
        pltpu.VMEM((ROWS_PER_T,), jnp.float32),
        pltpu.VMEM((CHUNK, D), jnp.float32),
    ],
)
def _scale_kernel(src_hbm, dst_hbm, scale_hbm,
                  staging, idx, cnt, tmp, scalebuf, rowbuf):
    c = lax.axis_index("c")
    s = lax.axis_index("s")

    _zero_1d(cnt, NPAD)

    @pl.when(c == 0)
    def _():
        pltpu.sync_copy(src_hbm.at[pl.ds(s * EDGES_PER_T, EDGES_PER_T)], idx)

    @pl.when(c == 1)
    def _():
        pltpu.sync_copy(dst_hbm.at[pl.ds(s * EDGES_PER_T, EDGES_PER_T)], idx)

    ones = jnp.ones((16,), jnp.float32)

    def body(t, _):
        plsc.addupdate_scatter(cnt, [idx[pl.ds(t * 32, 16)]], ones)
        plsc.addupdate_scatter(cnt, [idx[pl.ds(t * 32 + 16, 16)]], ones)
        return 0

    lax.fori_loop(0, EDGES_PER_T // 32, body, 0)

    pltpu.sync_copy(cnt, staging.at[s])
    plsc.subcore_barrier()

    _zero_1d(scalebuf, ROWS_PER_T)

    def red(k, _):
        pltpu.sync_copy(staging.at[k, pl.ds(s * ROWS_PER_T, ROWS_PER_T)], tmp)

        def add16(j, _):
            scalebuf[pl.ds(j * 16, 16)] = (
                scalebuf[pl.ds(j * 16, 16)] + tmp[pl.ds(j * 16, 16)])
            return 0

        lax.fori_loop(0, ROWS_PER_T // 16, add16, 0)
        return 0

    lax.fori_loop(0, NS, red, 0)

    magic = jnp.full((16,), 0x5F3759DF, dtype=jnp.int32)

    def rs(j, _):
        x = jnp.maximum(scalebuf[pl.ds(j * 16, 16)], 1.0)
        i = plsc.bitcast(x, jnp.int32)
        y = plsc.bitcast(magic - jnp.right_shift(i, 1), jnp.float32)
        for _ in range(3):
            y = y * (1.5 - 0.5 * x * y * y)
        scalebuf[pl.ds(j * 16, 16)] = y
        return 0

    lax.fori_loop(0, ROWS_PER_T // 16, rs, 0)

    def chunk(k, _):
        def grp(g, _):
            vec16 = scalebuf[pl.ds(k * CHUNK + g * 16, 16)]
            for l in range(16):
                vec = jnp.zeros((16,), jnp.float32) + vec16[l]
                for u in range(D // 16):
                    rowbuf[g * 16 + l, pl.ds(u * 16, 16)] = vec
            return 0

        lax.fori_loop(0, CHUNK // 16, grp, 0)
        pltpu.sync_copy(
            rowbuf, scale_hbm.at[c, pl.ds(s * ROWS_PER_T + k * CHUNK, CHUNK)])
        return 0

    lax.fori_loop(0, ROWS_PER_T // CHUNK, chunk, 0)


@functools.partial(
    pl.kernel,
    out_type=jax.ShapeDtypeStruct((NC, NPAD, D), jnp.float32),
    mesh=_mesh,
    scratch_types=[
        pltpu.VMEM_SHARED((NPAD, D), jnp.float32),
        pltpu.VMEM((NCHB, CHUNK), jnp.int32),
        pltpu.VMEM((NCHB, CHUNK), jnp.int32),
        pltpu.VMEM((CHUNK, D), jnp.float32),
        pltpu.VMEM((CHUNK, D), jnp.float32),
        pltpu.VMEM((CHUNK, D), jnp.float32),
        pltpu.VMEM((CHUNK, D), jnp.float32),
        pltpu.SemaphoreType.DMA,
        pltpu.SemaphoreType.DMA,
        pltpu.SemaphoreType.DMA,
        pltpu.SemaphoreType.DMA,
    ],
)
def _agg_kernel(node_hbm, ef_hbm, src_hbm, dst_hbm, part_hbm,
                acc, src_v, dst_v, g0, g1, e0, e1, si0, si1, ss0, ss1):
    c = lax.axis_index("c")
    s = lax.axis_index("s")
    w = s * NC + c
    ebase = w * EDGES_PER_W

    def zg(t, _):
        g0[t // 8, pl.ds((t % 8) * 16, 16)] = jnp.zeros((16,), jnp.float32)
        return 0

    lax.fori_loop(0, CHUNK * 8, zg, 0)
    for k in range(ROWS_PER_T // CHUNK):
        pltpu.sync_copy(g0, acc.at[pl.ds(s * ROWS_PER_T + k * CHUNK, CHUNK)])
    plsc.subcore_barrier()

    def start_in(r, jblk, gb, eb, sem):
        pltpu.async_copy(node_hbm.at[src_v.at[r]], gb, sem)
        pltpu.async_copy(
            ef_hbm.at[pl.ds(ebase + (jblk * NCHB + r) * CHUNK, CHUNK)], eb, sem)

    def wait_in(r, jblk, gb, eb, sem):
        pltpu.make_async_copy(node_hbm.at[src_v.at[r]], gb, sem).wait()
        pltpu.make_async_copy(
            ef_hbm.at[pl.ds(ebase + (jblk * NCHB + r) * CHUNK, CHUNK)],
            eb, sem).wait()

    def start_scat(r, gb, eb, sem):
        pltpu.async_copy(gb, acc.at[dst_v.at[r]], sem, add=True)
        pltpu.async_copy(eb, acc.at[dst_v.at[r]], sem, add=True)

    def wait_scat(r, gb, eb, sem):
        pltpu.make_async_copy(gb, acc.at[dst_v.at[r]], sem).wait()
        pltpu.make_async_copy(eb, acc.at[dst_v.at[r]], sem).wait()

    def blk(jb, _):
        pltpu.sync_copy(src_hbm.at[w, jb], src_v)
        pltpu.sync_copy(dst_hbm.at[w, jb], dst_v)

        pltpu.sync_copy(node_hbm.at[src_v.at[0]], g0)
        pltpu.sync_copy(ef_hbm.at[pl.ds(ebase + jb * NCHB * CHUNK, CHUNK)], e0)
        pltpu.sync_copy(g0, acc.at[dst_v.at[0]], add=True)
        pltpu.sync_copy(e0, acc.at[dst_v.at[0]], add=True)

        start_in(1, jb, g0, e0, si0)

        def pair(p, _):
            r0 = 1 + 2 * p
            r1 = 2 + 2 * p
            start_in(r1, jb, g1, e1, si1)
            wait_in(r0, jb, g0, e0, si0)
            start_scat(r0, g0, e0, ss0)
            wait_in(r1, jb, g1, e1, si1)
            start_scat(r1, g1, e1, ss1)
            wait_scat(r0, g0, e0, ss0)

            @pl.when(p < (NCHB - 1) // 2 - 1)
            def _():
                start_in(r0 + 2, jb, g0, e0, si0)

            wait_scat(r1, g1, e1, ss1)
            return 0

        lax.fori_loop(0, (NCHB - 1) // 2, pair, 0)
        return 0

    lax.fori_loop(0, NBLK, blk, 0)
    plsc.subcore_barrier()

    pltpu.sync_copy(acc.at[pl.ds(s * ROWS_PER_T, ROWS_PER_T)],
                    part_hbm.at[c, pl.ds(s * ROWS_PER_T, ROWS_PER_T)])


ROWB = 1000


def _proj_body(x_ref, w_ref, sc_ref, o_ref):
    y = jnp.dot(x_ref[...], w_ref[0], preferred_element_type=jnp.float32,
                precision=lax.Precision.HIGHEST)
    o_ref[...] = y * sc_ref[...]


def _fin_body(p0_ref, p1_ref, sc_ref, o_ref):
    o_ref[...] = (p0_ref[...] + p1_ref[...]) * sc_ref[...]


def kernel(u_f, v_f, e_f, edge_index, u_w, v_w):
    src = edge_index[0]
    dst = edge_index[1]

    scale = _scale_kernel(src, dst)

    x = jnp.concatenate([u_f, v_f], axis=0)
    w = jnp.stack([u_w, v_w])
    node_f = pl.pallas_call(
        _proj_body,
        grid=(N // ROWB,),
        in_specs=[
            pl.BlockSpec((ROWB, D), lambda i: (i, 0)),
            pl.BlockSpec((1, D, D), lambda i: (i // 5, 0, 0)),
            pl.BlockSpec((ROWB, D), lambda i: (i, 0)),
        ],
        out_specs=pl.BlockSpec((ROWB, D), lambda i: (i, 0)),
        out_shape=jax.ShapeDtypeStruct((N, D), jnp.float32),
    )(x, w, scale[0])

    src_r = src.reshape(NW, NBLK, NCHB, CHUNK)
    dst_r = dst.reshape(NW, NBLK, NCHB, CHUNK)
    partial = _agg_kernel(node_f, e_f, src_r, dst_r)

    rst = pl.pallas_call(
        _fin_body,
        grid=(N // ROWB,),
        in_specs=[
            pl.BlockSpec((ROWB, D), lambda i: (i, 0)),
            pl.BlockSpec((ROWB, D), lambda i: (i, 0)),
            pl.BlockSpec((ROWB, D), lambda i: (i, 0)),
        ],
        out_specs=pl.BlockSpec((ROWB, D), lambda i: (i, 0)),
        out_shape=jax.ShapeDtypeStruct((N, D), jnp.float32),
    )(partial[0], partial[1], scale[1])
    return rst

# --- scband reference (transcript-rebuilt; emitter-appended) ---
"""Pipeline reference for scband-gcnlayer-816043786790 (READ-ONLY COPY).

The authoritative reference and input builder live on the scoring server;
editing this copy changes nothing except your own understanding.
"""

import jax, jax.numpy as jnp
import numpy as np

N_U = 5000
N_V = 5000
N = N_U + N_V
E = 320000
D_IN = 128
D_OUT = 128


def setup_inputs(seed: int = 0) -> dict:
    key = jax.random.key(seed)
    k1, k2, k3, k4, k5, k6 = jax.random.split(key, 6)
    u_f = jax.random.normal(k1, (N_U, D_IN), dtype=jnp.float32)
    v_f = jax.random.normal(k2, (N_V, D_IN), dtype=jnp.float32)
    e_f = jax.random.normal(k3, (E, D_OUT), dtype=jnp.float32)
    edge_index = jax.random.randint(k4, (2, E), 0, N, dtype=jnp.int32)
    xav = (6.0 / (D_IN + D_OUT)) ** 0.5
    u_w = jax.random.uniform(k5, (D_IN, D_OUT), dtype=jnp.float32, minval=-xav, maxval=xav)
    v_w = jax.random.uniform(k6, (D_IN, D_OUT), dtype=jnp.float32, minval=-xav, maxval=xav)
    return {"u_f": u_f, "v_f": v_f, "e_f": e_f, "edge_index": edge_index, "u_w": u_w, "v_w": v_w}


def reference(u_f, v_f, e_f, edge_index, u_w, v_w):
    src = edge_index[0]
    dst = edge_index[1]
    # weight projections (self.weight == True)
    u_p = jnp.dot(u_f, u_w)
    v_p = jnp.dot(v_f, v_w)
    node_f = jnp.concatenate([u_p, v_p], axis=0)  # [N, D_OUT]
    # out-degree normalization of source features
    out_deg = jnp.bincount(src, length=N).astype(jnp.float32)
    out_deg = jnp.clip(out_deg, 1.0, None)
    node_f = node_f * (out_deg ** -0.5)[:, None]
    # message: m = src['n_f'] + e_f ; reduce: sum over dst
    m = node_f[src] + e_f  # gather [E, D_OUT]
    rst = jax.ops.segment_sum(m, dst, num_segments=N)  # scatter-add
    # in-degree normalization of aggregated features
    in_deg = jnp.bincount(dst, length=N).astype(jnp.float32)
    in_deg = jnp.clip(in_deg, 1.0, None)
    rst = rst * (in_deg ** -0.5)[:, None]
    # activation is None
    return rst

if __name__ == "__main__":
    import jax
    _d = setup_inputs()
    print(jax.jit(kernel)(*tuple(_d.values())))

</pallas_src>

<mosaic_0001>
#map = affine_map<(d0, d1) -> (0, 0)>
#map1 = affine_map<(d0, d1) -> (0, 0, 0, 0)>
#map2 = affine_map<(d0, d1) -> (0, 0, 0)>
module attributes {stable_mosaic.version = 14 : i64} {
  func.func @_agg_kernel(%arg0: i32, %arg1: i32, %arg2: memref<10000x128xf32, #tpu.memory_space<hbm>>, %arg3: memref<320000x128xf32, #tpu.memory_space<hbm>>, %arg4: memref<32x5x25x80xi32, #tpu.memory_space<hbm>>, %arg5: memref<32x5x25x80xi32, #tpu.memory_space<hbm>>, %arg6: memref<2x10240x128xf32, #tpu.memory_space<hbm>>, %arg7: memref<10240x128xf32, #tpu.memory_space<vmem_shared>>, %arg8: memref<25x80xi32, #tpu.memory_space<vmem>>, %arg9: memref<25x80xi32, #tpu.memory_space<vmem>>, %arg10: memref<80x128xf32, #tpu.memory_space<vmem>>, %arg11: memref<80x128xf32, #tpu.memory_space<vmem>>, %arg12: memref<80x128xf32, #tpu.memory_space<vmem>>, %arg13: memref<80x128xf32, #tpu.memory_space<vmem>>, %arg14: memref<!tpu.dma_semaphore, #tpu.memory_space<semaphore_mem>>, %arg15: memref<!tpu.dma_semaphore, #tpu.memory_space<semaphore_mem>>, %arg16: memref<!tpu.dma_semaphore, #tpu.memory_space<semaphore_mem>>, %arg17: memref<!tpu.dma_semaphore, #tpu.memory_space<semaphore_mem>>) attributes {dimension_semantics = [#tpu.dimension_semantics<core_parallel>, #tpu.dimension_semantics<subcore_parallel>], iteration_bounds = array<i64: 2, 16>, scalar_prefetch = 0 : i64, scratch_operands = 11 : i64, tpu.core_type = #tpu.core_type<sc_vector_subcore>, window_params = [{transform_indices = #map}, {transform_indices = #map}, {transform_indices = #map1}, {transform_indices = #map1}, {transform_indices = #map2}]} {
    %mul3A = arith.constant 2 : i32
    %mul3A_0 = arith.muli %arg1, %mul3A : i32
    %add3A = arith.addi %mul3A_0, %arg0 : i32
    %mul3A_1 = arith.constant 10000 : i32
    %mul3A_2 = arith.muli %add3A, %mul3A_1 : i32
    %scan3A = arith.constant 0 : i32
    %scan3A_3 = arith.constant 0 : i32
    %scan3A_4 = arith.constant 640 : i32
    %scan3A_5 = arith.addi %scan3A_3, %scan3A_4 : i32
    %scan3A_6 = arith.constant 1 : i32
    %scan3A_7 = scf.for %scan3A_53 = %scan3A_3 to %scan3A_5 step %scan3A_6 iter_args(%scan3A_54 = %scan3A) -> (i32)  : i32 {
      %broadcast_in_dim3A = arith.constant 0.000000e+00 : f32
      %broadcast_in_dim3A_55 = vector.broadcast %broadcast_in_dim3A : f32 to vector<16xf32>
      %jit3A = arith.constant 8 : i32
      %div3A = arith.divsi %scan3A_53, %jit3A : i32
      %sign3A = arith.constant 0 : i32
      %sign3A_56 = arith.cmpi sgt, %scan3A_53, %sign3A : i32
      %sign3A_57 = arith.extui %sign3A_56 : i1 to i32
      %sign3A_58 = arith.constant 0 : i32
      %sign3A_59 = arith.cmpi slt, %scan3A_53, %sign3A_58 : i32
      %sign3A_60 = arith.extui %sign3A_59 : i1 to i32
      %sign3A_61 = arith.subi %sign3A_57, %sign3A_60 : i32
      %sign3A_62 = arith.constant 0 : i32
      %sign3A_63 = arith.cmpi sgt, %jit3A, %sign3A_62 : i32
      %sign3A_64 = arith.extui %sign3A_63 : i1 to i32
      %sign3A_65 = arith.constant 0 : i32
      %sign3A_66 = arith.cmpi slt, %jit3A, %sign3A_65 : i32
      %sign3A_67 = arith.extui %sign3A_66 : i1 to i32
      %sign3A_68 = arith.subi %sign3A_64, %sign3A_67 : i32
      %ne3A = arith.cmpi ne, %sign3A_61, %sign3A_68 : i32
      %rem3A = arith.remsi %scan3A_53, %jit3A : i32
      %ne3A_69 = arith.constant 0 : i32
      %ne3A_70 = arith.cmpi ne, %rem3A, %ne3A_69 : i32
      %and3A = arith.andi %ne3A, %ne3A_70 : i1
      %sub3A = arith.constant 1 : i32
      %sub3A_71 = arith.subi %div3A, %sub3A : i32
      %select_n3A = arith.select %and3A, %sub3A_71, %div3A : i32
      %jit3A_72 = arith.constant 8 : i32
      %eq3A = arith.constant 0 : i32
      %eq3A_73 = arith.cmpi eq, %jit3A_72, %eq3A : i32
      %jit3A_74 = arith.constant 1 : i32
      %select_n3A_75 = arith.select %eq3A_73, %jit3A_74, %jit3A_72 : i32
      %rem3A_76 = arith.remsi %scan3A_53, %select_n3A_75 : i32
      %ne3A_77 = arith.constant 0 : i32
      %ne3A_78 = arith.cmpi ne, %rem3A_76, %ne3A_77 : i32
      %lt3A = arith.constant 0 : i32
      %lt3A_79 = arith.cmpi slt, %rem3A_76, %lt3A : i32
      %lt3A_80 = arith.constant 0 : i32
      %lt3A_81 = arith.cmpi slt, %select_n3A_75, %lt3A_80 : i32
      %ne3A_82 = arith.xori %lt3A_79, %lt3A_81 : i1
      %and3A_83 = arith.andi %ne3A_82, %ne3A_78 : i1
      %add3A_84 = arith.addi %rem3A_76, %select_n3A_75 : i32
      %select_n3A_85 = arith.select %and3A_83, %add3A_84, %rem3A_76 : i32
      %mul3A_86 = arith.constant 16 : i32
      %mul3A_87 = arith.muli %select_n3A_85, %mul3A_86 : i32
      %swap3A = arith.index_cast %select_n3A : i32 to index
      %swap3A_88 = arith.index_cast %mul3A_87 : i32 to index
      %swap3A_89 = tpu.vector_load %arg10[%swap3A, %swap3A_88] {strides = array<i32>} : memref<80x128xf32, #tpu.memory_space<vmem>>, vector<1x16xf32>,
      %swap3A_90 = vector.shape_cast %swap3A_89 : vector<1x16xf32> to vector<16xf32>
      %swap3A_91 = vector.shape_cast %broadcast_in_dim3A_55 : vector<16xf32> to vector<1x16xf32>
      tpu.vector_store %arg10[%swap3A, %swap3A_88], %swap3A_91 {strides = array<i32>} : memref<80x128xf32, #tpu.memory_space<vmem>>, vector<1x16xf32>,
      %scan3A_92 = arith.constant 0 : i32
      scf.yield %scan3A_92 : i32
    }
    %scan3A_8 = arith.constant 640 : i32
    %mul3A_9 = arith.constant 640 : i32
    %mul3A_10 = arith.muli %arg1, %mul3A_9 : i32
    %add3A_11 = arith.constant 0 : i32
    %add3A_12 = arith.addi %mul3A_10, %add3A_11 : i32
    "tpu.region"() ({
      %run_scoped3A = tpu.sem_alloc : memref<!tpu.dma_semaphore, #tpu.memory_space<semaphore_mem>>
      %dma_start3A = arith.constant 0 : i32
      %dma_start3A_53 = tpu.memref_slice %arg7[%add3A_12, %dma_start3A] : memref<10240x128xf32, #tpu.memory_space<vmem_shared>> -> memref<80x128xf32, #tpu.memory_space<vmem_shared>>
      %dma_start3A_54 = arith.constant 0 : i32
      %dma_start3A_55 = tpu.memref_slice %arg7[%add3A_12, %dma_start3A_54] : memref<10240x128xf32, #tpu.memory_space<vmem_shared>> -> memref<80x128xf32, #tpu.memory_space<vmem_shared>>
      tpu.enqueue_dma source(%arg10 : memref<80x128xf32, #tpu.memory_space<vmem>>) target(%dma_start3A_55 : memref<80x128xf32, #tpu.memory_space<vmem_shared>>) target_semaphore(%run_scoped3A : memref<!tpu.dma_semaphore, #tpu.memory_space<semaphore_mem>>)
      %dma_wait3A = arith.constant 0 : i32
      %dma_wait3A_56 = tpu.memref_slice %arg7[%add3A_12, %dma_wait3A] : memref<10240x128xf32, #tpu.memory_space<vmem_shared>> -> memref<80x128xf32, #tpu.memory_space<vmem_shared>>
      %dma_wait3A_57 = arith.constant 0 : i32
      %dma_wait3A_58 = tpu.memref_slice %arg7[%add3A_12, %dma_wait3A_57] : memref<10240x128xf32, #tpu.memory_space<vmem_shared>> -> memref<80x128xf32, #tpu.memory_space<vmem_shared>>
      tpu.wait_dma2 semaphore(%run_scoped3A : memref<!tpu.dma_semaphore, #tpu.memory_space<semaphore_mem>>) src(%arg10 : memref<80x128xf32, #tpu.memory_space<vmem>>) dst(%dma_wait3A_58 : memref<80x128xf32, #tpu.memory_space<vmem_shared>>)
      tpu.yield
    }) : () -> ()
    %mul3A_13 = arith.constant 640 : i32
    %mul3A_14 = arith.muli %arg1, %mul3A_13 : i32
    %add3A_15 = arith.constant 80 : i32
    %add3A_16 = arith.addi %mul3A_14, %add3A_15 : i32
    "tpu.region"() ({
      %run_scoped3A = tpu.sem_alloc : memref<!tpu.dma_semaphore, #tpu.memory_space<semaphore_mem>>
      %dma_start3A = arith.constant 0 : i32
      %dma_start3A_53 = tpu.memref_slice %arg7[%add3A_16, %dma_start3A] : memref<10240x128xf32, #tpu.memory_space<vmem_shared>> -> memref<80x128xf32, #tpu.memory_space<vmem_shared>>
      %dma_start3A_54 = arith.constant 0 : i32
      %dma_start3A_55 = tpu.memref_slice %arg7[%add3A_16, %dma_start3A_54] : memref<10240x128xf32, #tpu.memory_space<vmem_shared>> -> memref<80x128xf32, #tpu.memory_space<vmem_shared>>
      tpu.enqueue_dma source(%arg10 : memref<80x128xf32, #tpu.memory_space<vmem>>) target(%dma_start3A_55 : memref<80x128xf32, #tpu.memory_space<vmem_shared>>) target_semaphore(%run_scoped3A : memref<!tpu.dma_semaphore, #tpu.memory_space<semaphore_mem>>)
      %dma_wait3A = arith.constant 0 : i32
      %dma_wait3A_56 = tpu.memref_slice %arg7[%add3A_16, %dma_wait3A] : memref<10240x128xf32, #tpu.memory_space<vmem_shared>> -> memref<80x128xf32, #tpu.memory_space<vmem_shared>>
      %dma_wait3A_57 = arith.constant 0 : i32
      %dma_wait3A_58 = tpu.memref_slice %arg7[%add3A_16, %dma_wait3A_57] : memref<10240x128xf32, #tpu.memory_space<vmem_shared>> -> memref<80x128xf32, #tpu.memory_space<vmem_shared>>
      tpu.wait_dma2 semaphore(%run_scoped3A : memref<!tpu.dma_semaphore, #tpu.memory_space<semaphore_mem>>) src(%arg10 : memref<80x128xf32, #tpu.memory_space<vmem>>) dst(%dma_wait3A_58 : memref<80x128xf32, #tpu.memory_space<vmem_shared>>)
      tpu.yield
    }) : () -> ()
    %mul3A_17 = arith.constant 640 : i32
    %mul3A_18 = arith.muli %arg1, %mul3A_17 : i32
    %add3A_19 = arith.constant 160 : i32
    %add3A_20 = arith.addi %mul3A_18, %add3A_19 : i32
    "tpu.region"() ({
      %run_scoped3A = tpu.sem_alloc : memref<!tpu.dma_semaphore, #tpu.memory_space<semaphore_mem>>
      %dma_start3A = arith.constant 0 : i32
      %dma_start3A_53 = tpu.memref_slice %arg7[%add3A_20, %dma_start3A] : memref<10240x128xf32, #tpu.memory_space<vmem_shared>> -> memref<80x128xf32, #tpu.memory_space<vmem_shared>>
      %dma_start3A_54 = arith.constant 0 : i32
      %dma_start3A_55 = tpu.memref_slice %arg7[%add3A_20, %dma_start3A_54] : memref<10240x128xf32, #tpu.memory_space<vmem_shared>> -> memref<80x128xf32, #tpu.memory_space<vmem_shared>>
      tpu.enqueue_dma source(%arg10 : memref<80x128xf32, #tpu.memory_space<vmem>>) target(%dma_start3A_55 : memref<80x128xf32, #tpu.memory_space<vmem_shared>>) target_semaphore(%run_scoped3A : memref<!tpu.dma_semaphore, #tpu.memory_space<semaphore_mem>>)
      %dma_wait3A = arith.constant 0 : i32
      %dma_wait3A_56 = tpu.memref_slice %arg7[%add3A_20, %dma_wait3A] : memref<10240x128xf32, #tpu.memory_space<vmem_shared>> -> memref<80x128xf32, #tpu.memory_space<vmem_shared>>
      %dma_wait3A_57 = arith.constant 0 : i32
      %dma_wait3A_58 = tpu.memref_slice %arg7[%add3A_20, %dma_wait3A_57] : memref<10240x128xf32, #tpu.memory_space<vmem_shared>> -> memref<80x128xf32, #tpu.memory_space<vmem_shared>>
      tpu.wait_dma2 semaphore(%run_scoped3A : memref<!tpu.dma_semaphore, #tpu.memory_space<semaphore_mem>>) src(%arg10 : memref<80x128xf32, #tpu.memory_space<vmem>>) dst(%dma_wait3A_58 : memref<80x128xf32, #tpu.memory_space<vmem_shared>>)
      tpu.yield
    }) : () -> ()
    %mul3A_21 = arith.constant 640 : i32
    %mul3A_22 = arith.muli %arg1, %mul3A_21 : i32
    %add3A_23 = arith.constant 240 : i32
    %add3A_24 = arith.addi %mul3A_22, %add3A_23 : i32
    "tpu.region"() ({
      %run_scoped3A = tpu.sem_alloc : memref<!tpu.dma_semaphore, #tpu.memory_space<semaphore_mem>>
      %dma_start3A = arith.constant 0 : i32
      %dma_start3A_53 = tpu.memref_slice %arg7[%add3A_24, %dma_start3A] : memref<10240x128xf32, #tpu.memory_space<vmem_shared>> -> memref<80x128xf32, #tpu.memory_space<vmem_shared>>
      %dma_start3A_54 = arith.constant 0 : i32
      %dma_start3A_55 = tpu.memref_slice %arg7[%add3A_24, %dma_start3A_54] : memref<10240x128xf32, #tpu.memory_space<vmem_shared>> -> memref<80x128xf32, #tpu.memory_space<vmem_shared>>
      tpu.enqueue_dma source(%arg10 : memref<80x128xf32, #tpu.memory_space<vmem>>) target(%dma_start3A_55 : memref<80x128xf32, #tpu.memory_space<vmem_shared>>) target_semaphore(%run_scoped3A : memref<!tpu.dma_semaphore, #tpu.memory_space<semaphore_mem>>)
      %dma_wait3A = arith.constant 0 : i32
      %dma_wait3A_56 = tpu.memref_slice %arg7[%add3A_24, %dma_wait3A] : memref<10240x128xf32, #tpu.memory_space<vmem_shared>> -> memref<80x128xf32, #tpu.memory_space<vmem_shared>>
      %dma_wait3A_57 = arith.constant 0 : i32
      %dma_wait3A_58 = tpu.memref_slice %arg7[%add3A_24, %dma_wait3A_57] : memref<10240x128xf32, #tpu.memory_space<vmem_shared>> -> memref<80x128xf32, #tpu.memory_space<vmem_shared>>
      tpu.wait_dma2 semaphore(%run_scoped3A : memref<!tpu.dma_semaphore, #tpu.memory_space<semaphore_mem>>) src(%arg10 : memref<80x128xf32, #tpu.memory_space<vmem>>) dst(%dma_wait3A_58 : memref<80x128xf32, #tpu.memory_space<vmem_shared>>)
      tpu.yield
    }) : () -> ()
    %mul3A_25 = arith.constant 640 : i32
    %mul3A_26 = arith.muli %arg1, %mul3A_25 : i32
    %add3A_27 = arith.constant 320 : i32
    %add3A_28 = arith.addi %mul3A_26, %add3A_27 : i32
    "tpu.region"() ({
      %run_scoped3A = tpu.sem_alloc : memref<!tpu.dma_semaphore, #tpu.memory_space<semaphore_mem>>
      %dma_start3A = arith.constant 0 : i32
      %dma_start3A_53 = tpu.memref_slice %arg7[%add3A_28, %dma_start3A] : memref<10240x128xf32, #tpu.memory_space<vmem_shared>> -> memref<80x128xf32, #tpu.memory_space<vmem_shared>>
      %dma_start3A_54 = arith.constant 0 : i32
      %dma_start3A_55 = tpu.memref_slice %arg7[%add3A_28, %dma_start3A_54] : memref<10240x128xf32, #tpu.memory_space<vmem_shared>> -> memref<80x128xf32, #tpu.memory_space<vmem_shared>>
      tpu.enqueue_dma source(%arg10 : memref<80x128xf32, #tpu.memory_space<vmem>>) target(%dma_start3A_55 : memref<80x128xf32, #tpu.memory_space<vmem_shared>>) target_semaphore(%run_scoped3A : memref<!tpu.dma_semaphore, #tpu.memory_space<semaphore_mem>>)
      %dma_wait3A = arith.constant 0 : i32
      %dma_wait3A_56 = tpu.memref_slice %arg7[%add3A_28, %dma_wait3A] : memref<10240x128xf32, #tpu.memory_space<vmem_shared>> -> memref<80x128xf32, #tpu.memory_space<vmem_shared>>
      %dma_wait3A_57 = arith.constant 0 : i32
      %dma_wait3A_58 = tpu.memref_slice %arg7[%add3A_28, %dma_wait3A_57] : memref<10240x128xf32, #tpu.memory_space<vmem_shared>> -> memref<80x128xf32, #tpu.memory_space<vmem_shared>>
      tpu.wait_dma2 semaphore(%run_scoped3A : memref<!tpu.dma_semaphore, #tpu.memory_space<semaphore_mem>>) src(%arg10 : memref<80x128xf32, #tpu.memory_space<vmem>>) dst(%dma_wait3A_58 : memref<80x128xf32, #tpu.memory_space<vmem_shared>>)
      tpu.yield
    }) : () -> ()
    %mul3A_29 = arith.constant 640 : i32
    %mul3A_30 = arith.muli %arg1, %mul3A_29 : i32
    %add3A_31 = arith.constant 400 : i32
    %add3A_32 = arith.addi %mul3A_30, %add3A_31 : i32
    "tpu.region"() ({
      %run_scoped3A = tpu.sem_alloc : memref<!tpu.dma_semaphore, #tpu.memory_space<semaphore_mem>>
      %dma_start3A = arith.constant 0 : i32
      %dma_start3A_53 = tpu.memref_slice %arg7[%add3A_32, %dma_start3A] : memref<10240x128xf32, #tpu.memory_space<vmem_shared>> -> memref<80x128xf32, #tpu.memory_space<vmem_shared>>
      %dma_start3A_54 = arith.constant 0 : i32
      %dma_start3A_55 = tpu.memref_slice %arg7[%add3A_32, %dma_start3A_54] : memref<10240x128xf32, #tpu.memory_space<vmem_shared>> -> memref<80x128xf32, #tpu.memory_space<vmem_shared>>
      tpu.enqueue_dma source(%arg10 : memref<80x128xf32, #tpu.memory_space<vmem>>) target(%dma_start3A_55 : memref<80x128xf32, #tpu.memory_space<vmem_shared>>) target_semaphore(%run_scoped3A : memref<!tpu.dma_semaphore, #tpu.memory_space<semaphore_mem>>)
      %dma_wait3A = arith.constant 0 : i32
      %dma_wait3A_56 = tpu.memref_slice %arg7[%add3A_32, %dma_wait3A] : memref<10240x128xf32, #tpu.memory_space<vmem_shared>> -> memref<80x128xf32, #tpu.memory_space<vmem_shared>>
      %dma_wait3A_57 = arith.constant 0 : i32
      %dma_wait3A_58 = tpu.memref_slice %arg7[%add3A_32, %dma_wait3A_57] : memref<10240x128xf32, #tpu.memory_space<vmem_shared>> -> memref<80x128xf32, #tpu.memory_space<vmem_shared>>
      tpu.wait_dma2 semaphore(%run_scoped3A : memref<!tpu.dma_semaphore, #tpu.memory_space<semaphore_mem>>) src(%arg10 : memref<80x128xf32, #tpu.memory_space<vmem>>) dst(%dma_wait3A_58 : memref<80x128xf32, #tpu.memory_space<vmem_shared>>)
      tpu.yield
    }) : () -> ()
    %mul3A_33 = arith.constant 640 : i32
    %mul3A_34 = arith.muli %arg1, %mul3A_33 : i32
    %add3A_35 = arith.constant 480 : i32
    %add3A_36 = arith.addi %mul3A_34, %add3A_35 : i32
    "tpu.region"() ({
      %run_scoped3A = tpu.sem_alloc : memref<!tpu.dma_semaphore, #tpu.memory_space<semaphore_mem>>
      %dma_start3A = arith.constant 0 : i32
      %dma_start3A_53 = tpu.memref_slice %arg7[%add3A_36, %dma_start3A] : memref<10240x128xf32, #tpu.memory_space<vmem_shared>> -> memref<80x128xf32, #tpu.memory_space<vmem_shared>>
      %dma_start3A_54 = arith.constant 0 : i32
      %dma_start3A_55 = tpu.memref_slice %arg7[%add3A_36, %dma_start3A_54] : memref<10240x128xf32, #tpu.memory_space<vmem_shared>> -> memref<80x128xf32, #tpu.memory_space<vmem_shared>>
      tpu.enqueue_dma source(%arg10 : memref<80x128xf32, #tpu.memory_space<vmem>>) target(%dma_start3A_55 : memref<80x128xf32, #tpu.memory_space<vmem_shared>>) target_semaphore(%run_scoped3A : memref<!tpu.dma_semaphore, #tpu.memory_space<semaphore_mem>>)
      %dma_wait3A = arith.constant 0 : i32
      %dma_wait3A_56 = tpu.memref_slice %arg7[%add3A_36, %dma_wait3A] : memref<10240x128xf32, #tpu.memory_space<vmem_shared>> -> memref<80x128xf32, #tpu.memory_space<vmem_shared>>
      %dma_wait3A_57 = arith.constant 0 : i32
      %dma_wait3A_58 = tpu.memref_slice %arg7[%add3A_36, %dma_wait3A_57] : memref<10240x128xf32, #tpu.memory_space<vmem_shared>> -> memref<80x128xf32, #tpu.memory_space<vmem_shared>>
      tpu.wait_dma2 semaphore(%run_scoped3A : memref<!tpu.dma_semaphore, #tpu.memory_space<semaphore_mem>>) src(%arg10 : memref<80x128xf32, #tpu.memory_space<vmem>>) dst(%dma_wait3A_58 : memref<80x128xf32, #tpu.memory_space<vmem_shared>>)
      tpu.yield
    }) : () -> ()
    %mul3A_37 = arith.constant 640 : i32
    %mul3A_38 = arith.muli %arg1, %mul3A_37 : i32
    %add3A_39 = arith.constant 560 : i32
    %add3A_40 = arith.addi %mul3A_38, %add3A_39 : i32
    "tpu.region"() ({
      %run_scoped3A = tpu.sem_alloc : memref<!tpu.dma_semaphore, #tpu.memory_space<semaphore_mem>>
      %dma_start3A = arith.constant 0 : i32
      %dma_start3A_53 = tpu.memref_slice %arg7[%add3A_40, %dma_start3A] : memref<10240x128xf32, #tpu.memory_space<vmem_shared>> -> memref<80x128xf32, #tpu.memory_space<vmem_shared>>
      %dma_start3A_54 = arith.constant 0 : i32
      %dma_start3A_55 = tpu.memref_slice %arg7[%add3A_40, %dma_start3A_54] : memref<10240x128xf32, #tpu.memory_space<vmem_shared>> -> memref<80x128xf32, #tpu.memory_space<vmem_shared>>
      tpu.enqueue_dma source(%arg10 : memref<80x128xf32, #tpu.memory_space<vmem>>) target(%dma_start3A_55 : memref<80x128xf32, #tpu.memory_space<vmem_shared>>) target_semaphore(%run_scoped3A : memref<!tpu.dma_semaphore, #tpu.memory_space<semaphore_mem>>)
      %dma_wait3A = arith.constant 0 : i32
      %dma_wait3A_56 = tpu.memref_slice %arg7[%add3A_40, %dma_wait3A] : memref<10240x128xf32, #tpu.memory_space<vmem_shared>> -> memref<80x128xf32, #tpu.memory_space<vmem_shared>>
      %dma_wait3A_57 = arith.constant 0 : i32
      %dma_wait3A_58 = tpu.memref_slice %arg7[%add3A_40, %dma_wait3A_57] : memref<10240x128xf32, #tpu.memory_space<vmem_shared>> -> memref<80x128xf32, #tpu.memory_space<vmem_shared>>
      tpu.wait_dma2 semaphore(%run_scoped3A : memref<!tpu.dma_semaphore, #tpu.memory_space<semaphore_mem>>) src(%arg10 : memref<80x128xf32, #tpu.memory_space<vmem>>) dst(%dma_wait3A_58 : memref<80x128xf32, #tpu.memory_space<vmem_shared>>)
      tpu.yield
    }) : () -> ()
    %barrier3A = arith.constant 0 : index
    tpu.barrier barrier_id(%barrier3A)
    %scan3A_41 = arith.constant 0 : i32
    %scan3A_42 = arith.constant 0 : i32
    %scan3A_43 = arith.constant 5 : i32
    %scan3A_44 = arith.addi %scan3A_42, %scan3A_43 : i32
    %scan3A_45 = arith.constant 1 : i32
    %scan3A_46 = scf.for %scan3A_53 = %scan3A_42 to %scan3A_44 step %scan3A_45 iter_args(%scan3A_54 = %scan3A_41) -> (i32)  : i32 {
      "tpu.region"() ({
        %run_scoped3A_87 = tpu.sem_alloc : memref<!tpu.dma_semaphore, #tpu.memory_space<semaphore_mem>>
        %dma_start3A_88 = arith.constant 0 : i32
        %dma_start3A_89 = arith.constant 0 : i32
        %dma_start3A_90 = tpu.memref_slice %arg4[%add3A, %scan3A_53, %dma_start3A_88, %dma_start3A_89] : memref<32x5x25x80xi32, #tpu.memory_space<hbm>> -> memref<1x1x25x80xi32, #tpu.memory_space<hbm>>
        %dma_start3A_91 = tpu.memref_squeeze %dma_start3A_90 : memref<1x1x25x80xi32, #tpu.memory_space<hbm>> -> memref<25x80xi32, #tpu.memory_space<hbm>>
        %dma_start3A_92 = arith.constant 0 : i32
        %dma_start3A_93 = arith.constant 0 : i32
        %dma_start3A_94 = tpu.memref_slice %arg4[%add3A, %scan3A_53, %dma_start3A_92, %dma_start3A_93] : memref<32x5x25x80xi32, #tpu.memory_space<hbm>> -> memref<1x1x25x80xi32, #tpu.memory_space<hbm>>
        %dma_start3A_95 = tpu.memref_squeeze %dma_start3A_94 : memref<1x1x25x80xi32, #tpu.memory_space<hbm>> -> memref<25x80xi32, #tpu.memory_space<hbm>>
        tpu.enqueue_dma source(%dma_start3A_95 : memref<25x80xi32, #tpu.memory_space<hbm>>) target(%arg8 : memref<25x80xi32, #tpu.memory_space<vmem>>) target_semaphore(%run_scoped3A_87 : memref<!tpu.dma_semaphore, #tpu.memory_space<semaphore_mem>>)
        %dma_wait3A = arith.constant 0 : i32
        %dma_wait3A_96 = arith.constant 0 : i32
        %dma_wait3A_97 = tpu.memref_slice %arg4[%add3A, %scan3A_53, %dma_wait3A, %dma_wait3A_96] : memref<32x5x25x80xi32, #tpu.memory_space<hbm>> -> memref<1x1x25x80xi32, #tpu.memory_space<hbm>>
        %dma_wait3A_98 = tpu.memref_squeeze %dma_wait3A_97 : memref<1x1x25x80xi32, #tpu.memory_space<hbm>> -> memref<25x80xi32, #tpu.memory_space<hbm>>
        %dma_wait3A_99 = arith.constant 0 : i32
        %dma_wait3A_100 = arith.constant 0 : i32
        %dma_wait3A_101 = tpu.memref_slice %arg4[%add3A, %scan3A_53, %dma_wait3A_99, %dma_wait3A_100] : memref<32x5x25x80xi32, #tpu.memory_space<hbm>> -> memref<1x1x25x80xi32, #tpu.memory_space<hbm>>
        %dma_wait3A_102 = tpu.memref_squeeze %dma_wait3A_101 : memref<1x1x25x80xi32, #tpu.memory_space<hbm>> -> memref<25x80xi32, #tpu.memory_space<hbm>>
        tpu.wait_dma2 semaphore(%run_scoped3A_87 : memref<!tpu.dma_semaphore, #tpu.memory_space<semaphore_mem>>) src(%dma_wait3A_102 : memref<25x80xi32, #tpu.memory_space<hbm>>) dst(%arg8 : memref<25x80xi32, #tpu.memory_space<vmem>>)
        tpu.yield
      }) : () -> ()
      "tpu.region"() ({
        %run_scoped3A_87 = tpu.sem_alloc : memref<!tpu.dma_semaphore, #tpu.memory_space<semaphore_mem>>
        %dma_start3A_88 = arith.constant 0 : i32
        %dma_start3A_89 = arith.constant 0 : i32
        %dma_start3A_90 = tpu.memref_slice %arg5[%add3A, %scan3A_53, %dma_start3A_88, %dma_start3A_89] : memref<32x5x25x80xi32, #tpu.memory_space<hbm>> -> memref<1x1x25x80xi32, #tpu.memory_space<hbm>>
        %dma_start3A_91 = tpu.memref_squeeze %dma_start3A_90 : memref<1x1x25x80xi32, #tpu.memory_space<hbm>> -> memref<25x80xi32, #tpu.memory_space<hbm>>
        %dma_start3A_92 = arith.constant 0 : i32
        %dma_start3A_93 = arith.constant 0 : i32
        %dma_start3A_94 = tpu.memref_slice %arg5[%add3A, %scan3A_53, %dma_start3A_92, %dma_start3A_93] : memref<32x5x25x80xi32, #tpu.memory_space<hbm>> -> memref<1x1x25x80xi32, #tpu.memory_space<hbm>>
        %dma_start3A_95 = tpu.memref_squeeze %dma_start3A_94 : memref<1x1x25x80xi32, #tpu.memory_space<hbm>> -> memref<25x80xi32, #tpu.memory_space<hbm>>
        tpu.enqueue_dma source(%dma_start3A_95 : memref<25x80xi32, #tpu.memory_space<hbm>>) target(%arg9 : memref<25x80xi32, #tpu.memory_space<vmem>>) target_semaphore(%run_scoped3A_87 : memref<!tpu.dma_semaphore, #tpu.memory_space<semaphore_mem>>)
        %dma_wait3A = arith.constant 0 : i32
        %dma_wait3A_96 = arith.constant 0 : i32
        %dma_wait3A_97 = tpu.memref_slice %arg5[%add3A, %scan3A_53, %dma_wait3A, %dma_wait3A_96] : memref<32x5x25x80xi32, #tpu.memory_space<hbm>> -> memref<1x1x25x80xi32, #tpu.memory_space<hbm>>
        %dma_wait3A_98 = tpu.memref_squeeze %dma_wait3A_97 : memref<1x1x25x80xi32, #tpu.memory_space<hbm>> -> memref<25x80xi32, #tpu.memory_space<hbm>>
        %dma_wait3A_99 = arith.constant 0 : i32
        %dma_wait3A_100 = arith.constant 0 : i32
        %dma_wait3A_101 = tpu.memref_slice %arg5[%add3A, %scan3A_53, %dma_wait3A_99, %dma_wait3A_100] : memref<32x5x25x80xi32, #tpu.memory_space<hbm>> -> memref<1x1x25x80xi32, #tpu.memory_space<hbm>>
        %dma_wait3A_102 = tpu.memref_squeeze %dma_wait3A_101 : memref<1x1x25x80xi32, #tpu.memory_space<hbm>> -> memref<25x80xi32, #tpu.memory_space<hbm>>
        tpu.wait_dma2 semaphore(%run_scoped3A_87 : memref<!tpu.dma_semaphore, #tpu.memory_space<semaphore_mem>>) src(%dma_wait3A_102 : memref<25x80xi32, #tpu.memory_space<hbm>>) dst(%arg9 : memref<25x80xi32, #tpu.memory_space<vmem>>)
        tpu.yield
      }) : () -> ()
      %run_scoped3A = arith.constant 0 : i32
      "tpu.region"() ({
        %run_scoped3A_87 = tpu.sem_alloc : memref<!tpu.dma_semaphore, #tpu.memory_space<semaphore_mem>>
        %dma_start3A_88 = arith.constant 0 : i32
        %dma_start3A_89 = tpu.memref_slice %arg8[%run_scoped3A, %dma_start3A_88] : memref<25x80xi32, #tpu.memory_space<vmem>> -> memref<1x80xi32, #tpu.memory_space<vmem>>
        %dma_start3A_90 = tpu.memref_squeeze %dma_start3A_89 : memref<1x80xi32, #tpu.memory_space<vmem>> -> memref<80xi32, #tpu.memory_space<vmem>>
        %dma_start3A_91 = arith.constant 0 : i32
        %dma_start3A_92 = arith.constant 0 : i32
        %dma_start3A_93 = tpu.memref_slice %arg2[%dma_start3A_91, %dma_start3A_92] : memref<10000x128xf32, #tpu.memory_space<hbm>> -> memref<10000x128xf32, #tpu.memory_space<hbm>>
        tpu.enqueue_indirect_dma source(%dma_start3A_93 : memref<10000x128xf32, #tpu.memory_space<hbm>>) target(%arg10 : memref<80x128xf32, #tpu.memory_space<vmem>>) offsets(%dma_start3A_90 : memref<80xi32, #tpu.memory_space<vmem>>) semaphore(%run_scoped3A_87 : memref<!tpu.dma_semaphore, #tpu.memory_space<semaphore_mem>>)
        %dma_wait3A = arith.constant 0 : i32
        %dma_wait3A_94 = tpu.memref_slice %arg8[%run_scoped3A, %dma_wait3A] : memref<25x80xi32, #tpu.memory_space<vmem>> -> memref<1x80xi32, #tpu.memory_space<vmem>>
        %dma_wait3A_95 = tpu.memref_squeeze %dma_wait3A_94 : memref<1x80xi32, #tpu.memory_space<vmem>> -> memref<80xi32, #tpu.memory_space<vmem>>
        %dma_wait3A_96 = arith.constant 0 : i32
        %dma_wait3A_97 = arith.constant 0 : i32
        %dma_wait3A_98 = tpu.memref_slice %arg2[%dma_wait3A_96, %dma_wait3A_97] : memref<10000x128xf32, #tpu.memory_space<hbm>> -> memref<10000x128xf32, #tpu.memory_space<hbm>>
        tpu.wait_indirect_dma semaphore(%run_scoped3A_87 : memref<!tpu.dma_semaphore, #tpu.memory_space<semaphore_mem>>) src(%dma_wait3A_98 : memref<10000x128xf32, #tpu.memory_space<hbm>>) dst(%arg10 : memref<80x128xf32, #tpu.memory_space<vmem>>)
        tpu.yield
      }) : () -> ()
      %mul3A_55 = arith.constant 25 : i32
      %mul3A_56 = arith.muli %scan3A_53, %mul3A_55 : i32
      %mul3A_57 = arith.constant 80 : i32
      %mul3A_58 = arith.muli %mul3A_56, %mul3A_57 : i32
      %add3A_59 = arith.addi %mul3A_2, %mul3A_58 : i32
      "tpu.region"() ({
        %run_scoped3A_87 = tpu.sem_alloc : memref<!tpu.dma_semaphore, #tpu.memory_space<semaphore_mem>>
        %dma_start3A_88 = arith.constant 0 : i32
        %dma_start3A_89 = tpu.memref_slice %arg3[%add3A_59, %dma_start3A_88] : memref<320000x128xf32, #tpu.memory_space<hbm>> -> memref<80x128xf32, #tpu.memory_space<hbm>>
        %dma_start3A_90 = arith.constant 0 : i32
        %dma_start3A_91 = tpu.memref_slice %arg3[%add3A_59, %dma_start3A_90] : memref<320000x128xf32, #tpu.memory_space<hbm>> -> memref<80x128xf32, #tpu.memory_space<hbm>>
        tpu.enqueue_dma source(%dma_start3A_91 : memref<80x128xf32, #tpu.memory_space<hbm>>) target(%arg12 : memref<80x128xf32, #tpu.memory_space<vmem>>) target_semaphore(%run_scoped3A_87 : memref<!tpu.dma_semaphore, #tpu.memory_space<semaphore_mem>>)
        %dma_wait3A = arith.constant 0 : i32
        %dma_wait3A_92 = tpu.memref_slice %arg3[%add3A_59, %dma_wait3A] : memref<320000x128xf32, #tpu.memory_space<hbm>> -> memref<80x128xf32, #tpu.memory_space<hbm>>
        %dma_wait3A_93 = arith.constant 0 : i32
        %dma_wait3A_94 = tpu.memref_slice %arg3[%add3A_59, %dma_wait3A_93] : memref<320000x128xf32, #tpu.memory_space<hbm>> -> memref<80x128xf32, #tpu.memory_space<hbm>>
        tpu.wait_dma2 semaphore(%run_scoped3A_87 : memref<!tpu.dma_semaphore, #tpu.memory_space<semaphore_mem>>) src(%dma_wait3A_94 : memref<80x128xf32, #tpu.memory_space<hbm>>) dst(%arg12 : memref<80x128xf32, #tpu.memory_space<vmem>>)
        tpu.yield
      }) : () -> ()
      %run_scoped3A_60 = arith.constant 0 : i32
      "tpu.region"() ({
        %run_scoped3A_87 = tpu.sem_alloc : memref<!tpu.dma_semaphore, #tpu.memory_space<semaphore_mem>>
        %dma_start3A_88 = arith.constant 0 : i32
        %dma_start3A_89 = tpu.memref_slice %arg9[%run_scoped3A_60, %dma_start3A_88] : memref<25x80xi32, #tpu.memory_space<vmem>> -> memref<1x80xi32, #tpu.memory_space<vmem>>
        %dma_start3A_90 = tpu.memref_squeeze %dma_start3A_89 : memref<1x80xi32, #tpu.memory_space<vmem>> -> memref<80xi32, #tpu.memory_space<vmem>>
        %dma_start3A_91 = arith.constant 0 : i32
        %dma_start3A_92 = arith.constant 0 : i32
        %dma_start3A_93 = tpu.memref_slice %arg7[%dma_start3A_91, %dma_start3A_92] : memref<10240x128xf32, #tpu.memory_space<vmem_shared>> -> memref<10240x128xf32, #tpu.memory_space<vmem_shared>>
        tpu.enqueue_indirect_dma source(%arg10 : memref<80x128xf32, #tpu.memory_space<vmem>>) target(%dma_start3A_93 : memref<10240x128xf32, #tpu.memory_space<vmem_shared>>) offsets(%dma_start3A_90 : memref<80xi32, #tpu.memory_space<vmem>>) semaphore(%run_scoped3A_87 : memref<!tpu.dma_semaphore, #tpu.memory_space<semaphore_mem>>) {add = true}
        %dma_wait3A = arith.constant 0 : i32
        %dma_wait3A_94 = tpu.memref_slice %arg9[%run_scoped3A_60, %dma_wait3A] : memref<25x80xi32, #tpu.memory_space<vmem>> -> memref<1x80xi32, #tpu.memory_space<vmem>>
        %dma_wait3A_95 = tpu.memref_squeeze %dma_wait3A_94 : memref<1x80xi32, #tpu.memory_space<vmem>> -> memref<80xi32, #tpu.memory_space<vmem>>
        %dma_wait3A_96 = arith.constant 0 : i32
        %dma_wait3A_97 = arith.constant 0 : i32
        %dma_wait3A_98 = tpu.memref_slice %arg7[%dma_wait3A_96, %dma_wait3A_97] : memref<10240x128xf32, #tpu.memory_space<vmem_shared>> -> memref<10240x128xf32, #tpu.memory_space<vmem_shared>>
        tpu.wait_indirect_dma semaphore(%run_scoped3A_87 : memref<!tpu.dma_semaphore, #tpu.memory_space<semaphore_mem>>) src(%arg10 : memref<80x128xf32, #tpu.memory_space<vmem>>) dst(%dma_wait3A_98 : memref<10240x128xf32, #tpu.memory_space<vmem_shared>>)
        tpu.yield
      }) : () -> ()
      %run_scoped3A_61 = arith.constant 0 : i32
      "tpu.region"() ({
        %run_scoped3A_87 = tpu.sem_alloc : memref<!tpu.dma_semaphore, #tpu.memory_space<semaphore_mem>>
        %dma_start3A_88 = arith.constant 0 : i32
        %dma_start3A_89 = tpu.memref_slice %arg9[%run_scoped3A_61, %dma_start3A_88] : memref<25x80xi32, #tpu.memory_space<vmem>> -> memref<1x80xi32, #tpu.memory_space<vmem>>
        %dma_start3A_90 = tpu.memref_squeeze %dma_start3A_89 : memref<1x80xi32, #tpu.memory_space<vmem>> -> memref<80xi32, #tpu.memory_space<vmem>>
        %dma_start3A_91 = arith.constant 0 : i32
        %dma_start3A_92 = arith.constant 0 : i32
        %dma_start3A_93 = tpu.memref_slice %arg7[%dma_start3A_91, %dma_start3A_92] : memref<10240x128xf32, #tpu.memory_space<vmem_shared>> -> memref<10240x128xf32, #tpu.memory_space<vmem_shared>>
        tpu.enqueue_indirect_dma source(%arg12 : memref<80x128xf32, #tpu.memory_space<vmem>>) target(%dma_start3A_93 : memref<10240x128xf32, #tpu.memory_space<vmem_shared>>) offsets(%dma_start3A_90 : memref<80xi32, #tpu.memory_space<vmem>>) semaphore(%run_scoped3A_87 : memref<!tpu.dma_semaphore, #tpu.memory_space<semaphore_mem>>) {add = true}
        %dma_wait3A = arith.constant 0 : i32
        %dma_wait3A_94 = tpu.memref_slice %arg9[%run_scoped3A_61, %dma_wait3A] : memref<25x80xi32, #tpu.memory_space<vmem>> -> memref<1x80xi32, #tpu.memory_space<vmem>>
        %dma_wait3A_95 = tpu.memref_squeeze %dma_wait3A_94 : memref<1x80xi32, #tpu.memory_space<vmem>> -> memref<80xi32, #tpu.memory_space<vmem>>
        %dma_wait3A_96 = arith.constant 0 : i32
        %dma_wait3A_97 = arith.constant 0 : i32
        %dma_wait3A_98 = tpu.memref_slice %arg7[%dma_wait3A_96, %dma_wait3A_97] : memref<10240x128xf32, #tpu.memory_space<vmem_shared>> -> memref<10240x128xf32, #tpu.memory_space<vmem_shared>>
        tpu.wait_indirect_dma semaphore(%run_scoped3A_87 : memref<!tpu.dma_semaphore, #tpu.memory_space<semaphore_mem>>) src(%arg12 : memref<80x128xf32, #tpu.memory_space<vmem>>) dst(%dma_wait3A_98 : memref<10240x128xf32, #tpu.memory_space<vmem_shared>>)
        tpu.yield
      }) : () -> ()
      %dma_start3A = arith.constant 1 : i32
      %dma_start3A_62 = arith.constant 0 : i32
      %dma_start3A_63 = tpu.memref_slice %arg8[%dma_start3A, %dma_start3A_62] : memref<25x80xi32, #tpu.memory_space<vmem>> -> memref<1x80xi32, #tpu.memory_space<vmem>>
      %dma_start3A_64 = tpu.memref_squeeze %dma_start3A_63 : memref<1x80xi32, #tpu.memory_space<vmem>> -> memref<80xi32, #tpu.memory_space<vmem>>
      %dma_start3A_65 = arith.constant 0 : i32
      %dma_start3A_66 = arith.constant 0 : i32
      %dma_start3A_67 = tpu.memref_slice %arg2[%dma_start3A_65, %dma_start3A_66] : memref<10000x128xf32, #tpu.memory_space<hbm>> -> memref<10000x128xf32, #tpu.memory_space<hbm>>
      tpu.enqueue_indirect_dma source(%dma_start3A_67 : memref<10000x128xf32, #tpu.memory_space<hbm>>) target(%arg10 : memref<80x128xf32, #tpu.memory_space<vmem>>) offsets(%dma_start3A_64 : memref<80xi32, #tpu.memory_space<vmem>>) semaphore(%arg14 : memref<!tpu.dma_semaphore, #tpu.memory_space<semaphore_mem>>)
      %mul3A_68 = arith.constant 25 : i32
      %mul3A_69 = arith.muli %scan3A_53, %mul3A_68 : i32
      %add3A_70 = arith.constant 1 : i32
      %add3A_71 = arith.addi %mul3A_69, %add3A_70 : i32
      %mul3A_72 = arith.constant 80 : i32
      %mul3A_73 = arith.muli %add3A_71, %mul3A_72 : i32
      %add3A_74 = arith.addi %mul3A_2, %mul3A_73 : i32
      %dma_start3A_75 = arith.constant 0 : i32
      %dma_start3A_76 = tpu.memref_slice %arg3[%add3A_74, %dma_start3A_75] : memref<320000x128xf32, #tpu.memory_space<hbm>> -> memref<80x128xf32, #tpu.memory_space<hbm>>
      %dma_start3A_77 = arith.constant 0 : i32
      %dma_start3A_78 = tpu.memref_slice %arg3[%add3A_74, %dma_start3A_77] : memref<320000x128xf32, #tpu.memory_space<hbm>> -> memref<80x128xf32, #tpu.memory_space<hbm>>
      tpu.enqueue_dma source(%dma_start3A_78 : memref<80x128xf32, #tpu.memory_space<hbm>>) target(%arg12 : memref<80x128xf32, #tpu.memory_space<vmem>>) target_semaphore(%arg14 : memref<!tpu.dma_semaphore, #tpu.memory_space<semaphore_mem>>)
      %scan3A_79 = arith.constant 0 : i32
      %scan3A_80 = arith.constant 0 : i32
      %scan3A_81 = arith.constant 12 : i32
      %scan3A_82 = arith.addi %scan3A_80, %scan3A_81 : i32
      %scan3A_83 = arith.constant 1 : i32
      %scan3A_84 = scf.for %scan3A_87 = %scan3A_80 to %scan3A_82 step %scan3A_83 iter_args(%scan3A_88 = %scan3A_79) -> (i32)  : i32 {
        %mul3A_89 = arith.constant 2 : i32
        %mul3A_90 = arith.muli %mul3A_89, %scan3A_87 : i32
        %add3A_91 = arith.constant 1 : i32
        %add3A_92 = arith.addi %add3A_91, %mul3A_90 : i32
        %mul3A_93 = arith.constant 2 : i32
        %mul3A_94 = arith.muli %mul3A_93, %scan3A_87 : i32
        %add3A_95 = arith.constant 2 : i32
        %add3A_96 = arith.addi %add3A_95, %mul3A_94 : i32
        %dma_start3A_97 = arith.constant 0 : i32
        %dma_start3A_98 = tpu.memref_slice %arg8[%add3A_96, %dma_start3A_97] : memref<25x80xi32, #tpu.memory_space<vmem>> -> memref<1x80xi32, #tpu.memory_space<vmem>>
        %dma_start3A_99 = tpu.memref_squeeze %dma_start3A_98 : memref<1x80xi32, #tpu.memory_space<vmem>> -> memref<80xi32, #tpu.memory_space<vmem>>
        %dma_start3A_100 = arith.constant 0 : i32
        %dma_start3A_101 = arith.constant 0 : i32
        %dma_start3A_102 = tpu.memref_slice %arg2[%dma_start3A_100, %dma_start3A_101] : memref<10000x128xf32, #tpu.memory_space<hbm>> -> memref<10000x128xf32, #tpu.memory_space<hbm>>
        tpu.enqueue_indirect_dma source(%dma_start3A_102 : memref<10000x128xf32, #tpu.memory_space<hbm>>) target(%arg11 : memref<80x128xf32, #tpu.memory_space<vmem>>) offsets(%dma_start3A_99 : memref<80xi32, #tpu.memory_space<vmem>>) semaphore(%arg15 : memref<!tpu.dma_semaphore, #tpu.memory_space<semaphore_mem>>)
        %mul3A_103 = arith.constant 25 : i32
        %mul3A_104 = arith.muli %scan3A_53, %mul3A_103 : i32
        %add3A_105 = arith.addi %mul3A_104, %add3A_96 : i32
        %mul3A_106 = arith.constant 80 : i32
        %mul3A_107 = arith.muli %add3A_105, %mul3A_106 : i32
        %add3A_108 = arith.addi %mul3A_2, %mul3A_107 : i32
        %dma_start3A_109 = arith.constant 0 : i32
        %dma_start3A_110 = tpu.memref_slice %arg3[%add3A_108, %dma_start3A_109] : memref<320000x128xf32, #tpu.memory_space<hbm>> -> memref<80x128xf32, #tpu.memory_space<hbm>>
        %dma_start3A_111 = arith.constant 0 : i32
        %dma_start3A_112 = tpu.memref_slice %arg3[%add3A_108, %dma_start3A_111] : memref<320000x128xf32, #tpu.memory_space<hbm>> -> memref<80x128xf32, #tpu.memory_space<hbm>>
        tpu.enqueue_dma source(%dma_start3A_112 : memref<80x128xf32, #tpu.memory_space<hbm>>) target(%arg13 : memref<80x128xf32, #tpu.memory_space<vmem>>) target_semaphore(%arg15 : memref<!tpu.dma_semaphore, #tpu.memory_space<semaphore_mem>>)
        %dma_wait3A = arith.constant 0 : i32
        %dma_wait3A_113 = tpu.memref_slice %arg8[%add3A_92, %dma_wait3A] : memref<25x80xi32, #tpu.memory_space<vmem>> -> memref<1x80xi32, #tpu.memory_space<vmem>>
        %dma_wait3A_114 = tpu.memref_squeeze %dma_wait3A_113 : memref<1x80xi32, #tpu.memory_space<vmem>> -> memref<80xi32, #tpu.memory_space<vmem>>
        %dma_wait3A_115 = arith.constant 0 : i32
        %dma_wait3A_116 = arith.constant 0 : i32
        %dma_wait3A_117 = tpu.memref_slice %arg2[%dma_wait3A_115, %dma_wait3A_116] : memref<10000x128xf32, #tpu.memory_space<hbm>> -> memref<10000x128xf32, #tpu.memory_space<hbm>>
        tpu.wait_indirect_dma semaphore(%arg14 : memref<!tpu.dma_semaphore, #tpu.memory_space<semaphore_mem>>) src(%dma_wait3A_117 : memref<10000x128xf32, #tpu.memory_space<hbm>>) dst(%arg10 : memref<80x128xf32, #tpu.memory_space<vmem>>)
        %mul3A_118 = arith.constant 25 : i32
        %mul3A_119 = arith.muli %scan3A_53, %mul3A_118 : i32
        %add3A_120 = arith.addi %mul3A_119, %add3A_92 : i32
        %mul3A_121 = arith.constant 80 : i32
        %mul3A_122 = arith.muli %add3A_120, %mul3A_121 : i32
        %add3A_123 = arith.addi %mul3A_2, %mul3A_122 : i32
        %dma_wait3A_124 = arith.constant 0 : i32
        %dma_wait3A_125 = tpu.memref_slice %arg3[%add3A_123, %dma_wait3A_124] : memref<320000x128xf32, #tpu.memory_space<hbm>> -> memref<80x128xf32, #tpu.memory_space<hbm>>
        %dma_wait3A_126 = arith.constant 0 : i32
        %dma_wait3A_127 = tpu.memref_slice %arg3[%add3A_123, %dma_wait3A_126] : memref<320000x128xf32, #tpu.memory_space<hbm>> -> memref<80x128xf32, #tpu.memory_space<hbm>>
        tpu.wait_dma2 semaphore(%arg14 : memref<!tpu.dma_semaphore, #tpu.memory_space<semaphore_mem>>) src(%dma_wait3A_127 : memref<80x128xf32, #tpu.memory_space<hbm>>) dst(%arg12 : memref<80x128xf32, #tpu.memory_space<vmem>>)
        %dma_start3A_128 = arith.constant 0 : i32
        %dma_start3A_129 = tpu.memref_slice %arg9[%add3A_92, %dma_start3A_128] : memref<25x80xi32, #tpu.memory_space<vmem>> -> memref<1x80xi32, #tpu.memory_space<vmem>>
        %dma_start3A_130 = tpu.memref_squeeze %dma_start3A_129 : memref<1x80xi32, #tpu.memory_space<vmem>> -> memref<80xi32, #tpu.memory_space<vmem>>
        %dma_start3A_131 = arith.constant 0 : i32
        %dma_start3A_132 = arith.constant 0 : i32
        %dma_start3A_133 = tpu.memref_slice %arg7[%dma_start3A_131, %dma_start3A_132] : memref<10240x128xf32, #tpu.memory_space<vmem_shared>> -> memref<10240x128xf32, #tpu.memory_space<vmem_shared>>
        tpu.enqueue_indirect_dma source(%arg10 : memref<80x128xf32, #tpu.memory_space<vmem>>) target(%dma_start3A_133 : memref<10240x128xf32, #tpu.memory_space<vmem_shared>>) offsets(%dma_start3A_130 : memref<80xi32, #tpu.memory_space<vmem>>) semaphore(%arg16 : memref<!tpu.dma_semaphore, #tpu.memory_space<semaphore_mem>>) {add = true}
        %dma_start3A_134 = arith.constant 0 : i32
        %dma_start3A_135 = tpu.memref_slice %arg9[%add3A_92, %dma_start3A_134] : memref<25x80xi32, #tpu.memory_space<vmem>> -> memref<1x80xi32, #tpu.memory_space<vmem>>
        %dma_start3A_136 = tpu.memref_squeeze %dma_start3A_135 : memref<1x80xi32, #tpu.memory_space<vmem>> -> memref<80xi32, #tpu.memory_space<vmem>>
        %dma_start3A_137 = arith.constant 0 : i32
        %dma_start3A_138 = arith.constant 0 : i32
        %dma_start3A_139 = tpu.memref_slice %arg7[%dma_start3A_137, %dma_start3A_138] : memref<10240x128xf32, #tpu.memory_space<vmem_shared>> -> memref<10240x128xf32, #tpu.memory_space<vmem_shared>>
        tpu.enqueue_indirect_dma source(%arg12 : memref<80x128xf32, #tpu.memory_space<vmem>>) target(%dma_start3A_139 : memref<10240x128xf32, #tpu.memory_space<vmem_shared>>) offsets(%dma_start3A_136 : memref<80xi32, #tpu.memory_space<vmem>>) semaphore(%arg16 : memref<!tpu.dma_semaphore, #tpu.memory_space<semaphore_mem>>) {add = true}
        %dma_wait3A_140 = arith.constant 0 : i32
        %dma_wait3A_141 = tpu.memref_slice %arg8[%add3A_96, %dma_wait3A_140] : memref<25x80xi32, #tpu.memory_space<vmem>> -> memref<1x80xi32, #tpu.memory_space<vmem>>
        %dma_wait3A_142 = tpu.memref_squeeze %dma_wait3A_141 : memref<1x80xi32, #tpu.memory_space<vmem>> -> memref<80xi32, #tpu.memory_space<vmem>>
        %dma_wait3A_143 = arith.constant 0 : i32
        %dma_wait3A_144 = arith.constant 0 : i32
        %dma_wait3A_145 = tpu.memref_slice %arg2[%dma_wait3A_143, %dma_wait3A_144] : memref<10000x128xf32, #tpu.memory_space<hbm>> -> memref<10000x128xf32, #tpu.memory_space<hbm>>
        tpu.wait_indirect_dma semaphore(%arg15 : memref<!tpu.dma_semaphore, #tpu.memory_space<semaphore_mem>>) src(%dma_wait3A_145 : memref<10000x128xf32, #tpu.memory_space<hbm>>) dst(%arg11 : memref<80x128xf32, #tpu.memory_space<vmem>>)
        %mul3A_146 = arith.constant 25 : i32
        %mul3A_147 = arith.muli %scan3A_53, %mul3A_146 : i32
        %add3A_148 = arith.addi %mul3A_147, %add3A_96 : i32
        %mul3A_149 = arith.constant 80 : i32
        %mul3A_150 = arith.muli %add3A_148, %mul3A_149 : i32
        %add3A_151 = arith.addi %mul3A_2, %mul3A_150 : i32
        %dma_wait3A_152 = arith.constant 0 : i32
        %dma_wait3A_153 = tpu.memref_slice %arg3[%add3A_151, %dma_wait3A_152] : memref<320000x128xf32, #tpu.memory_space<hbm>> -> memref<80x128xf32, #tpu.memory_space<hbm>>
        %dma_wait3A_154 = arith.constant 0 : i32
        %dma_wait3A_155 = tpu.memref_slice %arg3[%add3A_151, %dma_wait3A_154] : memref<320000x128xf32, #tpu.memory_space<hbm>> -> memref<80x128xf32, #tpu.memory_space<hbm>>
        tpu.wait_dma2 semaphore(%arg15 : memref<!tpu.dma_semaphore, #tpu.memory_space<semaphore_mem>>) src(%dma_wait3A_155 : memref<80x128xf32, #tpu.memory_space<hbm>>) dst(%arg13 : memref<80x128xf32, #tpu.memory_space<vmem>>)
        %dma_start3A_156 = arith.constant 0 : i32
        %dma_start3A_157 = tpu.memref_slice %arg9[%add3A_96, %dma_start3A_156] : memref<25x80xi32, #tpu.memory_space<vmem>> -> memref<1x80xi32, #tpu.memory_space<vmem>>
        %dma_start3A_158 = tpu.memref_squeeze %dma_start3A_157 : memref<1x80xi32, #tpu.memory_space<vmem>> -> memref<80xi32, #tpu.memory_space<vmem>>
        %dma_start3A_159 = arith.constant 0 : i32
        %dma_start3A_160 = arith.constant 0 : i32
        %dma_start3A_161 = tpu.memref_slice %arg7[%dma_start3A_159, %dma_start3A_160] : memref<10240x128xf32, #tpu.memory_space<vmem_shared>> -> memref<10240x128xf32, #tpu.memory_space<vmem_shared>>
        tpu.enqueue_indirect_dma source(%arg11 : memref<80x128xf32, #tpu.memory_space<vmem>>) target(%dma_start3A_161 : memref<10240x128xf32, #tpu.memory_space<vmem_shared>>) offsets(%dma_start3A_158 : memref<80xi32, #tpu.memory_space<vmem>>) semaphore(%arg17 : memref<!tpu.dma_semaphore, #tpu.memory_space<semaphore_mem>>) {add = true}
        %dma_start3A_162 = arith.constant 0 : i32
        %dma_start3A_163 = tpu.memref_slice %arg9[%add3A_96, %dma_start3A_162] : memref<25x80xi32, #tpu.memory_space<vmem>> -> memref<1x80xi32, #tpu.memory_space<vmem>>
        %dma_start3A_164 = tpu.memref_squeeze %dma_start3A_163 : memref<1x80xi32, #tpu.memory_space<vmem>> -> memref<80xi32, #tpu.memory_space<vmem>>
        %dma_start3A_165 = arith.constant 0 : i32
        %dma_start3A_166 = arith.constant 0 : i32
        %dma_start3A_167 = tpu.memref_slice %arg7[%dma_start3A_165, %dma_start3A_166] : memref<10240x128xf32, #tpu.memory_space<vmem_shared>> -> memref<10240x128xf32, #tpu.memory_space<vmem_shared>>
        tpu.enqueue_indirect_dma source(%arg13 : memref<80x128xf32, #tpu.memory_space<vmem>>) target(%dma_start3A_167 : memref<10240x128xf32, #tpu.memory_space<vmem_shared>>) offsets(%dma_start3A_164 : memref<80xi32, #tpu.memory_space<vmem>>) semaphore(%arg17 : memref<!tpu.dma_semaphore, #tpu.memory_space<semaphore_mem>>) {add = true}
        %dma_wait3A_168 = arith.constant 0 : i32
        %dma_wait3A_169 = tpu.memref_slice %arg9[%add3A_92, %dma_wait3A_168] : memref<25x80xi32, #tpu.memory_space<vmem>> -> memref<1x80xi32, #tpu.memory_space<vmem>>
        %dma_wait3A_170 = tpu.memref_squeeze %dma_wait3A_169 : memref<1x80xi32, #tpu.memory_space<vmem>> -> memref<80xi32, #tpu.memory_space<vmem>>
        %dma_wait3A_171 = arith.constant 0 : i32
        %dma_wait3A_172 = arith.constant 0 : i32
        %dma_wait3A_173 = tpu.memref_slice %arg7[%dma_wait3A_171, %dma_wait3A_172] : memref<10240x128xf32, #tpu.memory_space<vmem_shared>> -> memref<10240x128xf32, #tpu.memory_space<vmem_shared>>
        tpu.wait_indirect_dma semaphore(%arg16 : memref<!tpu.dma_semaphore, #tpu.memory_space<semaphore_mem>>) src(%arg10 : memref<80x128xf32, #tpu.memory_space<vmem>>) dst(%dma_wait3A_173 : memref<10240x128xf32, #tpu.memory_space<vmem_shared>>)
        %dma_wait3A_174 = arith.constant 0 : i32
        %dma_wait3A_175 = tpu.memref_slice %arg9[%add3A_92, %dma_wait3A_174] : memref<25x80xi32, #tpu.memory_space<vmem>> -> memref<1x80xi32, #tpu.memory_space<vmem>>
        %dma_wait3A_176 = tpu.memref_squeeze %dma_wait3A_175 : memref<1x80xi32, #tpu.memory_space<vmem>> -> memref<80xi32, #tpu.memory_space<vmem>>
        %dma_wait3A_177 = arith.constant 0 : i32
        %dma_wait3A_178 = arith.constant 0 : i32
        %dma_wait3A_179 = tpu.memref_slice %arg7[%dma_wait3A_177, %dma_wait3A_178] : memref<10240x128xf32, #tpu.memory_space<vmem_shared>> -> memref<10240x128xf32, #tpu.memory_space<vmem_shared>>
        tpu.wait_indirect_dma semaphore(%arg16 : memref<!tpu.dma_semaphore, #tpu.memory_space<semaphore_mem>>) src(%arg12 : memref<80x128xf32, #tpu.memory_space<vmem>>) dst(%dma_wait3A_179 : memref<10240x128xf32, #tpu.memory_space<vmem_shared>>)
        %lt3A = arith.constant 11 : i32
        %lt3A_180 = arith.cmpi slt, %scan3A_87, %lt3A : i32
        %convert_element_type3A = arith.extui %lt3A_180 : i1 to i32
        %cond3A = arith.constant 0 : i32
        %cond3A_181 = arith.cmpi ne, %convert_element_type3A, %cond3A : i32
        scf.if %cond3A_181 {
          %add3A_195 = arith.constant 2 : i32
          %add3A_196 = arith.addi %add3A_92, %add3A_195 : i32
          %dma_start3A_197 = arith.constant 0 : i32
          %dma_start3A_198 = tpu.memref_slice %arg8[%add3A_196, %dma_start3A_197] : memref<25x80xi32, #tpu.memory_space<vmem>> -> memref<1x80xi32, #tpu.memory_space<vmem>>
          %dma_start3A_199 = tpu.memref_squeeze %dma_start3A_198 : memref<1x80xi32, #tpu.memory_space<vmem>> -> memref<80xi32, #tpu.memory_space<vmem>>
          %dma_start3A_200 = arith.constant 0 : i32
          %dma_start3A_201 = arith.constant 0 : i32
          %dma_start3A_202 = tpu.memref_slice %arg2[%dma_start3A_200, %dma_start3A_201] : memref<10000x128xf32, #tpu.memory_space<hbm>> -> memref<10000x128xf32, #tpu.memory_space<hbm>>
          tpu.enqueue_indirect_dma source(%dma_start3A_202 : memref<10000x128xf32, #tpu.memory_space<hbm>>) target(%arg10 : memref<80x128xf32, #tpu.memory_space<vmem>>) offsets(%dma_start3A_199 : memref<80xi32, #tpu.memory_space<vmem>>) semaphore(%arg14 : memref<!tpu.dma_semaphore, #tpu.memory_space<semaphore_mem>>)
          %mul3A_203 = arith.constant 25 : i32
          %mul3A_204 = arith.muli %scan3A_53, %mul3A_203 : i32
          %add3A_205 = arith.addi %mul3A_204, %add3A_196 : i32
          %mul3A_206 = arith.constant 80 : i32
          %mul3A_207 = arith.muli %add3A_205, %mul3A_206 : i32
          %add3A_208 = arith.addi %mul3A_2, %mul3A_207 : i32
          %dma_start3A_209 = arith.constant 0 : i32
          %dma_start3A_210 = tpu.memref_slice %arg3[%add3A_208, %dma_start3A_209] : memref<320000x128xf32, #tpu.memory_space<hbm>> -> memref<80x128xf32, #tpu.memory_space<hbm>>
          %dma_start3A_211 = arith.constant 0 : i32
          %dma_start3A_212 = tpu.memref_slice %arg3[%add3A_208, %dma_start3A_211] : memref<320000x128xf32, #tpu.memory_space<hbm>> -> memref<80x128xf32, #tpu.memory_space<hbm>>
          tpu.enqueue_dma source(%dma_start3A_212 : memref<80x128xf32, #tpu.memory_space<hbm>>) target(%arg12 : memref<80x128xf32, #tpu.memory_space<vmem>>) target_semaphore(%arg14 : memref<!tpu.dma_semaphore, #tpu.memory_space<semaphore_mem>>)
        } else {
        }
        %dma_wait3A_182 = arith.constant 0 : i32
        %dma_wait3A_183 = tpu.memref_slice %arg9[%add3A_96, %dma_wait3A_182] : memref<25x80xi32, #tpu.memory_space<vmem>> -> memref<1x80xi32, #tpu.memory_space<vmem>>
        %dma_wait3A_184 = tpu.memref_squeeze %dma_wait3A_183 : memref<1x80xi32, #tpu.memory_space<vmem>> -> memref<80xi32, #tpu.memory_space<vmem>>
        %dma_wait3A_185 = arith.constant 0 : i32
        %dma_wait3A_186 = arith.constant 0 : i32
        %dma_wait3A_187 = tpu.memref_slice %arg7[%dma_wait3A_185, %dma_wait3A_186] : memref<10240x128xf32, #tpu.memory_space<vmem_shared>> -> memref<10240x128xf32, #tpu.memory_space<vmem_shared>>
        tpu.wait_indirect_dma semaphore(%arg17 : memref<!tpu.dma_semaphore, #tpu.memory_space<semaphore_mem>>) src(%arg11 : memref<80x128xf32, #tpu.memory_space<vmem>>) dst(%dma_wait3A_187 : memref<10240x128xf32, #tpu.memory_space<vmem_shared>>)
        %dma_wait3A_188 = arith.constant 0 : i32
        %dma_wait3A_189 = tpu.memref_slice %arg9[%add3A_96, %dma_wait3A_188] : memref<25x80xi32, #tpu.memory_space<vmem>> -> memref<1x80xi32, #tpu.memory_space<vmem>>
        %dma_wait3A_190 = tpu.memref_squeeze %dma_wait3A_189 : memref<1x80xi32, #tpu.memory_space<vmem>> -> memref<80xi32, #tpu.memory_space<vmem>>
        %dma_wait3A_191 = arith.constant 0 : i32
        %dma_wait3A_192 = arith.constant 0 : i32
        %dma_wait3A_193 = tpu.memref_slice %arg7[%dma_wait3A_191, %dma_wait3A_192] : memref<10240x128xf32, #tpu.memory_space<vmem_shared>> -> memref<10240x128xf32, #tpu.memory_space<vmem_shared>>
        tpu.wait_indirect_dma semaphore(%arg17 : memref<!tpu.dma_semaphore, #tpu.memory_space<semaphore_mem>>) src(%arg13 : memref<80x128xf32, #tpu.memory_space<vmem>>) dst(%dma_wait3A_193 : memref<10240x128xf32, #tpu.memory_space<vmem_shared>>)
        %scan3A_194 = arith.constant 0 : i32
        scf.yield %scan3A_194 : i32
      }
      %scan3A_85 = arith.constant 12 : i32
      %scan3A_86 = arith.constant 0 : i32
      scf.yield %scan3A_86 : i32
    }
    %scan3A_47 = arith.constant 5 : i32
    %barrier3A_48 = arith.constant 0 : index
    tpu.barrier barrier_id(%barrier3A_48)
    %mul3A_49 = arith.constant 640 : i32
    %mul3A_50 = arith.muli %arg1, %mul3A_49 : i32
    %mul3A_51 = arith.constant 640 : i32
    %mul3A_52 = arith.muli %arg1, %mul3A_51 : i32
    "tpu.region"() ({
      %run_scoped3A = tpu.sem_alloc : memref<!tpu.dma_semaphore, #tpu.memory_space<semaphore_mem>>
      %dma_start3A = arith.constant 0 : i32
      %dma_start3A_53 = tpu.memref_slice %arg6[%arg0, %mul3A_52, %dma_start3A] : memref<2x10240x128xf32, #tpu.memory_space<hbm>> -> memref<1x640x128xf32, #tpu.memory_space<hbm>>
      %dma_start3A_54 = tpu.memref_squeeze %dma_start3A_53 : memref<1x640x128xf32, #tpu.memory_space<hbm>> -> memref<640x128xf32, #tpu.memory_space<hbm>>
      %dma_start3A_55 = arith.constant 0 : i32
      %dma_start3A_56 = tpu.memref_slice %arg7[%mul3A_50, %dma_start3A_55] : memref<10240x128xf32, #tpu.memory_space<vmem_shared>> -> memref<640x128xf32, #tpu.memory_space<vmem_shared>>
      tpu.enqueue_dma source(%dma_start3A_56 : memref<640x128xf32, #tpu.memory_space<vmem_shared>>) target(%dma_start3A_54 : memref<640x128xf32, #tpu.memory_space<hbm>>) target_semaphore(%run_scoped3A : memref<!tpu.dma_semaphore, #tpu.memory_space<semaphore_mem>>)
      %dma_wait3A = arith.constant 0 : i32
      %dma_wait3A_57 = tpu.memref_slice %arg6[%arg0, %mul3A_52, %dma_wait3A] : memref<2x10240x128xf32, #tpu.memory_space<hbm>> -> memref<1x640x128xf32, #tpu.memory_space<hbm>>
      %dma_wait3A_58 = tpu.memref_squeeze %dma_wait3A_57 : memref<1x640x128xf32, #tpu.memory_space<hbm>> -> memref<640x128xf32, #tpu.memory_space<hbm>>
      %dma_wait3A_59 = arith.constant 0 : i32
      %dma_wait3A_60 = tpu.memref_slice %arg7[%mul3A_50, %dma_wait3A_59] : memref<10240x128xf32, #tpu.memory_space<vmem_shared>> -> memref<640x128xf32, #tpu.memory_space<vmem_shared>>
      tpu.wait_dma2 semaphore(%run_scoped3A : memref<!tpu.dma_semaphore, #tpu.memory_space<semaphore_mem>>) src(%dma_wait3A_60 : memref<640x128xf32, #tpu.memory_space<vmem_shared>>) dst(%dma_wait3A_58 : memref<640x128xf32, #tpu.memory_space<hbm>>)
      tpu.yield
    }) : () -> ()
    return
  }
}

#map = affine_map<(d0, d1) -> (0)>
#map1 = affine_map<(d0, d1) -> (0, 0, 0)>
module attributes {stable_mosaic.version = 14 : i64} {
  func.func @_scale_kernel(%arg0: i32, %arg1: i32, %arg2: memref<320000xi32, #tpu.memory_space<hbm>>, %arg3: memref<320000xi32, #tpu.memory_space<hbm>>, %arg4: memref<2x10240x128xf32, #tpu.memory_space<hbm>>, %arg5: memref<16x10240xf32, #tpu.memory_space<vmem_shared>>, %arg6: memref<20000xi32, #tpu.memory_space<vmem>>, %arg7: memref<10240xf32, #tpu.memory_space<vmem>>, %arg8: memref<640xf32, #tpu.memory_space<vmem>>, %arg9: memref<640xf32, #tpu.memory_space<vmem>>, %arg10: memref<80x128xf32, #tpu.memory_space<vmem>>) attributes {dimension_semantics = [#tpu.dimension_semantics<core_parallel>, #tpu.dimension_semantics<subcore_parallel>], iteration_bounds = array<i64: 2, 16>, scalar_prefetch = 0 : i64, scratch_operands = 6 : i64, tpu.core_type = #tpu.core_type<sc_vector_subcore>, window_params = [{transform_indices = #map}, {transform_indices = #map}, {transform_indices = #map1}]} {
    %scan3A = arith.constant 0 : i32
    %scan3A_0 = arith.constant 0 : i32
    %scan3A_1 = arith.constant 320 : i32
    %scan3A_2 = arith.addi %scan3A_0, %scan3A_1 : i32
    %scan3A_3 = arith.constant 1 : i32
    %scan3A_4 = scf.for %scan3A_51 = %scan3A_0 to %scan3A_2 step %scan3A_3 iter_args(%scan3A_52 = %scan3A) -> (i32)  : i32 {
      %broadcast_in_dim3A_53 = arith.constant 0.000000e+00 : f32
      %broadcast_in_dim3A_54 = vector.broadcast %broadcast_in_dim3A_53 : f32 to vector<16xf32>
      %mul3A = arith.constant 32 : i32
      %mul3A_55 = arith.muli %scan3A_51, %mul3A : i32
      %swap3A = arith.index_cast %mul3A_55 : i32 to index
      %swap3A_56 = tpu.vector_load %arg7[%swap3A] {strides = array<i32>} : memref<10240xf32, #tpu.memory_space<vmem>>, vector<16xf32>,
      tpu.vector_store %arg7[%swap3A], %broadcast_in_dim3A_54 {strides = array<i32>} : memref<10240xf32, #tpu.memory_space<vmem>>, vector<16xf32>,
      %broadcast_in_dim3A_57 = arith.constant 0.000000e+00 : f32
      %broadcast_in_dim3A_58 = vector.broadcast %broadcast_in_dim3A_57 : f32 to vector<16xf32>
      %mul3A_59 = arith.constant 32 : i32
      %mul3A_60 = arith.muli %scan3A_51, %mul3A_59 : i32
      %add3A = arith.constant 16 : i32
      %add3A_61 = arith.addi %mul3A_60, %add3A : i32
      %swap3A_62 = arith.index_cast %add3A_61 : i32 to index
      %swap3A_63 = tpu.vector_load %arg7[%swap3A_62] {strides = array<i32>} : memref<10240xf32, #tpu.memory_space<vmem>>, vector<16xf32>,
      tpu.vector_store %arg7[%swap3A_62], %broadcast_in_dim3A_58 {strides = array<i32>} : memref<10240xf32, #tpu.memory_space<vmem>>, vector<16xf32>,
      %scan3A_64 = arith.constant 0 : i32
      scf.yield %scan3A_64 : i32
    }
    %scan3A_5 = arith.constant 320 : i32
    %eq3A = arith.constant 0 : i32
    %eq3A_6 = arith.cmpi eq, %arg0, %eq3A : i32
    %convert_element_type3A = arith.extui %eq3A_6 : i1 to i32
    %cond3A = arith.constant 0 : i32
    %cond3A_7 = arith.cmpi ne, %convert_element_type3A, %cond3A : i32
    scf.if %cond3A_7 {
      %mul3A = arith.constant 20000 : i32
      %mul3A_51 = arith.muli %arg1, %mul3A : i32
      "tpu.region"() ({
        %run_scoped3A = tpu.sem_alloc : memref<!tpu.dma_semaphore, #tpu.memory_space<semaphore_mem>>
        %dma_start3A = tpu.memref_slice %arg2[%mul3A_51] : memref<320000xi32, #tpu.memory_space<hbm>> -> memref<20000xi32, #tpu.memory_space<hbm>>
        %dma_start3A_52 = tpu.memref_slice %arg2[%mul3A_51] : memref<320000xi32, #tpu.memory_space<hbm>> -> memref<20000xi32, #tpu.memory_space<hbm>>
        tpu.enqueue_dma source(%dma_start3A_52 : memref<20000xi32, #tpu.memory_space<hbm>>) target(%arg6 : memref<20000xi32, #tpu.memory_space<vmem>>) target_semaphore(%run_scoped3A : memref<!tpu.dma_semaphore, #tpu.memory_space<semaphore_mem>>)
        %dma_wait3A = tpu.memref_slice %arg2[%mul3A_51] : memref<320000xi32, #tpu.memory_space<hbm>> -> memref<20000xi32, #tpu.memory_space<hbm>>
        %dma_wait3A_53 = tpu.memref_slice %arg2[%mul3A_51] : memref<320000xi32, #tpu.memory_space<hbm>> -> memref<20000xi32, #tpu.memory_space<hbm>>
        tpu.wait_dma2 semaphore(%run_scoped3A : memref<!tpu.dma_semaphore, #tpu.memory_space<semaphore_mem>>) src(%dma_wait3A_53 : memref<20000xi32, #tpu.memory_space<hbm>>) dst(%arg6 : memref<20000xi32, #tpu.memory_space<vmem>>)
        tpu.yield
      }) : () -> ()
    } else {
    }
    %eq3A_8 = arith.constant 1 : i32
    %eq3A_9 = arith.cmpi eq, %arg0, %eq3A_8 : i32
    %convert_element_type3A_10 = arith.extui %eq3A_9 : i1 to i32
    %cond3A_11 = arith.constant 0 : i32
    %cond3A_12 = arith.cmpi ne, %convert_element_type3A_10, %cond3A_11 : i32
    scf.if %cond3A_12 {
      %mul3A = arith.constant 20000 : i32
      %mul3A_51 = arith.muli %arg1, %mul3A : i32
      "tpu.region"() ({
        %run_scoped3A = tpu.sem_alloc : memref<!tpu.dma_semaphore, #tpu.memory_space<semaphore_mem>>
        %dma_start3A = tpu.memref_slice %arg3[%mul3A_51] : memref<320000xi32, #tpu.memory_space<hbm>> -> memref<20000xi32, #tpu.memory_space<hbm>>
        %dma_start3A_52 = tpu.memref_slice %arg3[%mul3A_51] : memref<320000xi32, #tpu.memory_space<hbm>> -> memref<20000xi32, #tpu.memory_space<hbm>>
        tpu.enqueue_dma source(%dma_start3A_52 : memref<20000xi32, #tpu.memory_space<hbm>>) target(%arg6 : memref<20000xi32, #tpu.memory_space<vmem>>) target_semaphore(%run_scoped3A : memref<!tpu.dma_semaphore, #tpu.memory_space<semaphore_mem>>)
        %dma_wait3A = tpu.memref_slice %arg3[%mul3A_51] : memref<320000xi32, #tpu.memory_space<hbm>> -> memref<20000xi32, #tpu.memory_space<hbm>>
        %dma_wait3A_53 = tpu.memref_slice %arg3[%mul3A_51] : memref<320000xi32, #tpu.memory_space<hbm>> -> memref<20000xi32, #tpu.memory_space<hbm>>
        tpu.wait_dma2 semaphore(%run_scoped3A : memref<!tpu.dma_semaphore, #tpu.memory_space<semaphore_mem>>) src(%dma_wait3A_53 : memref<20000xi32, #tpu.memory_space<hbm>>) dst(%arg6 : memref<20000xi32, #tpu.memory_space<vmem>>)
        tpu.yield
      }) : () -> ()
    } else {
    }
    %broadcast_in_dim3A = arith.constant 1.000000e+00 : f32
    %broadcast_in_dim3A_13 = vector.broadcast %broadcast_in_dim3A : f32 to vector<16xf32>
    %scan3A_14 = arith.constant 0 : i32
    %scan3A_15 = arith.constant 0 : i32
    %scan3A_16 = arith.constant 625 : i32
    %scan3A_17 = arith.addi %scan3A_15, %scan3A_16 : i32
    %scan3A_18 = arith.constant 1 : i32
    %scan3A_19 = scf.for %scan3A_51 = %scan3A_15 to %scan3A_17 step %scan3A_18 iter_args(%scan3A_52 = %scan3A_14) -> (i32)  : i32 {
      %mul3A = arith.constant 32 : i32
      %mul3A_53 = arith.muli %scan3A_51, %mul3A : i32
      %get3A = arith.index_cast %mul3A_53 : i32 to index
      %get3A_54 = tpu.vector_load %arg6[%get3A] {strides = array<i32>} : memref<20000xi32, #tpu.memory_space<vmem>>, vector<16xi32>,
      tpu.vector_store_idx %arg7[%get3A_54], %broadcast_in_dim3A_13 {add = true} : memref<10240xf32, #tpu.memory_space<vmem>>[vector<16xi32>], vector<16xf32>,
      %mul3A_55 = arith.constant 32 : i32
      %mul3A_56 = arith.muli %scan3A_51, %mul3A_55 : i32
      %add3A = arith.constant 16 : i32
      %add3A_57 = arith.addi %mul3A_56, %add3A : i32
      %get3A_58 = arith.index_cast %add3A_57 : i32 to index
      %get3A_59 = tpu.vector_load %arg6[%get3A_58] {strides = array<i32>} : memref<20000xi32, #tpu.memory_space<vmem>>, vector<16xi32>,
      tpu.vector_store_idx %arg7[%get3A_59], %broadcast_in_dim3A_13 {add = true} : memref<10240xf32, #tpu.memory_space<vmem>>[vector<16xi32>], vector<16xf32>,
      %scan3A_60 = arith.constant 0 : i32
      scf.yield %scan3A_60 : i32
    }
    %scan3A_20 = arith.constant 625 : i32
    "tpu.region"() ({
      %run_scoped3A = tpu.sem_alloc : memref<!tpu.dma_semaphore, #tpu.memory_space<semaphore_mem>>
      %dma_start3A = arith.constant 0 : i32
      %dma_start3A_51 = tpu.memref_slice %arg5[%arg1, %dma_start3A] : memref<16x10240xf32, #tpu.memory_space<vmem_shared>> -> memref<1x10240xf32, #tpu.memory_space<vmem_shared>>
      %dma_start3A_52 = tpu.memref_squeeze %dma_start3A_51 : memref<1x10240xf32, #tpu.memory_space<vmem_shared>> -> memref<10240xf32, #tpu.memory_space<vmem_shared>>
      %dma_start3A_53 = arith.constant 0 : i32
      %dma_start3A_54 = tpu.memref_slice %arg5[%arg1, %dma_start3A_53] : memref<16x10240xf32, #tpu.memory_space<vmem_shared>> -> memref<1x10240xf32, #tpu.memory_space<vmem_shared>>
      %dma_start3A_55 = tpu.memref_squeeze %dma_start3A_54 : memref<1x10240xf32, #tpu.memory_space<vmem_shared>> -> memref<10240xf32, #tpu.memory_space<vmem_shared>>
      tpu.enqueue_dma source(%arg7 : memref<10240xf32, #tpu.memory_space<vmem>>) target(%dma_start3A_55 : memref<10240xf32, #tpu.memory_space<vmem_shared>>) target_semaphore(%run_scoped3A : memref<!tpu.dma_semaphore, #tpu.memory_space<semaphore_mem>>)
      %dma_wait3A = arith.constant 0 : i32
      %dma_wait3A_56 = tpu.memref_slice %arg5[%arg1, %dma_wait3A] : memref<16x10240xf32, #tpu.memory_space<vmem_shared>> -> memref<1x10240xf32, #tpu.memory_space<vmem_shared>>
      %dma_wait3A_57 = tpu.memref_squeeze %dma_wait3A_56 : memref<1x10240xf32, #tpu.memory_space<vmem_shared>> -> memref<10240xf32, #tpu.memory_space<vmem_shared>>
      %dma_wait3A_58 = arith.constant 0 : i32
      %dma_wait3A_59 = tpu.memref_slice %arg5[%arg1, %dma_wait3A_58] : memref<16x10240xf32, #tpu.memory_space<vmem_shared>> -> memref<1x10240xf32, #tpu.memory_space<vmem_shared>>
      %dma_wait3A_60 = tpu.memref_squeeze %dma_wait3A_59 : memref<1x10240xf32, #tpu.memory_space<vmem_shared>> -> memref<10240xf32, #tpu.memory_space<vmem_shared>>
      tpu.wait_dma2 semaphore(%run_scoped3A : memref<!tpu.dma_semaphore, #tpu.memory_space<semaphore_mem>>) src(%arg7 : memref<10240xf32, #tpu.memory_space<vmem>>) dst(%dma_wait3A_60 : memref<10240xf32, #tpu.memory_space<vmem_shared>>)
      tpu.yield
    }) : () -> ()
    %barrier3A = arith.constant 0 : index
    tpu.barrier barrier_id(%barrier3A)
    %scan3A_21 = arith.constant 0 : i32
    %scan3A_22 = arith.constant 0 : i32
    %scan3A_23 = arith.constant 20 : i32
    %scan3A_24 = arith.addi %scan3A_22, %scan3A_23 : i32
    %scan3A_25 = arith.constant 1 : i32
    %scan3A_26 = scf.for %scan3A_51 = %scan3A_22 to %scan3A_24 step %scan3A_25 iter_args(%scan3A_52 = %scan3A_21) -> (i32)  : i32 {
      %broadcast_in_dim3A_53 = arith.constant 0.000000e+00 : f32
      %broadcast_in_dim3A_54 = vector.broadcast %broadcast_in_dim3A_53 : f32 to vector<16xf32>
      %mul3A = arith.constant 32 : i32
      %mul3A_55 = arith.muli %scan3A_51, %mul3A : i32
      %swap3A = arith.index_cast %mul3A_55 : i32 to index
      %swap3A_56 = tpu.vector_load %arg9[%swap3A] {strides = array<i32>} : memref<640xf32, #tpu.memory_space<vmem>>, vector<16xf32>,
      tpu.vector_store %arg9[%swap3A], %broadcast_in_dim3A_54 {strides = array<i32>} : memref<640xf32, #tpu.memory_space<vmem>>, vector<16xf32>,
      %broadcast_in_dim3A_57 = arith.constant 0.000000e+00 : f32
      %broadcast_in_dim3A_58 = vector.broadcast %broadcast_in_dim3A_57 : f32 to vector<16xf32>
      %mul3A_59 = arith.constant 32 : i32
      %mul3A_60 = arith.muli %scan3A_51, %mul3A_59 : i32
      %add3A = arith.constant 16 : i32
      %add3A_61 = arith.addi %mul3A_60, %add3A : i32
      %swap3A_62 = arith.index_cast %add3A_61 : i32 to index
      %swap3A_63 = tpu.vector_load %arg9[%swap3A_62] {strides = array<i32>} : memref<640xf32, #tpu.memory_space<vmem>>, vector<16xf32>,
      tpu.vector_store %arg9[%swap3A_62], %broadcast_in_dim3A_58 {strides = array<i32>} : memref<640xf32, #tpu.memory_space<vmem>>, vector<16xf32>,
      %scan3A_64 = arith.constant 0 : i32
      scf.yield %scan3A_64 : i32
    }
    %scan3A_27 = arith.constant 20 : i32
    %scan3A_28 = arith.constant 0 : i32
    %scan3A_29 = arith.constant 0 : i32
    %scan3A_30 = arith.constant 16 : i32
    %scan3A_31 = arith.addi %scan3A_29, %scan3A_30 : i32
    %scan3A_32 = arith.constant 1 : i32
    %scan3A_33 = scf.for %scan3A_51 = %scan3A_29 to %scan3A_31 step %scan3A_32 iter_args(%scan3A_52 = %scan3A_28) -> (i32)  : i32 {
      %mul3A = arith.constant 640 : i32
      %mul3A_53 = arith.muli %arg1, %mul3A : i32
      "tpu.region"() ({
        %run_scoped3A = tpu.sem_alloc : memref<!tpu.dma_semaphore, #tpu.memory_space<semaphore_mem>>
        %dma_start3A = tpu.memref_slice %arg5[%scan3A_51, %mul3A_53] : memref<16x10240xf32, #tpu.memory_space<vmem_shared>> -> memref<1x640xf32, #tpu.memory_space<vmem_shared>>
        %dma_start3A_62 = tpu.memref_squeeze %dma_start3A : memref<1x640xf32, #tpu.memory_space<vmem_shared>> -> memref<640xf32, #tpu.memory_space<vmem_shared>>
        %dma_start3A_63 = tpu.memref_slice %arg5[%scan3A_51, %mul3A_53] : memref<16x10240xf32, #tpu.memory_space<vmem_shared>> -> memref<1x640xf32, #tpu.memory_space<vmem_shared>>
        %dma_start3A_64 = tpu.memref_squeeze %dma_start3A_63 : memref<1x640xf32, #tpu.memory_space<vmem_shared>> -> memref<640xf32, #tpu.memory_space<vmem_shared>>
        tpu.enqueue_dma source(%dma_start3A_64 : memref<640xf32, #tpu.memory_space<vmem_shared>>) target(%arg8 : memref<640xf32, #tpu.memory_space<vmem>>) target_semaphore(%run_scoped3A : memref<!tpu.dma_semaphore, #tpu.memory_space<semaphore_mem>>)
        %dma_wait3A = tpu.memref_slice %arg5[%scan3A_51, %mul3A_53] : memref<16x10240xf32, #tpu.memory_space<vmem_shared>> -> memref<1x640xf32, #tpu.memory_space<vmem_shared>>
        %dma_wait3A_65 = tpu.memref_squeeze %dma_wait3A : memref<1x640xf32, #tpu.memory_space<vmem_shared>> -> memref<640xf32, #tpu.memory_space<vmem_shared>>
        %dma_wait3A_66 = tpu.memref_slice %arg5[%scan3A_51, %mul3A_53] : memref<16x10240xf32, #tpu.memory_space<vmem_shared>> -> memref<1x640xf32, #tpu.memory_space<vmem_shared>>
        %dma_wait3A_67 = tpu.memref_squeeze %dma_wait3A_66 : memref<1x640xf32, #tpu.memory_space<vmem_shared>> -> memref<640xf32, #tpu.memory_space<vmem_shared>>
        tpu.wait_dma2 semaphore(%run_scoped3A : memref<!tpu.dma_semaphore, #tpu.memory_space<semaphore_mem>>) src(%dma_wait3A_67 : memref<640xf32, #tpu.memory_space<vmem_shared>>) dst(%arg8 : memref<640xf32, #tpu.memory_space<vmem>>)
        tpu.yield
      }) : () -> ()
      %scan3A_54 = arith.constant 0 : i32
      %scan3A_55 = arith.constant 0 : i32
      %scan3A_56 = arith.constant 40 : i32
      %scan3A_57 = arith.addi %scan3A_55, %scan3A_56 : i32
      %scan3A_58 = arith.constant 1 : i32
      %scan3A_59 = scf.for %scan3A_62 = %scan3A_55 to %scan3A_57 step %scan3A_58 iter_args(%scan3A_63 = %scan3A_54) -> (i32)  : i32 {
        %mul3A_64 = arith.constant 16 : i32
        %mul3A_65 = arith.muli %scan3A_62, %mul3A_64 : i32
        %get3A = arith.index_cast %mul3A_65 : i32 to index
        %get3A_66 = tpu.vector_load %arg9[%get3A] {strides = array<i32>} : memref<640xf32, #tpu.memory_space<vmem>>, vector<16xf32>,
        %mul3A_67 = arith.constant 16 : i32
        %mul3A_68 = arith.muli %scan3A_62, %mul3A_67 : i32
        %get3A_69 = arith.index_cast %mul3A_68 : i32 to index
        %get3A_70 = tpu.vector_load %arg8[%get3A_69] {strides = array<i32>} : memref<640xf32, #tpu.memory_space<vmem>>, vector<16xf32>,
        %add3A = arith.addf %get3A_66, %get3A_70 : vector<16xf32>
        %mul3A_71 = arith.constant 16 : i32
        %mul3A_72 = arith.muli %scan3A_62, %mul3A_71 : i32
        %swap3A = arith.index_cast %mul3A_72 : i32 to index
        %swap3A_73 = tpu.vector_load %arg9[%swap3A] {strides = array<i32>} : memref<640xf32, #tpu.memory_space<vmem>>, vector<16xf32>,
        tpu.vector_store %arg9[%swap3A], %add3A {strides = array<i32>} : memref<640xf32, #tpu.memory_space<vmem>>, vector<16xf32>,
        %scan3A_74 = arith.constant 0 : i32
        scf.yield %scan3A_74 : i32
      }
      %scan3A_60 = arith.constant 40 : i32
      %scan3A_61 = arith.constant 0 : i32
      scf.yield %scan3A_61 : i32
    }
    %scan3A_34 = arith.constant 16 : i32
    %broadcast_in_dim3A_35 = arith.constant 1597463007 : i32
    %broadcast_in_dim3A_36 = vector.broadcast %broadcast_in_dim3A_35 : i32 to vector<16xi32>
    %scan3A_37 = arith.constant 0 : i32
    %scan3A_38 = arith.constant 0 : i32
    %scan3A_39 = arith.constant 40 : i32
    %scan3A_40 = arith.addi %scan3A_38, %scan3A_39 : i32
    %scan3A_41 = arith.constant 1 : i32
    %scan3A_42 = scf.for %scan3A_51 = %scan3A_38 to %scan3A_40 step %scan3A_41 iter_args(%scan3A_52 = %scan3A_37) -> (i32)  : i32 {
      %mul3A = arith.constant 16 : i32
      %mul3A_53 = arith.muli %scan3A_51, %mul3A : i32
      %get3A = arith.index_cast %mul3A_53 : i32 to index
      %get3A_54 = tpu.vector_load %arg9[%get3A] {strides = array<i32>} : memref<640xf32, #tpu.memory_space<vmem>>, vector<16xf32>,
      %max3A = arith.constant 1.000000e+00 : f32
      %max3A_55 = vector.broadcast %max3A : f32 to vector<16xf32>
      %max3A_56 = arith.maximumf %get3A_54, %max3A_55 : vector<16xf32>
      %bitcast3A = vector.bitcast %max3A_56 : vector<16xf32> to vector<16xi32>
      %shift_right_arithmetic3A = arith.constant 1 : i32
      %shift_right_arithmetic3A_57 = vector.broadcast %shift_right_arithmetic3A : i32 to vector<16xi32>
      %shift_right_arithmetic3A_58 = arith.shrsi %bitcast3A, %shift_right_arithmetic3A_57 : vector<16xi32>
      %sub3A = arith.subi %broadcast_in_dim3A_36, %shift_right_arithmetic3A_58 : vector<16xi32>
      %bitcast3A_59 = vector.bitcast %sub3A : vector<16xi32> to vector<16xf32>
      %mul3A_60 = arith.constant 5.000000e-01 : f32
      %mul3A_61 = vector.broadcast %mul3A_60 : f32 to vector<16xf32>
      %mul3A_62 = arith.mulf %mul3A_61, %max3A_56 : vector<16xf32>
      %mul3A_63 = arith.mulf %mul3A_62, %bitcast3A_59 : vector<16xf32>
      %mul3A_64 = arith.mulf %mul3A_63, %bitcast3A_59 : vector<16xf32>
      %sub3A_65 = arith.constant 1.500000e+00 : f32
      %sub3A_66 = vector.broadcast %sub3A_65 : f32 to vector<16xf32>
      %sub3A_67 = arith.subf %sub3A_66, %mul3A_64 : vector<16xf32>
      %mul3A_68 = arith.mulf %bitcast3A_59, %sub3A_67 : vector<16xf32>
      %mul3A_69 = arith.constant 5.000000e-01 : f32
      %mul3A_70 = vector.broadcast %mul3A_69 : f32 to vector<16xf32>
      %mul3A_71 = arith.mulf %mul3A_70, %max3A_56 : vector<16xf32>
      %mul3A_72 = arith.mulf %mul3A_71, %mul3A_68 : vector<16xf32>
      %mul3A_73 = arith.mulf %mul3A_72, %mul3A_68 : vector<16xf32>
      %sub3A_74 = arith.constant 1.500000e+00 : f32
      %sub3A_75 = vector.broadcast %sub3A_74 : f32 to vector<16xf32>
      %sub3A_76 = arith.subf %sub3A_75, %mul3A_73 : vector<16xf32>
      %mul3A_77 = arith.mulf %mul3A_68, %sub3A_76 : vector<16xf32>
      %mul3A_78 = arith.constant 5.000000e-01 : f32
      %mul3A_79 = vector.broadcast %mul3A_78 : f32 to vector<16xf32>
      %mul3A_80 = arith.mulf %mul3A_79, %max3A_56 : vector<16xf32>
      %mul3A_81 = arith.mulf %mul3A_80, %mul3A_77 : vector<16xf32>
      %mul3A_82 = arith.mulf %mul3A_81, %mul3A_77 : vector<16xf32>
      %sub3A_83 = arith.constant 1.500000e+00 : f32
      %sub3A_84 = vector.broadcast %sub3A_83 : f32 to vector<16xf32>
      %sub3A_85 = arith.subf %sub3A_84, %mul3A_82 : vector<16xf32>
      %mul3A_86 = arith.mulf %mul3A_77, %sub3A_85 : vector<16xf32>
      %mul3A_87 = arith.constant 16 : i32
      %mul3A_88 = arith.muli %scan3A_51, %mul3A_87 : i32
      %swap3A = arith.index_cast %mul3A_88 : i32 to index
      %swap3A_89 = tpu.vector_load %arg9[%swap3A] {strides = array<i32>} : memref<640xf32, #tpu.memory_space<vmem>>, vector<16xf32>,
      tpu.vector_store %arg9[%swap3A], %mul3A_86 {strides = array<i32>} : memref<640xf32, #tpu.memory_space<vmem>>, vector<16xf32>,
      %scan3A_90 = arith.constant 0 : i32
      scf.yield %scan3A_90 : i32
    }
    %scan3A_43 = arith.constant 40 : i32
    %scan3A_44 = arith.constant 0 : i32
    %scan3A_45 = arith.constant 0 : i32
    %scan3A_46 = arith.constant 8 : i32
    %scan3A_47 = arith.addi %scan3A_45, %scan3A_46 : i32
    %scan3A_48 = arith.constant 1 : i32
    %scan3A_49 = scf.for %scan3A_51 = %scan3A_45 to %scan3A_47 step %scan3A_48 iter_args(%scan3A_52 = %scan3A_44) -> (i32)  : i32 {
      %scan3A_53 = arith.constant 0 : i32
      %scan3A_54 = arith.constant 0 : i32
      %scan3A_55 = arith.constant 5 : i32
      %scan3A_56 = arith.addi %scan3A_54, %scan3A_55 : i32
      %scan3A_57 = arith.constant 1 : i32
      %scan3A_58 = scf.for %scan3A_64 = %scan3A_54 to %scan3A_56 step %scan3A_57 iter_args(%scan3A_65 = %scan3A_53) -> (i32)  : i32 {
        %mul3A_66 = arith.constant 80 : i32
        %mul3A_67 = arith.muli %scan3A_51, %mul3A_66 : i32
        %mul3A_68 = arith.constant 16 : i32
        %mul3A_69 = arith.muli %scan3A_64, %mul3A_68 : i32
        %add3A_70 = arith.addi %mul3A_67, %mul3A_69 : i32
        %get3A = arith.index_cast %add3A_70 : i32 to index
        %get3A_71 = tpu.vector_load %arg9[%get3A] {strides = array<i32>} : memref<640xf32, #tpu.memory_space<vmem>>, vector<16xf32>,
        %broadcast_in_dim3A_72 = arith.constant 0.000000e+00 : f32
        %broadcast_in_dim3A_73 = vector.broadcast %broadcast_in_dim3A_72 : f32 to vector<16xf32>
        %slice3A = vector.extract_strided_slice %get3A_71 {offsets = [0], sizes = [1], strides = [1]} : vector<16xf32> to vector<1xf32>
        %squeeze3A = vector.extract %slice3A[0] : f32 from vector<1xf32>
        %add3A_74 = vector.broadcast %squeeze3A : f32 to vector<16xf32>
        %add3A_75 = arith.addf %broadcast_in_dim3A_73, %add3A_74 : vector<16xf32>
        %mul3A_76 = arith.constant 16 : i32
        %mul3A_77 = arith.muli %scan3A_64, %mul3A_76 : i32
        %add3A_78 = arith.constant 0 : i32
        %add3A_79 = arith.addi %mul3A_77, %add3A_78 : i32
        %swap3A = arith.index_cast %add3A_79 : i32 to index
        %swap3A_80 = arith.constant 0 : index
        %swap3A_81 = tpu.vector_load %arg10[%swap3A, %swap3A_80] {strides = array<i32>} : memref<80x128xf32, #tpu.memory_space<vmem>>, vector<16xf32>,
        tpu.vector_store %arg10[%swap3A, %swap3A_80], %add3A_75 {strides = array<i32>} : memref<80x128xf32, #tpu.memory_space<vmem>>, vector<16xf32>,
        %mul3A_82 = arith.constant 16 : i32
        %mul3A_83 = arith.muli %scan3A_64, %mul3A_82 : i32
        %add3A_84 = arith.constant 0 : i32
        %add3A_85 = arith.addi %mul3A_83, %add3A_84 : i32
        %swap3A_86 = arith.index_cast %add3A_85 : i32 to index
        %swap3A_87 = arith.constant 16 : index
        %swap3A_88 = tpu.vector_load %arg10[%swap3A_86, %swap3A_87] {strides = array<i32>} : memref<80x128xf32, #tpu.memory_space<vmem>>, vector<16xf32>,
        tpu.vector_store %arg10[%swap3A_86, %swap3A_87], %add3A_75 {strides = array<i32>} : memref<80x128xf32, #tpu.memory_space<vmem>>, vector<16xf32>,
        %mul3A_89 = arith.constant 16 : i32
        %mul3A_90 = arith.muli %scan3A_64, %mul3A_89 : i32
        %add3A_91 = arith.constant 0 : i32
        %add3A_92 = arith.addi %mul3A_90, %add3A_91 : i32
        %swap3A_93 = arith.index_cast %add3A_92 : i32 to index
        %swap3A_94 = arith.constant 32 : index
        %swap3A_95 = tpu.vector_load %arg10[%swap3A_93, %swap3A_94] {strides = array<i32>} : memref<80x128xf32, #tpu.memory_space<vmem>>, vector<16xf32>,
        tpu.vector_store %arg10[%swap3A_93, %swap3A_94], %add3A_75 {strides = array<i32>} : memref<80x128xf32, #tpu.memory_space<vmem>>, vector<16xf32>,
        %mul3A_96 = arith.constant 16 : i32
        %mul3A_97 = arith.muli %scan3A_64, %mul3A_96 : i32
        %add3A_98 = arith.constant 0 : i32
        %add3A_99 = arith.addi %mul3A_97, %add3A_98 : i32
        %swap3A_100 = arith.index_cast %add3A_99 : i32 to index
        %swap3A_101 = arith.constant 48 : index
        %swap3A_102 = tpu.vector_load %arg10[%swap3A_100, %swap3A_101] {strides = array<i32>} : memref<80x128xf32, #tpu.memory_space<vmem>>, vector<16xf32>,
        tpu.vector_store %arg10[%swap3A_100, %swap3A_101], %add3A_75 {strides = array<i32>} : memref<80x128xf32, #tpu.memory_space<vmem>>, vector<16xf32>,
        %mul3A_103 = arith.constant 16 : i32
        %mul3A_104 = arith.muli %scan3A_64, %mul3A_103 : i32
        %add3A_105 = arith.constant 0 : i32
        %add3A_106 = arith.addi %mul3A_104, %add3A_105 : i32
        %swap3A_107 = arith.index_cast %add3A_106 : i32 to index
        %swap3A_108 = arith.constant 64 : index
        %swap3A_109 = tpu.vector_load %arg10[%swap3A_107, %swap3A_108] {strides = array<i32>} : memref<80x128xf32, #tpu.memory_space<vmem>>, vector<16xf32>,
        tpu.vector_store %arg10[%swap3A_107, %swap3A_108], %add3A_75 {strides = array<i32>} : memref<80x128xf32, #tpu.memory_space<vmem>>, vector<16xf32>,
        %mul3A_110 = arith.constant 16 : i32
        %mul3A_111 = arith.muli %scan3A_64, %mul3A_110 : i32
        %add3A_112 = arith.constant 0 : i32
        %add3A_113 = arith.addi %mul3A_111, %add3A_112 : i32
        %swap3A_114 = arith.index_cast %add3A_113 : i32 to index
        %swap3A_115 = arith.constant 80 : index
        %swap3A_116 = tpu.vector_load %arg10[%swap3A_114, %swap3A_115] {strides = array<i32>} : memref<80x128xf32, #tpu.memory_space<vmem>>, vector<16xf32>,
        tpu.vector_store %arg10[%swap3A_114, %swap3A_115], %add3A_75 {strides = array<i32>} : memref<80x128xf32, #tpu.memory_space<vmem>>, vector<16xf32>,
        %mul3A_117 = arith.constant 16 : i32
        %mul3A_118 = arith.muli %scan3A_64, %mul3A_117 : i32
        %add3A_119 = arith.constant 0 : i32
        %add3A_120 = arith.addi %mul3A_118, %add3A_119 : i32
        %swap3A_121 = arith.index_cast %add3A_120 : i32 to index
        %swap3A_122 = arith.constant 96 : index
        %swap3A_123 = tpu.vector_load %arg10[%swap3A_121, %swap3A_122] {strides = array<i32>} : memref<80x128xf32, #tpu.memory_space<vmem>>, vector<16xf32>,
        tpu.vector_store %arg10[%swap3A_121, %swap3A_122], %add3A_75 {strides = array<i32>} : memref<80x128xf32, #tpu.memory_space<vmem>>, vector<16xf32>,
        %mul3A_124 = arith.constant 16 : i32
        %mul3A_125 = arith.muli %scan3A_64, %mul3A_124 : i32
        %add3A_126 = arith.constant 0 : i32
        %add3A_127 = arith.addi %mul3A_125, %add3A_126 : i32
        %swap3A_128 = arith.index_cast %add3A_127 : i32 to index
        %swap3A_129 = arith.constant 112 : index
        %swap3A_130 = tpu.vector_load %arg10[%swap3A_128, %swap3A_129] {strides = array<i32>} : memref<80x128xf32, #tpu.memory_space<vmem>>, vector<16xf32>,
        tpu.vector_store %arg10[%swap3A_128, %swap3A_129], %add3A_75 {strides = array<i32>} : memref<80x128xf32, #tpu.memory_space<vmem>>, vector<16xf32>,
        %broadcast_in_dim3A_131 = arith.constant 0.000000e+00 : f32
        %broadcast_in_dim3A_132 = vector.broadcast %broadcast_in_dim3A_131 : f32 to vector<16xf32>
        %slice3A_133 = vector.extract_strided_slice %get3A_71 {offsets = [1], sizes = [1], strides = [1]} : vector<16xf32> to vector<1xf32>
        %squeeze3A_134 = vector.extract %slice3A_133[0] : f32 from vector<1xf32>
        %add3A_135 = vector.broadcast %squeeze3A_134 : f32 to vector<16xf32>
        %add3A_136 = arith.addf %broadcast_in_dim3A_132, %add3A_135 : vector<16xf32>
        %mul3A_137 = arith.constant 16 : i32
        %mul3A_138 = arith.muli %scan3A_64, %mul3A_137 : i32
        %add3A_139 = arith.constant 1 : i32
        %add3A_140 = arith.addi %mul3A_138, %add3A_139 : i32
        %swap3A_141 = arith.index_cast %add3A_140 : i32 to index
        %swap3A_142 = arith.constant 0 : index
        %swap3A_143 = tpu.vector_load %arg10[%swap3A_141, %swap3A_142] {strides = array<i32>} : memref<80x128xf32, #tpu.memory_space<vmem>>, vector<16xf32>,
        tpu.vector_store %arg10[%swap3A_141, %swap3A_142], %add3A_136 {strides = array<i32>} : memref<80x128xf32, #tpu.memory_space<vmem>>, vector<16xf32>,
        %mul3A_144 = arith.constant 16 : i32
        %mul3A_145 = arith.muli %scan3A_64, %mul3A_144 : i32
        %add3A_146 = arith.constant 1 : i32
        %add3A_147 = arith.addi %mul3A_145, %add3A_146 : i32
        %swap3A_148 = arith.index_cast %add3A_147 : i32 to index
        %swap3A_149 = arith.constant 16 : index
        %swap3A_150 = tpu.vector_load %arg10[%swap3A_148, %swap3A_149] {strides = array<i32>} : memref<80x128xf32, #tpu.memory_space<vmem>>, vector<16xf32>,
        tpu.vector_store %arg10[%swap3A_148, %swap3A_149], %add3A_136 {strides = array<i32>} : memref<80x128xf32, #tpu.memory_space<vmem>>, vector<16xf32>,
        %mul3A_151 = arith.constant 16 : i32
        %mul3A_152 = arith.muli %scan3A_64, %mul3A_151 : i32
        %add3A_153 = arith.constant 1 : i32
        %add3A_154 = arith.addi %mul3A_152, %add3A_153 : i32
        %swap3A_155 = arith.index_cast %add3A_154 : i32 to index
        %swap3A_156 = arith.constant 32 : index
        %swap3A_157 = tpu.vector_load %arg10[%swap3A_155, %swap3A_156] {strides = array<i32>} : memref<80x128xf32, #tpu.memory_space<vmem>>, vector<16xf32>,
        tpu.vector_store %arg10[%swap3A_155, %swap3A_156], %add3A_136 {strides = array<i32>} : memref<80x128xf32, #tpu.memory_space<vmem>>, vector<16xf32>,
        %mul3A_158 = arith.constant 16 : i32
        %mul3A_159 = arith.muli %scan3A_64, %mul3A_158 : i32
        %add3A_160 = arith.constant 1 : i32
        %add3A_161 = arith.addi %mul3A_159, %add3A_160 : i32
        %swap3A_162 = arith.index_cast %add3A_161 : i32 to index
        %swap3A_163 = arith.constant 48 : index
        %swap3A_164 = tpu.vector_load %arg10[%swap3A_162, %swap3A_163] {strides = array<i32>} : memref<80x128xf32, #tpu.memory_space<vmem>>, vector<16xf32>,
        tpu.vector_store %arg10[%swap3A_162, %swap3A_163], %add3A_136 {strides = array<i32>} : memref<80x128xf32, #tpu.memory_space<vmem>>, vector<16xf32>,
        %mul3A_165 = arith.constant 16 : i32
        %mul3A_166 = arith.muli %scan3A_64, %mul3A_165 : i32
        %add3A_167 = arith.constant 1 : i32
        %add3A_168 = arith.addi %mul3A_166, %add3A_167 : i32
        %swap3A_169 = arith.index_cast %add3A_168 : i32 to index
        %swap3A_170 = arith.constant 64 : index
        %swap3A_171 = tpu.vector_load %arg10[%swap3A_169, %swap3A_170] {strides = array<i32>} : memref<80x128xf32, #tpu.memory_space<vmem>>, vector<16xf32>,
        tpu.vector_store %arg10[%swap3A_169, %swap3A_170], %add3A_136 {strides = array<i32>} : memref<80x128xf32, #tpu.memory_space<vmem>>, vector<16xf32>,
        %mul3A_172 = arith.constant 16 : i32
        %mul3A_173 = arith.muli %scan3A_64, %mul3A_172 : i32
        %add3A_174 = arith.constant 1 : i32
        %add3A_175 = arith.addi %mul3A_173, %add3A_174 : i32
        %swap3A_176 = arith.index_cast %add3A_175 : i32 to index
        %swap3A_177 = arith.constant 80 : index
        %swap3A_178 = tpu.vector_load %arg10[%swap3A_176, %swap3A_177] {strides = array<i32>} : memref<80x128xf32, #tpu.memory_space<vmem>>, vector<16xf32>,
        tpu.vector_store %arg10[%swap3A_176, %swap3A_177], %add3A_136 {strides = array<i32>} : memref<80x128xf32, #tpu.memory_space<vmem>>, vector<16xf32>,
        %mul3A_179 = arith.constant 16 : i32
        %mul3A_180 = arith.muli %scan3A_64, %mul3A_179 : i32
        %add3A_181 = arith.constant 1 : i32
        %add3A_182 = arith.addi %mul3A_180, %add3A_181 : i32
        %swap3A_183 = arith.index_cast %add3A_182 : i32 to index
        %swap3A_184 = arith.constant 96 : index
        %swap3A_185 = tpu.vector_load %arg10[%swap3A_183, %swap3A_184] {strides = array<i32>} : memref<80x128xf32, #tpu.memory_space<vmem>>, vector<16xf32>,
        tpu.vector_store %arg10[%swap3A_183, %swap3A_184], %add3A_136 {strides = array<i32>} : memref<80x128xf32, #tpu.memory_space<vmem>>, vector<16xf32>,
        %mul3A_186 = arith.constant 16 : i32
        %mul3A_187 = arith.muli %scan3A_64, %mul3A_186 : i32
        %add3A_188 = arith.constant 1 : i32
        %add3A_189 = arith.addi %mul3A_187, %add3A_188 : i32
        %swap3A_190 = arith.index_cast %add3A_189 : i32 to index
        %swap3A_191 = arith.constant 112 : index
        %swap3A_192 = tpu.vector_load %arg10[%swap3A_190, %swap3A_191] {strides = array<i32>} : memref<80x128xf32, #tpu.memory_space<vmem>>, vector<16xf32>,
        tpu.vector_store %arg10[%swap3A_190, %swap3A_191], %add3A_136 {strides = array<i32>} : memref<80x128xf32, #tpu.memory_space<vmem>>, vector<16xf32>,
        %broadcast_in_dim3A_193 = arith.constant 0.000000e+00 : f32
        %broadcast_in_dim3A_194 = vector.broadcast %broadcast_in_dim3A_193 : f32 to vector<16xf32>
        %slice3A_195 = vector.extract_strided_slice %get3A_71 {offsets = [2], sizes = [1], strides = [1]} : vector<16xf32> to vector<1xf32>
        %squeeze3A_196 = vector.extract %slice3A_195[0] : f32 from vector<1xf32>
        %add3A_197 = vector.broadcast %squeeze3A_196 : f32 to vector<16xf32>
        %add3A_198 = arith.addf %broadcast_in_dim3A_194, %add3A_197 : vector<16xf32>
        %mul3A_199 = arith.constant 16 : i32
        %mul3A_200 = arith.muli %scan3A_64, %mul3A_199 : i32
        %add3A_201 = arith.constant 2 : i32
        %add3A_202 = arith.addi %mul3A_200, %add3A_201 : i32
        %swap3A_203 = arith.index_cast %add3A_202 : i32 to index
        %swap3A_204 = arith.constant 0 : index
        %swap3A_205 = tpu.vector_load %arg10[%swap3A_203, %swap3A_204] {strides = array<i32>} : memref<80x128xf32, #tpu.memory_space<vmem>>, vector<16xf32>,
        tpu.vector_store %arg10[%swap3A_203, %swap3A_204], %add3A_198 {strides = array<i32>} : memref<80x128xf32, #tpu.memory_space<vmem>>, vector<16xf32>,
        %mul3A_206 = arith.constant 16 : i32
        %mul3A_207 = arith.muli %scan3A_64, %mul3A_206 : i32
        %add3A_208 = arith.constant 2 : i32
        %add3A_209 = arith.addi %mul3A_207, %add3A_208 : i32
        %swap3A_210 = arith.index_cast %add3A_209 : i32 to index
        %swap3A_211 = arith.constant 16 : index
        %swap3A_212 = tpu.vector_load %arg10[%swap3A_210, %swap3A_211] {strides = array<i32>} : memref<80x128xf32, #tpu.memory_space<vmem>>, vector<16xf32>,
        tpu.vector_store %arg10[%swap3A_210, %swap3A_211], %add3A_198 {strides = array<i32>} : memref<80x128xf32, #tpu.memory_space<vmem>>, vector<16xf32>,
        %mul3A_213 = arith.constant 16 : i32
        %mul3A_214 = arith.muli %scan3A_64, %mul3A_213 : i32
        %add3A_215 = arith.constant 2 : i32
        %add3A_216 = arith.addi %mul3A_214, %add3A_215 : i32
        %swap3A_217 = arith.index_cast %add3A_216 : i32 to index
        %swap3A_218 = arith.constant 32 : index
        %swap3A_219 = tpu.vector_load %arg10[%swap3A_217, %swap3A_218] {strides = array<i32>} : memref<80x128xf32, #tpu.memory_space<vmem>>, vector<16xf32>,
        tpu.vector_store %arg10[%swap3A_217, %swap3A_218], %add3A_198 {strides = array<i32>} : memref<80x128xf32, #tpu.memory_space<vmem>>, vector<16xf32>,
        %mul3A_220 = arith.constant 16 : i32
        %mul3A_221 = arith.muli %scan3A_64, %mul3A_220 : i32
        %add3A_222 = arith.constant 2 : i32
        %add3A_223 = arith.addi %mul3A_221, %add3A_222 : i32
        %swap3A_224 = arith.index_cast %add3A_223 : i32 to index
        %swap3A_225 = arith.constant 48 : index
        %swap3A_226 = tpu.vector_load %arg10[%swap3A_224, %swap3A_225] {strides = array<i32>} : memref<80x128xf32, #tpu.memory_space<vmem>>, vector<16xf32>,
        tpu.vector_store %arg10[%swap3A_224, %swap3A_225], %add3A_198 {strides = array<i32>} : memref<80x128xf32, #tpu.memory_space<vmem>>, vector<16xf32>,
        %mul3A_227 = arith.constant 16 : i32
        %mul3A_228 = arith.muli %scan3A_64, %mul3A_227 : i32
        %add3A_229 = arith.constant 2 : i32
        %add3A_230 = arith.addi %mul3A_228, %add3A_229 : i32
        %swap3A_231 = arith.index_cast %add3A_230 : i32 to index
        %swap3A_232 = arith.constant 64 : index
        %swap3A_233 = tpu.vector_load %arg10[%swap3A_231, %swap3A_232] {strides = array<i32>} : memref<80x128xf32, #tpu.memory_space<vmem>>, vector<16xf32>,
        tpu.vector_store %arg10[%swap3A_231, %swap3A_232], %add3A_198 {strides = array<i32>} : memref<80x128xf32, #tpu.memory_space<vmem>>, vector<16xf32>,
        %mul3A_234 = arith.constant 16 : i32
        %mul3A_235 = arith.muli %scan3A_64, %mul3A_234 : i32
        %add3A_236 = arith.constant 2 : i32
        %add3A_237 = arith.addi %mul3A_235, %add3A_236 : i32
        %swap3A_238 = arith.index_cast %add3A_237 : i32 to index
        %swap3A_239 = arith.constant 80 : index
        %swap3A_240 = tpu.vector_load %arg10[%swap3A_238, %swap3A_239] {strides = array<i32>} : memref<80x128xf32, #tpu.memory_space<vmem>>, vector<16xf32>,
        tpu.vector_store %arg10[%swap3A_238, %swap3A_239], %add3A_198 {strides = array<i32>} : memref<80x128xf32, #tpu.memory_space<vmem>>, vector<16xf32>,
        %mul3A_241 = arith.constant 16 : i32
        %mul3A_242 = arith.muli %scan3A_64, %mul3A_241 : i32
        %add3A_243 = arith.constant 2 : i32
        %add3A_244 = arith.addi %mul3A_242, %add3A_243 : i32
        %swap3A_245 = arith.index_cast %add3A_244 : i32 to index
        %swap3A_246 = arith.constant 96 : index
        %swap3A_247 = tpu.vector_load %arg10[%swap3A_245, %swap3A_246] {strides = array<i32>} : memref<80x128xf32, #tpu.memory_space<vmem>>, vector<16xf32>,
        tpu.vector_store %arg10[%swap3A_245, %swap3A_246], %add3A_198 {strides = array<i32>} : memref<80x128xf32, #tpu.memory_space<vmem>>, vector<16xf32>,
        %mul3A_248 = arith.constant 16 : i32
        %mul3A_249 = arith.muli %scan3A_64, %mul3A_248 : i32
        %add3A_250 = arith.constant 2 : i32
        %add3A_251 = arith.addi %mul3A_249, %add3A_250 : i32
        %swap3A_252 = arith.index_cast %add3A_251 : i32 to index
        %swap3A_253 = arith.constant 112 : index
        %swap3A_254 = tpu.vector_load %arg10[%swap3A_252, %swap3A_253] {strides = array<i32>} : memref<80x128xf32, #tpu.memory_space<vmem>>, vector<16xf32>,
        tpu.vector_store %arg10[%swap3A_252, %swap3A_253], %add3A_198 {strides = array<i32>} : memref<80x128xf32, #tpu.memory_space<vmem>>, vector<16xf32>,
        %broadcast_in_dim3A_255 = arith.constant 0.000000e+00 : f32
        %broadcast_in_dim3A_256 = vector.broadcast %broadcast_in_dim3A_255 : f32 to vector<16xf32>
        %slice3A_257 = vector.extract_strided_slice %get3A_71 {offsets = [3], sizes = [1], strides = [1]} : vector<16xf32> to vector<1xf32>
        %squeeze3A_258 = vector.extract %slice3A_257[0] : f32 from vector<1xf32>
        %add3A_259 = vector.broadcast %squeeze3A_258 : f32 to vector<16xf32>
        %add3A_260 = arith.addf %broadcast_in_dim3A_256, %add3A_259 : vector<16xf32>
        %mul3A_261 = arith.constant 16 : i32
        %mul3A_262 = arith.muli %scan3A_64, %mul3A_261 : i32
        %add3A_263 = arith.constant 3 : i32
        %add3A_264 = arith.addi %mul3A_262, %add3A_263 : i32
        %swap3A_265 = arith.index_cast %add3A_264 : i32 to index
        %swap3A_266 = arith.constant 0 : index
        %swap3A_267 = tpu.vector_load %arg10[%swap3A_265, %swap3A_266] {strides = array<i32>} : memref<80x128xf32, #tpu.memory_space<vmem>>, vector<16xf32>,
        tpu.vector_store %arg10[%swap3A_265, %swap3A_266], %add3A_260 {strides = array<i32>} : memref<80x128xf32, #tpu.memory_space<vmem>>, vector<16xf32>,
        %mul3A_268 = arith.constant 16 : i32
        %mul3A_269 = arith.muli %scan3A_64, %mul3A_268 : i32
        %add3A_270 = arith.constant 3 : i32
        %add3A_271 = arith.addi %mul3A_269, %add3A_270 : i32
        %swap3A_272 = arith.index_cast %add3A_271 : i32 to index
        %swap3A_273 = arith.constant 16 : index
        %swap3A_274 = tpu.vector_load %arg10[%swap3A_272, %swap3A_273] {strides = array<i32>} : memref<80x128xf32, #tpu.memory_space<vmem>>, vector<16xf32>,
        tpu.vector_store %arg10[%swap3A_272, %swap3A_273], %add3A_260 {strides = array<i32>} : memref<80x128xf32, #tpu.memory_space<vmem>>, vector<16xf32>,
        %mul3A_275 = arith.constant 16 : i32
        %mul3A_276 = arith.muli %scan3A_64, %mul3A_275 : i32
        %add3A_277 = arith.constant 3 : i32
        %add3A_278 = arith.addi %mul3A_276, %add3A_277 : i32
        %swap3A_279 = arith.index_cast %add3A_278 : i32 to index
        %swap3A_280 = arith.constant 32 : index
        %swap3A_281 = tpu.vector_load %arg10[%swap3A_279, %swap3A_280] {strides = array<i32>} : memref<80x128xf32, #tpu.memory_space<vmem>>, vector<16xf32>,
        tpu.vector_store %arg10[%swap3A_279, %swap3A_280], %add3A_260 {strides = array<i32>} : memref<80x128xf32, #tpu.memory_space<vmem>>, vector<16xf32>,
        %mul3A_282 = arith.constant 16 : i32
        %mul3A_283 = arith.muli %scan3A_64, %mul3A_282 : i32
        %add3A_284 = arith.constant 3 : i32
        %add3A_285 = arith.addi %mul3A_283, %add3A_284 : i32
        %swap3A_286 = arith.index_cast %add3A_285 : i32 to index
        %swap3A_287 = arith.constant 48 : index
        %swap3A_288 = tpu.vector_load %arg10[%swap3A_286, %swap3A_287] {strides = array<i32>} : memref<80x128xf32, #tpu.memory_space<vmem>>, vector<16xf32>,
        tpu.vector_store %arg10[%swap3A_286, %swap3A_287], %add3A_260 {strides = array<i32>} : memref<80x128xf32, #tpu.memory_space<vmem>>, vector<16xf32>,
        %mul3A_289 = arith.constant 16 : i32
        %mul3A_290 = arith.muli %scan3A_64, %mul3A_289 : i32
        %add3A_291 = arith.constant 3 : i32
        %add3A_292 = arith.addi %mul3A_290, %add3A_291 : i32
        %swap3A_293 = arith.index_cast %add3A_292 : i32 to index
        %swap3A_294 = arith.constant 64 : index
        %swap3A_295 = tpu.vector_load %arg10[%swap3A_293, %swap3A_294] {strides = array<i32>} : memref<80x128xf32, #tpu.memory_space<vmem>>, vector<16xf32>,
        tpu.vector_store %arg10[%swap3A_293, %swap3A_294], %add3A_260 {strides = array<i32>} : memref<80x128xf32, #tpu.memory_space<vmem>>, vector<16xf32>,
        %mul3A_296 = arith.constant 16 : i32
        %mul3A_297 = arith.muli %scan3A_64, %mul3A_296 : i32
        %add3A_298 = arith.constant 3 : i32
        %add3A_299 = arith.addi %mul3A_297, %add3A_298 : i32
        %swap3A_300 = arith.index_cast %add3A_299 : i32 to index
        %swap3A_301 = arith.constant 80 : index
        %swap3A_302 = tpu.vector_load %arg10[%swap3A_300, %swap3A_301] {strides = array<i32>} : memref<80x128xf32, #tpu.memory_space<vmem>>, vector<16xf32>,
        tpu.vector_store %arg10[%swap3A_300, %swap3A_301], %add3A_260 {strides = array<i32>} : memref<80x128xf32, #tpu.memory_space<vmem>>, vector<16xf32>,
        %mul3A_303 = arith.constant 16 : i32
        %mul3A_304 = arith.muli %scan3A_64, %mul3A_303 : i32
        %add3A_305 = arith.constant 3 : i32
        %add3A_306 = arith.addi %mul3A_304, %add3A_305 : i32
        %swap3A_307 = arith.index_cast %add3A_306 : i32 to index
        %swap3A_308 = arith.constant 96 : index
        %swap3A_309 = tpu.vector_load %arg10[%swap3A_307, %swap3A_308] {strides = array<i32>} : memref<80x128xf32, #tpu.memory_space<vmem>>, vector<16xf32>,
        tpu.vector_store %arg10[%swap3A_307, %swap3A_308], %add3A_260 {strides = array<i32>} : memref<80x128xf32, #tpu.memory_space<vmem>>, vector<16xf32>,
        %mul3A_310 = arith.constant 16 : i32
        %mul3A_311 = arith.muli %scan3A_64, %mul3A_310 : i32
        %add3A_312 = arith.constant 3 : i32
        %add3A_313 = arith.addi %mul3A_311, %add3A_312 : i32
        %swap3A_314 = arith.index_cast %add3A_313 : i32 to index
        %swap3A_315 = arith.constant 112 : index
        %swap3A_316 = tpu.vector_load %arg10[%swap3A_314, %swap3A_315] {strides = array<i32>} : memref<80x128xf32, #tpu.memory_space<vmem>>, vector<16xf32>,
        tpu.vector_store %arg10[%swap3A_314, %swap3A_315], %add3A_260 {strides = array<i32>} : memref<80x128xf32, #tpu.memory_space<vmem>>, vector<16xf32>,
        %broadcast_in_dim3A_317 = arith.constant 0.000000e+00 : f32
        %broadcast_in_dim3A_318 = vector.broadcast %broadcast_in_dim3A_317 : f32 to vector<16xf32>
        %slice3A_319 = vector.extract_strided_slice %get3A_71 {offsets = [4], sizes = [1], strides = [1]} : vector<16xf32> to vector<1xf32>
        %squeeze3A_320 = vector.extract %slice3A_319[0] : f32 from vector<1xf32>
        %add3A_321 = vector.broadcast %squeeze3A_320 : f32 to vector<16xf32>
        %add3A_322 = arith.addf %broadcast_in_dim3A_318, %add3A_321 : vector<16xf32>
        %mul3A_323 = arith.constant 16 : i32
        %mul3A_324 = arith.muli %scan3A_64, %mul3A_323 : i32
        %add3A_325 = arith.constant 4 : i32
        %add3A_326 = arith.addi %mul3A_324, %add3A_325 : i32
        %swap3A_327 = arith.index_cast %add3A_326 : i32 to index
        %swap3A_328 = arith.constant 0 : index
        %swap3A_329 = tpu.vector_load %arg10[%swap3A_327, %swap3A_328] {strides = array<i32>} : memref<80x128xf32, #tpu.memory_space<vmem>>, vector<16xf32>,
        tpu.vector_store %arg10[%swap3A_327, %swap3A_328], %add3A_322 {strides = array<i32>} : memref<80x128xf32, #tpu.memory_space<vmem>>, vector<16xf32>,
        %mul3A_330 = arith.constant 16 : i32
        %mul3A_331 = arith.muli %scan3A_64, %mul3A_330 : i32
        %add3A_332 = arith.constant 4 : i32
        %add3A_333 = arith.addi %mul3A_331, %add3A_332 : i32
        %swap3A_334 = arith.index_cast %add3A_333 : i32 to index
        %swap3A_335 = arith.constant 16 : index
        %swap3A_336 = tpu.vector_load %arg10[%swap3A_334, %swap3A_335] {strides = array<i32>} : memref<80x128xf32, #tpu.memory_space<vmem>>, vector<16xf32>,
        tpu.vector_store %arg10[%swap3A_334, %swap3A_335], %add3A_322 {strides = array<i32>} : memref<80x128xf32, #tpu.memory_space<vmem>>, vector<16xf32>,
        %mul3A_337 = arith.constant 16 : i32
        %mul3A_338 = arith.muli %scan3A_64, %mul3A_337 : i32
        %add3A_339 = arith.constant 4 : i32
        %add3A_340 = arith.addi %mul3A_338, %add3A_339 : i32
        %swap3A_341 = arith.index_cast %add3A_340 : i32 to index
        %swap3A_342 = arith.constant 32 : index
        %swap3A_343 = tpu.vector_load %arg10[%swap3A_341, %swap3A_342] {strides = array<i32>} : memref<80x128xf32, #tpu.memory_space<vmem>>, vector<16xf32>,
        tpu.vector_store %arg10[%swap3A_341, %swap3A_342], %add3A_322 {strides = array<i32>} : memref<80x128xf32, #tpu.memory_space<vmem>>, vector<16xf32>,
        %mul3A_344 = arith.constant 16 : i32
        %mul3A_345 = arith.muli %scan3A_64, %mul3A_344 : i32
        %add3A_346 = arith.constant 4 : i32
        %add3A_347 = arith.addi %mul3A_345, %add3A_346 : i32
        %swap3A_348 = arith.index_cast %add3A_347 : i32 to index
        %swap3A_349 = arith.constant 48 : index
        %swap3A_350 = tpu.vector_load %arg10[%swap3A_348, %swap3A_349] {strides = array<i32>} : memref<80x128xf32, #tpu.memory_space<vmem>>, vector<16xf32>,
        tpu.vector_store %arg10[%swap3A_348, %swap3A_349], %add3A_322 {strides = array<i32>} : memref<80x128xf32, #tpu.memory_space<vmem>>, vector<16xf32>,
        %mul3A_351 = arith.constant 16 : i32
        %mul3A_352 = arith.muli %scan3A_64, %mul3A_351 : i32
        %add3A_353 = arith.constant 4 : i32
        %add3A_354 = arith.addi %mul3A_352, %add3A_353 : i32
        %swap3A_355 = arith.index_cast %add3A_354 : i32 to index
        %swap3A_356 = arith.constant 64 : index
        %swap3A_357 = tpu.vector_load %arg10[%swap3A_355, %swap3A_356] {strides = array<i32>} : memref<80x128xf32, #tpu.memory_space<vmem>>, vector<16xf32>,
        tpu.vector_store %arg10[%swap3A_355, %swap3A_356], %add3A_322 {strides = array<i32>} : memref<80x128xf32, #tpu.memory_space<vmem>>, vector<16xf32>,
        %mul3A_358 = arith.constant 16 : i32
        %mul3A_359 = arith.muli %scan3A_64, %mul3A_358 : i32
        %add3A_360 = arith.constant 4 : i32
        %add3A_361 = arith.addi %mul3A_359, %add3A_360 : i32
        %swap3A_362 = arith.index_cast %add3A_361 : i32 to index
        %swap3A_363 = arith.constant 80 : index
        %swap3A_364 = tpu.vector_load %arg10[%swap3A_362, %swap3A_363] {strides = array<i32>} : memref<80x128xf32, #tpu.memory_space<vmem>>, vector<16xf32>,
        tpu.vector_store %arg10[%swap3A_362, %swap3A_363], %add3A_322 {strides = array<i32>} : memref<80x128xf32, #tpu.memory_space<vmem>>, vector<16xf32>,
        %mul3A_365 = arith.constant 16 : i32
        %mul3A_366 = arith.muli %scan3A_64, %mul3A_365 : i32
        %add3A_367 = arith.constant 4 : i32
        %add3A_368 = arith.addi %mul3A_366, %add3A_367 : i32
        %swap3A_369 = arith.index_cast %add3A_368 : i32 to index
        %swap3A_370 = arith.constant 96 : index
        %swap3A_371 = tpu.vector_load %arg10[%swap3A_369, %swap3A_370] {strides = array<i32>} : memref<80x128xf32, #tpu.memory_space<vmem>>, vector<16xf32>,
        tpu.vector_store %arg10[%swap3A_369, %swap3A_370], %add3A_322 {strides = array<i32>} : memref<80x128xf32, #tpu.memory_space<vmem>>, vector<16xf32>,
        %mul3A_372 = arith.constant 16 : i32
        %mul3A_373 = arith.muli %scan3A_64, %mul3A_372 : i32
        %add3A_374 = arith.constant 4 : i32
        %add3A_375 = arith.addi %mul3A_373, %add3A_374 : i32
        %swap3A_376 = arith.index_cast %add3A_375 : i32 to index
        %swap3A_377 = arith.constant 112 : index
        %swap3A_378 = tpu.vector_load %arg10[%swap3A_376, %swap3A_377] {strides = array<i32>} : memref<80x128xf32, #tpu.memory_space<vmem>>, vector<16xf32>,
        tpu.vector_store %arg10[%swap3A_376, %swap3A_377], %add3A_322 {strides = array<i32>} : memref<80x128xf32, #tpu.memory_space<vmem>>, vector<16xf32>,
        %broadcast_in_dim3A_379 = arith.constant 0.000000e+00 : f32
        %broadcast_in_dim3A_380 = vector.broadcast %broadcast_in_dim3A_379 : f32 to vector<16xf32>
        %slice3A_381 = vector.extract_strided_slice %get3A_71 {offsets = [5], sizes = [1], strides = [1]} : vector<16xf32> to vector<1xf32>
        %squeeze3A_382 = vector.extract %slice3A_381[0] : f32 from vector<1xf32>
        %add3A_383 = vector.broadcast %squeeze3A_382 : f32 to vector<16xf32>
        %add3A_384 = arith.addf %broadcast_in_dim3A_380, %add3A_383 : vector<16xf32>
        %mul3A_385 = arith.constant 16 : i32
        %mul3A_386 = arith.muli %scan3A_64, %mul3A_385 : i32
        %add3A_387 = arith.constant 5 : i32
        %add3A_388 = arith.addi %mul3A_386, %add3A_387 : i32
        %swap3A_389 = arith.index_cast %add3A_388 : i32 to index
        %swap3A_390 = arith.constant 0 : index
        %swap3A_391 = tpu.vector_load %arg10[%swap3A_389, %swap3A_390] {strides = array<i32>} : memref<80x128xf32, #tpu.memory_space<vmem>>, vector<16xf32>,
        tpu.vector_store %arg10[%swap3A_389, %swap3A_390], %add3A_384 {strides = array<i32>} : memref<80x128xf32, #tpu.memory_space<vmem>>, vector<16xf32>,
        %mul3A_392 = arith.constant 16 : i32
        %mul3A_393 = arith.muli %scan3A_64, %mul3A_392 : i32
        %add3A_394 = arith.constant 5 : i32
        %add3A_395 = arith.addi %mul3A_393, %add3A_394 : i32
        %swap3A_396 = arith.index_cast %add3A_395 : i32 to index
        %swap3A_397 = arith.constant 16 : index
        %swap3A_398 = tpu.vector_load %arg10[%swap3A_396, %swap3A_397] {strides = array<i32>} : memref<80x128xf32, #tpu.memory_space<vmem>>, vector<16xf32>,
        tpu.vector_store %arg10[%swap3A_396, %swap3A_397], %add3A_384 {strides = array<i32>} : memref<80x128xf32, #tpu.memory_space<vmem>>, vector<16xf32>,
        %mul3A_399 = arith.constant 16 : i32
        %mul3A_400 = arith.muli %scan3A_64, %mul3A_399 : i32
        %add3A_401 = arith.constant 5 : i32
        %add3A_402 = arith.addi %mul3A_400, %add3A_401 : i32
        %swap3A_403 = arith.index_cast %add3A_402 : i32 to index
        %swap3A_404 = arith.constant 32 : index
        %swap3A_405 = tpu.vector_load %arg10[%swap3A_403, %swap3A_404] {strides = array<i32>} : memref<80x128xf32, #tpu.memory_space<vmem>>, vector<16xf32>,
        tpu.vector_store %arg10[%swap3A_403, %swap3A_404], %add3A_384 {strides = array<i32>} : memref<80x128xf32, #tpu.memory_space<vmem>>, vector<16xf32>,
        %mul3A_406 = arith.constant 16 : i32
        %mul3A_407 = arith.muli %scan3A_64, %mul3A_406 : i32
        %add3A_408 = arith.constant 5 : i32
        %add3A_409 = arith.addi %mul3A_407, %add3A_408 : i32
        %swap3A_410 = arith.index_cast %add3A_409 : i32 to index
        %swap3A_411 = arith.constant 48 : index
        %swap3A_412 = tpu.vector_load %arg10[%swap3A_410, %swap3A_411] {strides = array<i32>} : memref<80x128xf32, #tpu.memory_space<vmem>>, vector<16xf32>,
        tpu.vector_store %arg10[%swap3A_410, %swap3A_411], %add3A_384 {strides = array<i32>} : memref<80x128xf32, #tpu.memory_space<vmem>>, vector<16xf32>,
        %mul3A_413 = arith.constant 16 : i32
        %mul3A_414 = arith.muli %scan3A_64, %mul3A_413 : i32
        %add3A_415 = arith.constant 5 : i32
        %add3A_416 = arith.addi %mul3A_414, %add3A_415 : i32
        %swap3A_417 = arith.index_cast %add3A_416 : i32 to index
        %swap3A_418 = arith.constant 64 : index
        %swap3A_419 = tpu.vector_load %arg10[%swap3A_417, %swap3A_418] {strides = array<i32>} : memref<80x128xf32, #tpu.memory_space<vmem>>, vector<16xf32>,
        tpu.vector_store %arg10[%swap3A_417, %swap3A_418], %add3A_384 {strides = array<i32>} : memref<80x128xf32, #tpu.memory_space<vmem>>, vector<16xf32>,
        %mul3A_420 = arith.constant 16 : i32
        %mul3A_421 = arith.muli %scan3A_64, %mul3A_420 : i32
        %add3A_422 = arith.constant 5 : i32
        %add3A_423 = arith.addi %mul3A_421, %add3A_422 : i32
        %swap3A_424 = arith.index_cast %add3A_423 : i32 to index
        %swap3A_425 = arith.constant 80 : index
        %swap3A_426 = tpu.vector_load %arg10[%swap3A_424, %swap3A_425] {strides = array<i32>} : memref<80x128xf32, #tpu.memory_space<vmem>>, vector<16xf32>,
        tpu.vector_store %arg10[%swap3A_424, %swap3A_425], %add3A_384 {strides = array<i32>} : memref<80x128xf32, #tpu.memory_space<vmem>>, vector<16xf32>,
        %mul3A_427 = arith.constant 16 : i32
        %mul3A_428 = arith.muli %scan3A_64, %mul3A_427 : i32
        %add3A_429 = arith.constant 5 : i32
        %add3A_430 = arith.addi %mul3A_428, %add3A_429 : i32
        %swap3A_431 = arith.index_cast %add3A_430 : i32 to index
        %swap3A_432 = arith.constant 96 : index
        %swap3A_433 = tpu.vector_load %arg10[%swap3A_431, %swap3A_432] {strides = array<i32>} : memref<80x128xf32, #tpu.memory_space<vmem>>, vector<16xf32>,
        tpu.vector_store %arg10[%swap3A_431, %swap3A_432], %add3A_384 {strides = array<i32>} : memref<80x128xf32, #tpu.memory_space<vmem>>, vector<16xf32>,
        %mul3A_434 = arith.constant 16 : i32
        %mul3A_435 = arith.muli %scan3A_64, %mul3A_434 : i32
        %add3A_436 = arith.constant 5 : i32
        %add3A_437 = arith.addi %mul3A_435, %add3A_436 : i32
        %swap3A_438 = arith.index_cast %add3A_437 : i32 to index
        %swap3A_439 = arith.constant 112 : index
        %swap3A_440 = tpu.vector_load %arg10[%swap3A_438, %swap3A_439] {strides = array<i32>} : memref<80x128xf32, #tpu.memory_space<vmem>>, vector<16xf32>,
        tpu.vector_store %arg10[%swap3A_438, %swap3A_439], %add3A_384 {strides = array<i32>} : memref<80x128xf32, #tpu.memory_space<vmem>>, vector<16xf32>,
        %broadcast_in_dim3A_441 = arith.constant 0.000000e+00 : f32
        %broadcast_in_dim3A_442 = vector.broadcast %broadcast_in_dim3A_441 : f32 to vector<16xf32>
        %slice3A_443 = vector.extract_strided_slice %get3A_71 {offsets = [6], sizes = [1], strides = [1]} : vector<16xf32> to vector<1xf32>
        %squeeze3A_444 = vector.extract %slice3A_443[0] : f32 from vector<1xf32>
        %add3A_445 = vector.broadcast %squeeze3A_444 : f32 to vector<16xf32>
        %add3A_446 = arith.addf %broadcast_in_dim3A_442, %add3A_445 : vector<16xf32>
        %mul3A_447 = arith.constant 16 : i32
        %mul3A_448 = arith.muli %scan3A_64, %mul3A_447 : i32
        %add3A_449 = arith.constant 6 : i32
        %add3A_450 = arith.addi %mul3A_448, %add3A_449 : i32
        %swap3A_451 = arith.index_cast %add3A_450 : i32 to index
        %swap3A_452 = arith.constant 0 : index
        %swap3A_453 = tpu.vector_load %arg10[%swap3A_451, %swap3A_452] {strides = array<i32>} : memref<80x128xf32, #tpu.memory_space<vmem>>, vector<16xf32>,
        tpu.vector_store %arg10[%swap3A_451, %swap3A_452], %add3A_446 {strides = array<i32>} : memref<80x128xf32, #tpu.memory_space<vmem>>, vector<16xf32>,
        %mul3A_454 = arith.constant 16 : i32
        %mul3A_455 = arith.muli %scan3A_64, %mul3A_454 : i32
        %add3A_456 = arith.constant 6 : i32
        %add3A_457 = arith.addi %mul3A_455, %add3A_456 : i32
        %swap3A_458 = arith.index_cast %add3A_457 : i32 to index
        %swap3A_459 = arith.constant 16 : index
        %swap3A_460 = tpu.vector_load %arg10[%swap3A_458, %swap3A_459] {strides = array<i32>} : memref<80x128xf32, #tpu.memory_space<vmem>>, vector<16xf32>,
        tpu.vector_store %arg10[%swap3A_458, %swap3A_459], %add3A_446 {strides = array<i32>} : memref<80x128xf32, #tpu.memory_space<vmem>>, vector<16xf32>,
        %mul3A_461 = arith.constant 16 : i32
        %mul3A_462 = arith.muli %scan3A_64, %mul3A_461 : i32
        %add3A_463 = arith.constant 6 : i32
        %add3A_464 = arith.addi %mul3A_462, %add3A_463 : i32
        %swap3A_465 = arith.index_cast %add3A_464 : i32 to index
        %swap3A_466 = arith.constant 32 : index
        %swap3A_467 = tpu.vector_load %arg10[%swap3A_465, %swap3A_466] {strides = array<i32>} : memref<80x128xf32, #tpu.memory_space<vmem>>, vector<16xf32>,
        tpu.vector_store %arg10[%swap3A_465, %swap3A_466], %add3A_446 {strides = array<i32>} : memref<80x128xf32, #tpu.memory_space<vmem>>, vector<16xf32>,
        %mul3A_468 = arith.constant 16 : i32
        %mul3A_469 = arith.muli %scan3A_64, %mul3A_468 : i32
        %add3A_470 = arith.constant 6 : i32
        %add3A_471 = arith.addi %mul3A_469, %add3A_470 : i32
        %swap3A_472 = arith.index_cast %add3A_471 : i32 to index
        %swap3A_473 = arith.constant 48 : index
        %swap3A_474 = tpu.vector_load %arg10[%swap3A_472, %swap3A_473] {strides = array<i32>} : memref<80x128xf32, #tpu.memory_space<vmem>>, vector<16xf32>,
        tpu.vector_store %arg10[%swap3A_472, %swap3A_473], %add3A_446 {strides = array<i32>} : memref<80x128xf32, #tpu.memory_space<vmem>>, vector<16xf32>,
        %mul3A_475 = arith.constant 16 : i32
        %mul3A_476 = arith.muli %scan3A_64, %mul3A_475 : i32
        %add3A_477 = arith.constant 6 : i32
        %add3A_478 = arith.addi %mul3A_476, %add3A_477 : i32
        %swap3A_479 = arith.index_cast %add3A_478 : i32 to index
        %swap3A_480 = arith.constant 64 : index
        %swap3A_481 = tpu.vector_load %arg10[%swap3A_479, %swap3A_480] {strides = array<i32>} : memref<80x128xf32, #tpu.memory_space<vmem>>, vector<16xf32>,
        tpu.vector_store %arg10[%swap3A_479, %swap3A_480], %add3A_446 {strides = array<i32>} : memref<80x128xf32, #tpu.memory_space<vmem>>, vector<16xf32>,
        %mul3A_482 = arith.constant 16 : i32
        %mul3A_483 = arith.muli %scan3A_64, %mul3A_482 : i32
        %add3A_484 = arith.constant 6 : i32
        %add3A_485 = arith.addi %mul3A_483, %add3A_484 : i32
        %swap3A_486 = arith.index_cast %add3A_485 : i32 to index
        %swap3A_487 = arith.constant 80 : index
        %swap3A_488 = tpu.vector_load %arg10[%swap3A_486, %swap3A_487] {strides = array<i32>} : memref<80x128xf32, #tpu.memory_space<vmem>>, vector<16xf32>,
        tpu.vector_store %arg10[%swap3A_486, %swap3A_487], %add3A_446 {strides = array<i32>} : memref<80x128xf32, #tpu.memory_space<vmem>>, vector<16xf32>,
        %mul3A_489 = arith.constant 16 : i32
        %mul3A_490 = arith.muli %scan3A_64, %mul3A_489 : i32
        %add3A_491 = arith.constant 6 : i32
        %add3A_492 = arith.addi %mul3A_490, %add3A_491 : i32
        %swap3A_493 = arith.index_cast %add3A_492 : i32 to index
        %swap3A_494 = arith.constant 96 : index
        %swap3A_495 = tpu.vector_load %arg10[%swap3A_493, %swap3A_494] {strides = array<i32>} : memref<80x128xf32, #tpu.memory_space<vmem>>, vector<16xf32>,
        tpu.vector_store %arg10[%swap3A_493, %swap3A_494], %add3A_446 {strides = array<i32>} : memref<80x128xf32, #tpu.memory_space<vmem>>, vector<16xf32>,
        %mul3A_496 = arith.constant 16 : i32
        %mul3A_497 = arith.muli %scan3A_64, %mul3A_496 : i32
        %add3A_498 = arith.constant 6 : i32
        %add3A_499 = arith.addi %mul3A_497, %add3A_498 : i32
        %swap3A_500 = arith.index_cast %add3A_499 : i32 to index
        %swap3A_501 = arith.constant 112 : index
        %swap3A_502 = tpu.vector_load %arg10[%swap3A_500, %swap3A_501] {strides = array<i32>} : memref<80x128xf32, #tpu.memory_space<vmem>>, vector<16xf32>,
        tpu.vector_store %arg10[%swap3A_500, %swap3A_501], %add3A_446 {strides = array<i32>} : memref<80x128xf32, #tpu.memory_space<vmem>>, vector<16xf32>,
        %broadcast_in_dim3A_503 = arith.constant 0.000000e+00 : f32
        %broadcast_in_dim3A_504 = vector.broadcast %broadcast_in_dim3A_503 : f32 to vector<16xf32>
        %slice3A_505 = vector.extract_strided_slice %get3A_71 {offsets = [7], sizes = [1], strides = [1]} : vector<16xf32> to vector<1xf32>
        %squeeze3A_506 = vector.extract %slice3A_505[0] : f32 from vector<1xf32>
        %add3A_507 = vector.broadcast %squeeze3A_506 : f32 to vector<16xf32>
        %add3A_508 = arith.addf %broadcast_in_dim3A_504, %add3A_507 : vector<16xf32>
        %mul3A_509 = arith.constant 16 : i32
        %mul3A_510 = arith.muli %scan3A_64, %mul3A_509 : i32
        %add3A_511 = arith.constant 7 : i32
        %add3A_512 = arith.addi %mul3A_510, %add3A_511 : i32
        %swap3A_513 = arith.index_cast %add3A_512 : i32 to index
        %swap3A_514 = arith.constant 0 : index
        %swap3A_515 = tpu.vector_load %arg10[%swap3A_513, %swap3A_514] {strides = array<i32>} : memref<80x128xf32, #tpu.memory_space<vmem>>, vector<16xf32>,
        tpu.vector_store %arg10[%swap3A_513, %swap3A_514], %add3A_508 {strides = array<i32>} : memref<80x128xf32, #tpu.memory_space<vmem>>, vector<16xf32>,
        %mul3A_516 = arith.constant 16 : i32
        %mul3A_517 = arith.muli %scan3A_64, %mul3A_516 : i32
        %add3A_518 = arith.constant 7 : i32
        %add3A_519 = arith.addi %mul3A_517, %add3A_518 : i32
        %swap3A_520 = arith.index_cast %add3A_519 : i32 to index
        %swap3A_521 = arith.constant 16 : index
        %swap3A_522 = tpu.vector_load %arg10[%swap3A_520, %swap3A_521] {strides = array<i32>} : memref<80x128xf32, #tpu.memory_space<vmem>>, vector<16xf32>,
        tpu.vector_store %arg10[%swap3A_520, %swap3A_521], %add3A_508 {strides = array<i32>} : memref<80x128xf32, #tpu.memory_space<vmem>>, vector<16xf32>,
        %mul3A_523 = arith.constant 16 : i32
        %mul3A_524 = arith.muli %scan3A_64, %mul3A_523 : i32
        %add3A_525 = arith.constant 7 : i32
        %add3A_526 = arith.addi %mul3A_524, %add3A_525 : i32
        %swap3A_527 = arith.index_cast %add3A_526 : i32 to index
        %swap3A_528 = arith.constant 32 : index
        %swap3A_529 = tpu.vector_load %arg10[%swap3A_527, %swap3A_528] {strides = array<i32>} : memref<80x128xf32, #tpu.memory_space<vmem>>, vector<16xf32>,
        tpu.vector_store %arg10[%swap3A_527, %swap3A_528], %add3A_508 {strides = array<i32>} : memref<80x128xf32, #tpu.memory_space<vmem>>, vector<16xf32>,
        %mul3A_530 = arith.constant 16 : i32
        %mul3A_531 = arith.muli %scan3A_64, %mul3A_530 : i32
        %add3A_532 = arith.constant 7 : i32
        %add3A_533 = arith.addi %mul3A_531, %add3A_532 : i32
        %swap3A_534 = arith.index_cast %add3A_533 : i32 to index
        %swap3A_535 = arith.constant 48 : index
        %swap3A_536 = tpu.vector_load %arg10[%swap3A_534, %swap3A_535] {strides = array<i32>} : memref<80x128xf32, #tpu.memory_space<vmem>>, vector<16xf32>,
        tpu.vector_store %arg10[%swap3A_534, %swap3A_535], %add3A_508 {strides = array<i32>} : memref<80x128xf32, #tpu.memory_space<vmem>>, vector<16xf32>,
        %mul3A_537 = arith.constant 16 : i32
        %mul3A_538 = arith.muli %scan3A_64, %mul3A_537 : i32
        %add3A_539 = arith.constant 7 : i32
        %add3A_540 = arith.addi %mul3A_538, %add3A_539 : i32
        %swap3A_541 = arith.index_cast %add3A_540 : i32 to index
        %swap3A_542 = arith.constant 64 : index
        %swap3A_543 = tpu.vector_load %arg10[%swap3A_541, %swap3A_542] {strides = array<i32>} : memref<80x128xf32, #tpu.memory_space<vmem>>, vector<16xf32>,
        tpu.vector_store %arg10[%swap3A_541, %swap3A_542], %add3A_508 {strides = array<i32>} : memref<80x128xf32, #tpu.memory_space<vmem>>, vector<16xf32>,
        %mul3A_544 = arith.constant 16 : i32
        %mul3A_545 = arith.muli %scan3A_64, %mul3A_544 : i32
        %add3A_546 = arith.constant 7 : i32
        %add3A_547 = arith.addi %mul3A_545, %add3A_546 : i32
        %swap3A_548 = arith.index_cast %add3A_547 : i32 to index
        %swap3A_549 = arith.constant 80 : index
        %swap3A_550 = tpu.vector_load %arg10[%swap3A_548, %swap3A_549] {strides = array<i32>} : memref<80x128xf32, #tpu.memory_space<vmem>>, vector<16xf32>,
        tpu.vector_store %arg10[%swap3A_548, %swap3A_549], %add3A_508 {strides = array<i32>} : memref<80x128xf32, #tpu.memory_space<vmem>>, vector<16xf32>,
        %mul3A_551 = arith.constant 16 : i32
        %mul3A_552 = arith.muli %scan3A_64, %mul3A_551 : i32
        %add3A_553 = arith.constant 7 : i32
        %add3A_554 = arith.addi %mul3A_552, %add3A_553 : i32
        %swap3A_555 = arith.index_cast %add3A_554 : i32 to index
        %swap3A_556 = arith.constant 96 : index
        %swap3A_557 = tpu.vector_load %arg10[%swap3A_555, %swap3A_556] {strides = array<i32>} : memref<80x128xf32, #tpu.memory_space<vmem>>, vector<16xf32>,
        tpu.vector_store %arg10[%swap3A_555, %swap3A_556], %add3A_508 {strides = array<i32>} : memref<80x128xf32, #tpu.memory_space<vmem>>, vector<16xf32>,
        %mul3A_558 = arith.constant 16 : i32
        %mul3A_559 = arith.muli %scan3A_64, %mul3A_558 : i32
        %add3A_560 = arith.constant 7 : i32
        %add3A_561 = arith.addi %mul3A_559, %add3A_560 : i32
        %swap3A_562 = arith.index_cast %add3A_561 : i32 to index
        %swap3A_563 = arith.constant 112 : index
        %swap3A_564 = tpu.vector_load %arg10[%swap3A_562, %swap3A_563] {strides = array<i32>} : memref<80x128xf32, #tpu.memory_space<vmem>>, vector<16xf32>,
        tpu.vector_store %arg10[%swap3A_562, %swap3A_563], %add3A_508 {strides = array<i32>} : memref<80x128xf32, #tpu.memory_space<vmem>>, vector<16xf32>,
        %broadcast_in_dim3A_565 = arith.constant 0.000000e+00 : f32
        %broadcast_in_dim3A_566 = vector.broadcast %broadcast_in_dim3A_565 : f32 to vector<16xf32>
        %slice3A_567 = vector.extract_strided_slice %get3A_71 {offsets = [8], sizes = [1], strides = [1]} : vector<16xf32> to vector<1xf32>
        %squeeze3A_568 = vector.extract %slice3A_567[0] : f32 from vector<1xf32>
        %add3A_569 = vector.broadcast %squeeze3A_568 : f32 to vector<16xf32>
        %add3A_570 = arith.addf %broadcast_in_dim3A_566, %add3A_569 : vector<16xf32>
        %mul3A_571 = arith.constant 16 : i32
        %mul3A_572 = arith.muli %scan3A_64, %mul3A_571 : i32
        %add3A_573 = arith.constant 8 : i32
        %add3A_574 = arith.addi %mul3A_572, %add3A_573 : i32
        %swap3A_575 = arith.index_cast %add3A_574 : i32 to index
        %swap3A_576 = arith.constant 0 : index
        %swap3A_577 = tpu.vector_load %arg10[%swap3A_575, %swap3A_576] {strides = array<i32>} : memref<80x128xf32, #tpu.memory_space<vmem>>, vector<16xf32>,
        tpu.vector_store %arg10[%swap3A_575, %swap3A_576], %add3A_570 {strides = array<i32>} : memref<80x128xf32, #tpu.memory_space<vmem>>, vector<16xf32>,
        %mul3A_578 = arith.constant 16 : i32
        %mul3A_579 = arith.muli %scan3A_64, %mul3A_578 : i32
        %add3A_580 = arith.constant 8 : i32
        %add3A_581 = arith.addi %mul3A_579, %add3A_580 : i32
        %swap3A_582 = arith.index_cast %add3A_581 : i32 to index
        %swap3A_583 = arith.constant 16 : index
        %swap3A_584 = tpu.vector_load %arg10[%swap3A_582, %swap3A_583] {strides = array<i32>} : memref<80x128xf32, #tpu.memory_space<vmem>>, vector<16xf32>,
        tpu.vector_store %arg10[%swap3A_582, %swap3A_583], %add3A_570 {strides = array<i32>} : memref<80x128xf32, #tpu.memory_space<vmem>>, vector<16xf32>,
        %mul3A_585 = arith.constant 16 : i32
        %mul3A_586 = arith.muli %scan3A_64, %mul3A_585 : i32
        %add3A_587 = arith.constant 8 : i32
        %add3A_588 = arith.addi %mul3A_586, %add3A_587 : i32
        %swap3A_589 = arith.index_cast %add3A_588 : i32 to index
        %swap3A_590 = arith.constant 32 : index
        %swap3A_591 = tpu.vector_load %arg10[%swap3A_589, %swap3A_590] {strides = array<i32>} : memref<80x128xf32, #tpu.memory_space<vmem>>, vector<16xf32>,
        tpu.vector_store %arg10[%swap3A_589, %swap3A_590], %add3A_570 {strides = array<i32>} : memref<80x128xf32, #tpu.memory_space<vmem>>, vector<16xf32>,
        %mul3A_592 = arith.constant 16 : i32
        %mul3A_593 = arith.muli %scan3A_64, %mul3A_592 : i32
        %add3A_594 = arith.constant 8 : i32
        %add3A_595 = arith.addi %mul3A_593, %add3A_594 : i32
        %swap3A_596 = arith.index_cast %add3A_595 : i32 to index
        %swap3A_597 = arith.constant 48 : index
        %swap3A_598 = tpu.vector_load %arg10[%swap3A_596, %swap3A_597] {strides = array<i32>} : memref<80x128xf32, #tpu.memory_space<vmem>>, vector<16xf32>,
        tpu.vector_store %arg10[%swap3A_596, %swap3A_597], %add3A_570 {strides = array<i32>} : memref<80x128xf32, #tpu.memory_space<vmem>>, vector<16xf32>,
        %mul3A_599 = arith.constant 16 : i32
        %mul3A_600 = arith.muli %scan3A_64, %mul3A_599 : i32
        %add3A_601 = arith.constant 8 : i32
        %add3A_602 = arith.addi %mul3A_600, %add3A_601 : i32
        %swap3A_603 = arith.index_cast %add3A_602 : i32 to index
        %swap3A_604 = arith.constant 64 : index
        %swap3A_605 = tpu.vector_load %arg10[%swap3A_603, %swap3A_604] {strides = array<i32>} : memref<80x128xf32, #tpu.memory_space<vmem>>, vector<16xf32>,
        tpu.vector_store %arg10[%swap3A_603, %swap3A_604], %add3A_570 {strides = array<i32>} : memref<80x128xf32, #tpu.memory_space<vmem>>, vector<16xf32>,
        %mul3A_606 = arith.constant 16 : i32
        %mul3A_607 = arith.muli %scan3A_64, %mul3A_606 : i32
        %add3A_608 = arith.constant 8 : i32
        %add3A_609 = arith.addi %mul3A_607, %add3A_608 : i32
        %swap3A_610 = arith.index_cast %add3A_609 : i32 to index
        %swap3A_611 = arith.constant 80 : index
        %swap3A_612 = tpu.vector_load %arg10[%swap3A_610, %swap3A_611] {strides = array<i32>} : memref<80x128xf32, #tpu.memory_space<vmem>>, vector<16xf32>,
        tpu.vector_store %arg10[%swap3A_610, %swap3A_611], %add3A_570 {strides = array<i32>} : memref<80x128xf32, #tpu.memory_space<vmem>>, vector<16xf32>,
        %mul3A_613 = arith.constant 16 : i32
        %mul3A_614 = arith.muli %scan3A_64, %mul3A_613 : i32
        %add3A_615 = arith.constant 8 : i32
        %add3A_616 = arith.addi %mul3A_614, %add3A_615 : i32
        %swap3A_617 = arith.index_cast %add3A_616 : i32 to index
        %swap3A_618 = arith.constant 96 : index
        %swap3A_619 = tpu.vector_load %arg10[%swap3A_617, %swap3A_618] {strides = array<i32>} : memref<80x128xf32, #tpu.memory_space<vmem>>, vector<16xf32>,
        tpu.vector_store %arg10[%swap3A_617, %swap3A_618], %add3A_570 {strides = array<i32>} : memref<80x128xf32, #tpu.memory_space<vmem>>, vector<16xf32>,
        %mul3A_620 = arith.constant 16 : i32
        %mul3A_621 = arith.muli %scan3A_64, %mul3A_620 : i32
        %add3A_622 = arith.constant 8 : i32
        %add3A_623 = arith.addi %mul3A_621, %add3A_622 : i32
        %swap3A_624 = arith.index_cast %add3A_623 : i32 to index
        %swap3A_625 = arith.constant 112 : index
        %swap3A_626 = tpu.vector_load %arg10[%swap3A_624, %swap3A_625] {strides = array<i32>} : memref<80x128xf32, #tpu.memory_space<vmem>>, vector<16xf32>,
        tpu.vector_store %arg10[%swap3A_624, %swap3A_625], %add3A_570 {strides = array<i32>} : memref<80x128xf32, #tpu.memory_space<vmem>>, vector<16xf32>,
        %broadcast_in_dim3A_627 = arith.constant 0.000000e+00 : f32
        %broadcast_in_dim3A_628 = vector.broadcast %broadcast_in_dim3A_627 : f32 to vector<16xf32>
        %slice3A_629 = vector.extract_strided_slice %get3A_71 {offsets = [9], sizes = [1], strides = [1]} : vector<16xf32> to vector<1xf32>
        %squeeze3A_630 = vector.extract %slice3A_629[0] : f32 from vector<1xf32>
        %add3A_631 = vector.broadcast %squeeze3A_630 : f32 to vector<16xf32>
        %add3A_632 = arith.addf %broadcast_in_dim3A_628, %add3A_631 : vector<16xf32>
        %mul3A_633 = arith.constant 16 : i32
        %mul3A_634 = arith.muli %scan3A_64, %mul3A_633 : i32
        %add3A_635 = arith.constant 9 : i32
        %add3A_636 = arith.addi %mul3A_634, %add3A_635 : i32
        %swap3A_637 = arith.index_cast %add3A_636 : i32 to index
        %swap3A_638 = arith.constant 0 : index
        %swap3A_639 = tpu.vector_load %arg10[%swap3A_637, %swap3A_638] {strides = array<i32>} : memref<80x128xf32, #tpu.memory_space<vmem>>, vector<16xf32>,
        tpu.vector_store %arg10[%swap3A_637, %swap3A_638], %add3A_632 {strides = array<i32>} : memref<80x128xf32, #tpu.memory_space<vmem>>, vector<16xf32>,
        %mul3A_640 = arith.constant 16 : i32
        %mul3A_641 = arith.muli %scan3A_64, %mul3A_640 : i32
        %add3A_642 = arith.constant 9 : i32
        %add3A_643 = arith.addi %mul3A_641, %add3A_642 : i32
        %swap3A_644 = arith.index_cast %add3A_643 : i32 to index
        %swap3A_645 = arith.constant 16 : index
        %swap3A_646 = tpu.vector_load %arg10[%swap3A_644, %swap3A_645] {strides = array<i32>} : memref<80x128xf32, #tpu.memory_space<vmem>>, vector<16xf32>,
        tpu.vector_store %arg10[%swap3A_644, %swap3A_645], %add3A_632 {strides = array<i32>} : memref<80x128xf32, #tpu.memory_space<vmem>>, vector<16xf32>,
        %mul3A_647 = arith.constant 16 : i32
        %mul3A_648 = arith.muli %scan3A_64, %mul3A_647 : i32
        %add3A_649 = arith.constant 9 : i32
        %add3A_650 = arith.addi %mul3A_648, %add3A_649 : i32
        %swap3A_651 = arith.index_cast %add3A_650 : i32 to index
        %swap3A_652 = arith.constant 32 : index
        %swap3A_653 = tpu.vector_load %arg10[%swap3A_651, %swap3A_652] {strides = array<i32>} : memref<80x128xf32, #tpu.memory_space<vmem>>, vector<16xf32>,
        tpu.vector_store %arg10[%swap3A_651, %swap3A_652], %add3A_632 {strides = array<i32>} : memref<80x128xf32, #tpu.memory_space<vmem>>, vector<16xf32>,
        %mul3A_654 = arith.constant 16 : i32
        %mul3A_655 = arith.muli %scan3A_64, %mul3A_654 : i32
        %add3A_656 = arith.constant 9 : i32
        %add3A_657 = arith.addi %mul3A_655, %add3A_656 : i32
        %swap3A_658 = arith.index_cast %add3A_657 : i32 to index
        %swap3A_659 = arith.constant 48 : index
        %swap3A_660 = tpu.vector_load %arg10[%swap3A_658, %swap3A_659] {strides = array<i32>} : memref<80x128xf32, #tpu.memory_space<vmem>>, vector<16xf32>,
        tpu.vector_store %arg10[%swap3A_658, %swap3A_659], %add3A_632 {strides = array<i32>} : memref<80x128xf32, #tpu.memory_space<vmem>>, vector<16xf32>,
        %mul3A_661 = arith.constant 16 : i32
        %mul3A_662 = arith.muli %scan3A_64, %mul3A_661 : i32
        %add3A_663 = arith.constant 9 : i32
        %add3A_664 = arith.addi %mul3A_662, %add3A_663 : i32
        %swap3A_665 = arith.index_cast %add3A_664 : i32 to index
        %swap3A_666 = arith.constant 64 : index
        %swap3A_667 = tpu.vector_load %arg10[%swap3A_665, %swap3A_666] {strides = array<i32>} : memref<80x128xf32, #tpu.memory_space<vmem>>, vector<16xf32>,
        tpu.vector_store %arg10[%swap3A_665, %swap3A_666], %add3A_632 {strides = array<i32>} : memref<80x128xf32, #tpu.memory_space<vmem>>, vector<16xf32>,
        %mul3A_668 = arith.constant 16 : i32
        %mul3A_669 = arith.muli %scan3A_64, %mul3A_668 : i32
        %add3A_670 = arith.constant 9 : i32
        %add3A_671 = arith.addi %mul3A_669, %add3A_670 : i32
        %swap3A_672 = arith.index_cast %add3A_671 : i32 to index
        %swap3A_673 = arith.constant 80 : index
        %swap3A_674 = tpu.vector_load %arg10[%swap3A_672, %swap3A_673] {strides = array<i32>} : memref<80x128xf32, #tpu.memory_space<vmem>>, vector<16xf32>,
        tpu.vector_store %arg10[%swap3A_672, %swap3A_673], %add3A_632 {strides = array<i32>} : memref<80x128xf32, #tpu.memory_space<vmem>>, vector<16xf32>,
        %mul3A_675 = arith.constant 16 : i32
        %mul3A_676 = arith.muli %scan3A_64, %mul3A_675 : i32
        %add3A_677 = arith.constant 9 : i32
        %add3A_678 = arith.addi %mul3A_676, %add3A_677 : i32
        %swap3A_679 = arith.index_cast %add3A_678 : i32 to index
        %swap3A_680 = arith.constant 96 : index
        %swap3A_681 = tpu.vector_load %arg10[%swap3A_679, %swap3A_680] {strides = array<i32>} : memref<80x128xf32, #tpu.memory_space<vmem>>, vector<16xf32>,
        tpu.vector_store %arg10[%swap3A_679, %swap3A_680], %add3A_632 {strides = array<i32>} : memref<80x128xf32, #tpu.memory_space<vmem>>, vector<16xf32>,
        %mul3A_682 = arith.constant 16 : i32
        %mul3A_683 = arith.muli %scan3A_64, %mul3A_682 : i32
        %add3A_684 = arith.constant 9 : i32
        %add3A_685 = arith.addi %mul3A_683, %add3A_684 : i32
        %swap3A_686 = arith.index_cast %add3A_685 : i32 to index
        %swap3A_687 = arith.constant 112 : index
        %swap3A_688 = tpu.vector_load %arg10[%swap3A_686, %swap3A_687] {strides = array<i32>} : memref<80x128xf32, #tpu.memory_space<vmem>>, vector<16xf32>,
        tpu.vector_store %arg10[%swap3A_686, %swap3A_687], %add3A_632 {strides = array<i32>} : memref<80x128xf32, #tpu.memory_space<vmem>>, vector<16xf32>,
        %broadcast_in_dim3A_689 = arith.constant 0.000000e+00 : f32
        %broadcast_in_dim3A_690 = vector.broadcast %broadcast_in_dim3A_689 : f32 to vector<16xf32>
        %slice3A_691 = vector.extract_strided_slice %get3A_71 {offsets = [10], sizes = [1], strides = [1]} : vector<16xf32> to vector<1xf32>
        %squeeze3A_692 = vector.extract %slice3A_691[0] : f32 from vector<1xf32>
        %add3A_693 = vector.broadcast %squeeze3A_692 : f32 to vector<16xf32>
        %add3A_694 = arith.addf %broadcast_in_dim3A_690, %add3A_693 : vector<16xf32>
        %mul3A_695 = arith.constant 16 : i32
        %mul3A_696 = arith.muli %scan3A_64, %mul3A_695 : i32
        %add3A_697 = arith.constant 10 : i32
        %add3A_698 = arith.addi %mul3A_696, %add3A_697 : i32
        %swap3A_699 = arith.index_cast %add3A_698 : i32 to index
        %swap3A_700 = arith.constant 0 : index
        %swap3A_701 = tpu.vector_load %arg10[%swap3A_699, %swap3A_700] {strides = array<i32>} : memref<80x128xf32, #tpu.memory_space<vmem>>, vector<16xf32>,
        tpu.vector_store %arg10[%swap3A_699, %swap3A_700], %add3A_694 {strides = array<i32>} : memref<80x128xf32, #tpu.memory_space<vmem>>, vector<16xf32>,
        %mul3A_702 = arith.constant 16 : i32
        %mul3A_703 = arith.muli %scan3A_64, %mul3A_702 : i32
        %add3A_704 = arith.constant 10 : i32
        %add3A_705 = arith.addi %mul3A_703, %add3A_704 : i32
        %swap3A_706 = arith.index_cast %add3A_705 : i32 to index
        %swap3A_707 = arith.constant 16 : index
        %swap3A_708 = tpu.vector_load %arg10[%swap3A_706, %swap3A_707] {strides = array<i32>} : memref<80x128xf32, #tpu.memory_space<vmem>>, vector<16xf32>,
        tpu.vector_store %arg10[%swap3A_706, %swap3A_707], %add3A_694 {strides = array<i32>} : memref<80x128xf32, #tpu.memory_space<vmem>>, vector<16xf32>,
        %mul3A_709 = arith.constant 16 : i32
        %mul3A_710 = arith.muli %scan3A_64, %mul3A_709 : i32
        %add3A_711 = arith.constant 10 : i32
        %add3A_712 = arith.addi %mul3A_710, %add3A_711 : i32
        %swap3A_713 = arith.index_cast %add3A_712 : i32 to index
        %swap3A_714 = arith.constant 32 : index
        %swap3A_715 = tpu.vector_load %arg10[%swap3A_713, %swap3A_714] {strides = array<i32>} : memref<80x128xf32, #tpu.memory_space<vmem>>, vector<16xf32>,
        tpu.vector_store %arg10[%swap3A_713, %swap3A_714], %add3A_694 {strides = array<i32>} : memref<80x128xf32, #tpu.memory_space<vmem>>, vector<16xf32>,
        %mul3A_716 = arith.constant 16 : i32
        %mul3A_717 = arith.muli %scan3A_64, %mul3A_716 : i32
        %add3A_718 = arith.constant 10 : i32
        %add3A_719 = arith.addi %mul3A_717, %add3A_718 : i32
        %swap3A_720 = arith.index_cast %add3A_719 : i32 to index
        %swap3A_721 = arith.constant 48 : index
        %swap3A_722 = tpu.vector_load %arg10[%swap3A_720, %swap3A_721] {strides = array<i32>} : memref<80x128xf32, #tpu.memory_space<vmem>>, vector<16xf32>,
        tpu.vector_store %arg10[%swap3A_720, %swap3A_721], %add3A_694 {strides = array<i32>} : memref<80x128xf32, #tpu.memory_space<vmem>>, vector<16xf32>,
        %mul3A_723 = arith.constant 16 : i32
        %mul3A_724 = arith.muli %scan3A_64, %mul3A_723 : i32
        %add3A_725 = arith.constant 10 : i32
        %add3A_726 = arith.addi %mul3A_724, %add3A_725 : i32
        %swap3A_727 = arith.index_cast %add3A_726 : i32 to index
        %swap3A_728 = arith.constant 64 : index
        %swap3A_729 = tpu.vector_load %arg10[%swap3A_727, %swap3A_728] {strides = array<i32>} : memref<80x128xf32, #tpu.memory_space<vmem>>, vector<16xf32>,
        tpu.vector_store %arg10[%swap3A_727, %swap3A_728], %add3A_694 {strides = array<i32>} : memref<80x128xf32, #tpu.memory_space<vmem>>, vector<16xf32>,
        %mul3A_730 = arith.constant 16 : i32
        %mul3A_731 = arith.muli %scan3A_64, %mul3A_730 : i32
        %add3A_732 = arith.constant 10 : i32
        %add3A_733 = arith.addi %mul3A_731, %add3A_732 : i32
        %swap3A_734 = arith.index_cast %add3A_733 : i32 to index
        %swap3A_735 = arith.constant 80 : index
        %swap3A_736 = tpu.vector_load %arg10[%swap3A_734, %swap3A_735] {strides = array<i32>} : memref<80x128xf32, #tpu.memory_space<vmem>>, vector<16xf32>,
        tpu.vector_store %arg10[%swap3A_734, %swap3A_735], %add3A_694 {strides = array<i32>} : memref<80x128xf32, #tpu.memory_space<vmem>>, vector<16xf32>,
        %mul3A_737 = arith.constant 16 : i32
        %mul3A_738 = arith.muli %scan3A_64, %mul3A_737 : i32
        %add3A_739 = arith.constant 10 : i32
        %add3A_740 = arith.addi %mul3A_738, %add3A_739 : i32
        %swap3A_741 = arith.index_cast %add3A_740 : i32 to index
        %swap3A_742 = arith.constant 96 : index
        %swap3A_743 = tpu.vector_load %arg10[%swap3A_741, %swap3A_742] {strides = array<i32>} : memref<80x128xf32, #tpu.memory_space<vmem>>, vector<16xf32>,
        tpu.vector_store %arg10[%swap3A_741, %swap3A_742], %add3A_694 {strides = array<i32>} : memref<80x128xf32, #tpu.memory_space<vmem>>, vector<16xf32>,
        %mul3A_744 = arith.constant 16 : i32
        %mul3A_745 = arith.muli %scan3A_64, %mul3A_744 : i32
        %add3A_746 = arith.constant 10 : i32
        %add3A_747 = arith.addi %mul3A_745, %add3A_746 : i32
        %swap3A_748 = arith.index_cast %add3A_747 : i32 to index
        %swap3A_749 = arith.constant 112 : index
        %swap3A_750 = tpu.vector_load %arg10[%swap3A_748, %swap3A_749] {strides = array<i32>} : memref<80x128xf32, #tpu.memory_space<vmem>>, vector<16xf32>,
        tpu.vector_store %arg10[%swap3A_748, %swap3A_749], %add3A_694 {strides = array<i32>} : memref<80x128xf32, #tpu.memory_space<vmem>>, vector<16xf32>,
        %broadcast_in_dim3A_751 = arith.constant 0.000000e+00 : f32
        %broadcast_in_dim3A_752 = vector.broadcast %broadcast_in_dim3A_751 : f32 to vector<16xf32>
        %slice3A_753 = vector.extract_strided_slice %get3A_71 {offsets = [11], sizes = [1], strides = [1]} : vector<16xf32> to vector<1xf32>
        %squeeze3A_754 = vector.extract %slice3A_753[0] : f32 from vector<1xf32>
        %add3A_755 = vector.broadcast %squeeze3A_754 : f32 to vector<16xf32>
        %add3A_756 = arith.addf %broadcast_in_dim3A_752, %add3A_755 : vector<16xf32>
        %mul3A_757 = arith.constant 16 : i32
        %mul3A_758 = arith.muli %scan3A_64, %mul3A_757 : i32
        %add3A_759 = arith.constant 11 : i32
        %add3A_760 = arith.addi %mul3A_758, %add3A_759 : i32
        %swap3A_761 = arith.index_cast %add3A_760 : i32 to index
        %swap3A_762 = arith.constant 0 : index
        %swap3A_763 = tpu.vector_load %arg10[%swap3A_761, %swap3A_762] {strides = array<i32>} : memref<80x128xf32, #tpu.memory_space<vmem>>, vector<16xf32>,
        tpu.vector_store %arg10[%swap3A_761, %swap3A_762], %add3A_756 {strides = array<i32>} : memref<80x128xf32, #tpu.memory_space<vmem>>, vector<16xf32>,
        %mul3A_764 = arith.constant 16 : i32
        %mul3A_765 = arith.muli %scan3A_64, %mul3A_764 : i32
        %add3A_766 = arith.constant 11 : i32
        %add3A_767 = arith.addi %mul3A_765, %add3A_766 : i32
        %swap3A_768 = arith.index_cast %add3A_767 : i32 to index
        %swap3A_769 = arith.constant 16 : index
        %swap3A_770 = tpu.vector_load %arg10[%swap3A_768, %swap3A_769] {strides = array<i32>} : memref<80x128xf32, #tpu.memory_space<vmem>>, vector<16xf32>,
        tpu.vector_store %arg10[%swap3A_768, %swap3A_769], %add3A_756 {strides = array<i32>} : memref<80x128xf32, #tpu.memory_space<vmem>>, vector<16xf32>,
        %mul3A_771 = arith.constant 16 : i32
        %mul3A_772 = arith.muli %scan3A_64, %mul3A_771 : i32
        %add3A_773 = arith.constant 11 : i32
        %add3A_774 = arith.addi %mul3A_772, %add3A_773 : i32
        %swap3A_775 = arith.index_cast %add3A_774 : i32 to index
        %swap3A_776 = arith.constant 32 : index
        %swap3A_777 = tpu.vector_load %arg10[%swap3A_775, %swap3A_776] {strides = array<i32>} : memref<80x128xf32, #tpu.memory_space<vmem>>, vector<16xf32>,
        tpu.vector_store %arg10[%swap3A_775, %swap3A_776], %add3A_756 {strides = array<i32>} : memref<80x128xf32, #tpu.memory_space<vmem>>, vector<16xf32>,
        %mul3A_778 = arith.constant 16 : i32
        %mul3A_779 = arith.muli %scan3A_64, %mul3A_778 : i32
        %add3A_780 = arith.constant 11 : i32
        %add3A_781 = arith.addi %mul3A_779, %add3A_780 : i32
        %swap3A_782 = arith.index_cast %add3A_781 : i32 to index
        %swap3A_783 = arith.constant 48 : index
        %swap3A_784 = tpu.vector_load %arg10[%swap3A_782, %swap3A_783] {strides = array<i32>} : memref<80x128xf32, #tpu.memory_space<vmem>>, vector<16xf32>,
        tpu.vector_store %arg10[%swap3A_782, %swap3A_783], %add3A_756 {strides = array<i32>} : memref<80x128xf32, #tpu.memory_space<vmem>>, vector<16xf32>,
        %mul3A_785 = arith.constant 16 : i32
        %mul3A_786 = arith.muli %scan3A_64, %mul3A_785 : i32
        %add3A_787 = arith.constant 11 : i32
        %add3A_788 = arith.addi %mul3A_786, %add3A_787 : i32
        %swap3A_789 = arith.index_cast %add3A_788 : i32 to index
        %swap3A_790 = arith.constant 64 : index
        %swap3A_791 = tpu.vector_load %arg10[%swap3A_789, %swap3A_790] {strides = array<i32>} : memref<80x128xf32, #tpu.memory_space<vmem>>, vector<16xf32>,
        tpu.vector_store %arg10[%swap3A_789, %swap3A_790], %add3A_756 {strides = array<i32>} : memref<80x128xf32, #tpu.memory_space<vmem>>, vector<16xf32>,
        %mul3A_792 = arith.constant 16 : i32
        %mul3A_793 = arith.muli %scan3A_64, %mul3A_792 : i32
        %add3A_794 = arith.constant 11 : i32
        %add3A_795 = arith.addi %mul3A_793, %add3A_794 : i32
        %swap3A_796 = arith.index_cast %add3A_795 : i32 to index
        %swap3A_797 = arith.constant 80 : index
        %swap3A_798 = tpu.vector_load %arg10[%swap3A_796, %swap3A_797] {strides = array<i32>} : memref<80x128xf32, #tpu.memory_space<vmem>>, vector<16xf32>,
        tpu.vector_store %arg10[%swap3A_796, %swap3A_797], %add3A_756 {strides = array<i32>} : memref<80x128xf32, #tpu.memory_space<vmem>>, vector<16xf32>,
        %mul3A_799 = arith.constant 16 : i32
        %mul3A_800 = arith.muli %scan3A_64, %mul3A_799 : i32
        %add3A_801 = arith.constant 11 : i32
        %add3A_802 = arith.addi %mul3A_800, %add3A_801 : i32
        %swap3A_803 = arith.index_cast %add3A_802 : i32 to index
        %swap3A_804 = arith.constant 96 : index
        %swap3A_805 = tpu.vector_load %arg10[%swap3A_803, %swap3A_804] {strides = array<i32>} : memref<80x128xf32, #tpu.memory_space<vmem>>, vector<16xf32>,
        tpu.vector_store %arg10[%swap3A_803, %swap3A_804], %add3A_756 {strides = array<i32>} : memref<80x128xf32, #tpu.memory_space<vmem>>, vector<16xf32>,
        %mul3A_806 = arith.constant 16 : i32
        %mul3A_807 = arith.muli %scan3A_64, %mul3A_806 : i32
        %add3A_808 = arith.constant 11 : i32
        %add3A_809 = arith.addi %mul3A_807, %add3A_808 : i32
        %swap3A_810 = arith.index_cast %add3A_809 : i32 to index
        %swap3A_811 = arith.constant 112 : index
        %swap3A_812 = tpu.vector_load %arg10[%swap3A_810, %swap3A_811] {strides = array<i32>} : memref<80x128xf32, #tpu.memory_space<vmem>>, vector<16xf32>,
        tpu.vector_store %arg10[%swap3A_810, %swap3A_811], %add3A_756 {strides = array<i32>} : memref<80x128xf32, #tpu.memory_space<vmem>>, vector<16xf32>,
        %broadcast_in_dim3A_813 = arith.constant 0.000000e+00 : f32
        %broadcast_in_dim3A_814 = vector.broadcast %broadcast_in_dim3A_813 : f32 to vector<16xf32>
        %slice3A_815 = vector.extract_strided_slice %get3A_71 {offsets = [12], sizes = [1], strides = [1]} : vector<16xf32> to vector<1xf32>
        %squeeze3A_816 = vector.extract %slice3A_815[0] : f32 from vector<1xf32>
        %add3A_817 = vector.broadcast %squeeze3A_816 : f32 to vector<16xf32>
        %add3A_818 = arith.addf %broadcast_in_dim3A_814, %add3A_817 : vector<16xf32>
        %mul3A_819 = arith.constant 16 : i32
        %mul3A_820 = arith.muli %scan3A_64, %mul3A_819 : i32
        %add3A_821 = arith.constant 12 : i32
        %add3A_822 = arith.addi %mul3A_820, %add3A_821 : i32
        %swap3A_823 = arith.index_cast %add3A_822 : i32 to index
        %swap3A_824 = arith.constant 0 : index
        %swap3A_825 = tpu.vector_load %arg10[%swap3A_823, %swap3A_824] {strides = array<i32>} : memref<80x128xf32, #tpu.memory_space<vmem>>, vector<16xf32>,
        tpu.vector_store %arg10[%swap3A_823, %swap3A_824], %add3A_818 {strides = array<i32>} : memref<80x128xf32, #tpu.memory_space<vmem>>, vector<16xf32>,
        %mul3A_826 = arith.constant 16 : i32
        %mul3A_827 = arith.muli %scan3A_64, %mul3A_826 : i32
        %add3A_828 = arith.constant 12 : i32
        %add3A_829 = arith.addi %mul3A_827, %add3A_828 : i32
        %swap3A_830 = arith.index_cast %add3A_829 : i32 to index
        %swap3A_831 = arith.constant 16 : index
        %swap3A_832 = tpu.vector_load %arg10[%swap3A_830, %swap3A_831] {strides = array<i32>} : memref<80x128xf32, #tpu.memory_space<vmem>>, vector<16xf32>,
        tpu.vector_store %arg10[%swap3A_830, %swap3A_831], %add3A_818 {strides = array<i32>} : memref<80x128xf32, #tpu.memory_space<vmem>>, vector<16xf32>,
        %mul3A_833 = arith.constant 16 : i32
        %mul3A_834 = arith.muli %scan3A_64, %mul3A_833 : i32
        %add3A_835 = arith.constant 12 : i32
        %add3A_836 = arith.addi %mul3A_834, %add3A_835 : i32
        %swap3A_837 = arith.index_cast %add3A_836 : i32 to index
        %swap3A_838 = arith.constant 32 : index
        %swap3A_839 = tpu.vector_load %arg10[%swap3A_837, %swap3A_838] {strides = array<i32>} : memref<80x128xf32, #tpu.memory_space<vmem>>, vector<16xf32>,
        tpu.vector_store %arg10[%swap3A_837, %swap3A_838], %add3A_818 {strides = array<i32>} : memref<80x128xf32, #tpu.memory_space<vmem>>, vector<16xf32>,
        %mul3A_840 = arith.constant 16 : i32
        %mul3A_841 = arith.muli %scan3A_64, %mul3A_840 : i32
        %add3A_842 = arith.constant 12 : i32
        %add3A_843 = arith.addi %mul3A_841, %add3A_842 : i32
        %swap3A_844 = arith.index_cast %add3A_843 : i32 to index
        %swap3A_845 = arith.constant 48 : index
        %swap3A_846 = tpu.vector_load %arg10[%swap3A_844, %swap3A_845] {strides = array<i32>} : memref<80x128xf32, #tpu.memory_space<vmem>>, vector<16xf32>,
        tpu.vector_store %arg10[%swap3A_844, %swap3A_845], %add3A_818 {strides = array<i32>} : memref<80x128xf32, #tpu.memory_space<vmem>>, vector<16xf32>,
        %mul3A_847 = arith.constant 16 : i32
        %mul3A_848 = arith.muli %scan3A_64, %mul3A_847 : i32
        %add3A_849 = arith.constant 12 : i32
        %add3A_850 = arith.addi %mul3A_848, %add3A_849 : i32
        %swap3A_851 = arith.index_cast %add3A_850 : i32 to index
        %swap3A_852 = arith.constant 64 : index
        %swap3A_853 = tpu.vector_load %arg10[%swap3A_851, %swap3A_852] {strides = array<i32>} : memref<80x128xf32, #tpu.memory_space<vmem>>, vector<16xf32>,
        tpu.vector_store %arg10[%swap3A_851, %swap3A_852], %add3A_818 {strides = array<i32>} : memref<80x128xf32, #tpu.memory_space<vmem>>, vector<16xf32>,
        %mul3A_854 = arith.constant 16 : i32
        %mul3A_855 = arith.muli %scan3A_64, %mul3A_854 : i32
        %add3A_856 = arith.constant 12 : i32
        %add3A_857 = arith.addi %mul3A_855, %add3A_856 : i32
        %swap3A_858 = arith.index_cast %add3A_857 : i32 to index
        %swap3A_859 = arith.constant 80 : index
        %swap3A_860 = tpu.vector_load %arg10[%swap3A_858, %swap3A_859] {strides = array<i32>} : memref<80x128xf32, #tpu.memory_space<vmem>>, vector<16xf32>,
        tpu.vector_store %arg10[%swap3A_858, %swap3A_859], %add3A_818 {strides = array<i32>} : memref<80x128xf32, #tpu.memory_space<vmem>>, vector<16xf32>,
        %mul3A_861 = arith.constant 16 : i32
        %mul3A_862 = arith.muli %scan3A_64, %mul3A_861 : i32
        %add3A_863 = arith.constant 12 : i32
        %add3A_864 = arith.addi %mul3A_862, %add3A_863 : i32
        %swap3A_865 = arith.index_cast %add3A_864 : i32 to index
        %swap3A_866 = arith.constant 96 : index
        %swap3A_867 = tpu.vector_load %arg10[%swap3A_865, %swap3A_866] {strides = array<i32>} : memref<80x128xf32, #tpu.memory_space<vmem>>, vector<16xf32>,
        tpu.vector_store %arg10[%swap3A_865, %swap3A_866], %add3A_818 {strides = array<i32>} : memref<80x128xf32, #tpu.memory_space<vmem>>, vector<16xf32>,
        %mul3A_868 = arith.constant 16 : i32
        %mul3A_869 = arith.muli %scan3A_64, %mul3A_868 : i32
        %add3A_870 = arith.constant 12 : i32
        %add3A_871 = arith.addi %mul3A_869, %add3A_870 : i32
        %swap3A_872 = arith.index_cast %add3A_871 : i32 to index
        %swap3A_873 = arith.constant 112 : index
        %swap3A_874 = tpu.vector_load %arg10[%swap3A_872, %swap3A_873] {strides = array<i32>} : memref<80x128xf32, #tpu.memory_space<vmem>>, vector<16xf32>,
        tpu.vector_store %arg10[%swap3A_872, %swap3A_873], %add3A_818 {strides = array<i32>} : memref<80x128xf32, #tpu.memory_space<vmem>>, vector<16xf32>,
        %broadcast_in_dim3A_875 = arith.constant 0.000000e+00 : f32
        %broadcast_in_dim3A_876 = vector.broadcast %broadcast_in_dim3A_875 : f32 to vector<16xf32>
        %slice3A_877 = vector.extract_strided_slice %get3A_71 {offsets = [13], sizes = [1], strides = [1]} : vector<16xf32> to vector<1xf32>
        %squeeze3A_878 = vector.extract %slice3A_877[0] : f32 from vector<1xf32>
        %add3A_879 = vector.broadcast %squeeze3A_878 : f32 to vector<16xf32>
        %add3A_880 = arith.addf %broadcast_in_dim3A_876, %add3A_879 : vector<16xf32>
        %mul3A_881 = arith.constant 16 : i32
        %mul3A_882 = arith.muli %scan3A_64, %mul3A_881 : i32
        %add3A_883 = arith.constant 13 : i32
        %add3A_884 = arith.addi %mul3A_882, %add3A_883 : i32
        %swap3A_885 = arith.index_cast %add3A_884 : i32 to index
        %swap3A_886 = arith.constant 0 : index
        %swap3A_887 = tpu.vector_load %arg10[%swap3A_885, %swap3A_886] {strides = array<i32>} : memref<80x128xf32, #tpu.memory_space<vmem>>, vector<16xf32>,
        tpu.vector_store %arg10[%swap3A_885, %swap3A_886], %add3A_880 {strides = array<i32>} : memref<80x128xf32, #tpu.memory_space<vmem>>, vector<16xf32>,
        %mul3A_888 = arith.constant 16 : i32
        %mul3A_889 = arith.muli %scan3A_64, %mul3A_888 : i32
        %add3A_890 = arith.constant 13 : i32
        %add3A_891 = arith.addi %mul3A_889, %add3A_890 : i32
        %swap3A_892 = arith.index_cast %add3A_891 : i32 to index
        %swap3A_893 = arith.constant 16 : index
        %swap3A_894 = tpu.vector_load %arg10[%swap3A_892, %swap3A_893] {strides = array<i32>} : memref<80x128xf32, #tpu.memory_space<vmem>>, vector<16xf32>,
        tpu.vector_store %arg10[%swap3A_892, %swap3A_893], %add3A_880 {strides = array<i32>} : memref<80x128xf32, #tpu.memory_space<vmem>>, vector<16xf32>,
        %mul3A_895 = arith.constant 16 : i32
        %mul3A_896 = arith.muli %scan3A_64, %mul3A_895 : i32
        %add3A_897 = arith.constant 13 : i32
        %add3A_898 = arith.addi %mul3A_896, %add3A_897 : i32
        %swap3A_899 = arith.index_cast %add3A_898 : i32 to index
        %swap3A_900 = arith.constant 32 : index
        %swap3A_901 = tpu.vector_load %arg10[%swap3A_899, %swap3A_900] {strides = array<i32>} : memref<80x128xf32, #tpu.memory_space<vmem>>, vector<16xf32>,
        tpu.vector_store %arg10[%swap3A_899, %swap3A_900], %add3A_880 {strides = array<i32>} : memref<80x128xf32, #tpu.memory_space<vmem>>, vector<16xf32>,
        %mul3A_902 = arith.constant 16 : i32
        %mul3A_903 = arith.muli %scan3A_64, %mul3A_902 : i32
        %add3A_904 = arith.constant 13 : i32
        %add3A_905 = arith.addi %mul3A_903, %add3A_904 : i32
        %swap3A_906 = arith.index_cast %add3A_905 : i32 to index
        %swap3A_907 = arith.constant 48 : index
        %swap3A_908 = tpu.vector_load %arg10[%swap3A_906, %swap3A_907] {strides = array<i32>} : memref<80x128xf32, #tpu.memory_space<vmem>>, vector<16xf32>,
        tpu.vector_store %arg10[%swap3A_906, %swap3A_907], %add3A_880 {strides = array<i32>} : memref<80x128xf32, #tpu.memory_space<vmem>>, vector<16xf32>,
        %mul3A_909 = arith.constant 16 : i32
        %mul3A_910 = arith.muli %scan3A_64, %mul3A_909 : i32
        %add3A_911 = arith.constant 13 : i32
        %add3A_912 = arith.addi %mul3A_910, %add3A_911 : i32
        %swap3A_913 = arith.index_cast %add3A_912 : i32 to index
        %swap3A_914 = arith.constant 64 : index
        %swap3A_915 = tpu.vector_load %arg10[%swap3A_913, %swap3A_914] {strides = array<i32>} : memref<80x128xf32, #tpu.memory_space<vmem>>, vector<16xf32>,
        tpu.vector_store %arg10[%swap3A_913, %swap3A_914], %add3A_880 {strides = array<i32>} : memref<80x128xf32, #tpu.memory_space<vmem>>, vector<16xf32>,
        %mul3A_916 = arith.constant 16 : i32
        %mul3A_917 = arith.muli %scan3A_64, %mul3A_916 : i32
        %add3A_918 = arith.constant 13 : i32
        %add3A_919 = arith.addi %mul3A_917, %add3A_918 : i32
        %swap3A_920 = arith.index_cast %add3A_919 : i32 to index
        %swap3A_921 = arith.constant 80 : index
        %swap3A_922 = tpu.vector_load %arg10[%swap3A_920, %swap3A_921] {strides = array<i32>} : memref<80x128xf32, #tpu.memory_space<vmem>>, vector<16xf32>,
        tpu.vector_store %arg10[%swap3A_920, %swap3A_921], %add3A_880 {strides = array<i32>} : memref<80x128xf32, #tpu.memory_space<vmem>>, vector<16xf32>,
        %mul3A_923 = arith.constant 16 : i32
        %mul3A_924 = arith.muli %scan3A_64, %mul3A_923 : i32
        %add3A_925 = arith.constant 13 : i32
        %add3A_926 = arith.addi %mul3A_924, %add3A_925 : i32
        %swap3A_927 = arith.index_cast %add3A_926 : i32 to index
        %swap3A_928 = arith.constant 96 : index
        %swap3A_929 = tpu.vector_load %arg10[%swap3A_927, %swap3A_928] {strides = array<i32>} : memref<80x128xf32, #tpu.memory_space<vmem>>, vector<16xf32>,
        tpu.vector_store %arg10[%swap3A_927, %swap3A_928], %add3A_880 {strides = array<i32>} : memref<80x128xf32, #tpu.memory_space<vmem>>, vector<16xf32>,
        %mul3A_930 = arith.constant 16 : i32
        %mul3A_931 = arith.muli %scan3A_64, %mul3A_930 : i32
        %add3A_932 = arith.constant 13 : i32
        %add3A_933 = arith.addi %mul3A_931, %add3A_932 : i32
        %swap3A_934 = arith.index_cast %add3A_933 : i32 to index
        %swap3A_935 = arith.constant 112 : index
        %swap3A_936 = tpu.vector_load %arg10[%swap3A_934, %swap3A_935] {strides = array<i32>} : memref<80x128xf32, #tpu.memory_space<vmem>>, vector<16xf32>,
        tpu.vector_store %arg10[%swap3A_934, %swap3A_935], %add3A_880 {strides = array<i32>} : memref<80x128xf32, #tpu.memory_space<vmem>>, vector<16xf32>,
        %broadcast_in_dim3A_937 = arith.constant 0.000000e+00 : f32
        %broadcast_in_dim3A_938 = vector.broadcast %broadcast_in_dim3A_937 : f32 to vector<16xf32>
        %slice3A_939 = vector.extract_strided_slice %get3A_71 {offsets = [14], sizes = [1], strides = [1]} : vector<16xf32> to vector<1xf32>
        %squeeze3A_940 = vector.extract %slice3A_939[0] : f32 from vector<1xf32>
        %add3A_941 = vector.broadcast %squeeze3A_940 : f32 to vector<16xf32>
        %add3A_942 = arith.addf %broadcast_in_dim3A_938, %add3A_941 : vector<16xf32>
        %mul3A_943 = arith.constant 16 : i32
        %mul3A_944 = arith.muli %scan3A_64, %mul3A_943 : i32
        %add3A_945 = arith.constant 14 : i32
        %add3A_946 = arith.addi %mul3A_944, %add3A_945 : i32
        %swap3A_947 = arith.index_cast %add3A_946 : i32 to index
        %swap3A_948 = arith.constant 0 : index
        %swap3A_949 = tpu.vector_load %arg10[%swap3A_947, %swap3A_948] {strides = array<i32>} : memref<80x128xf32, #tpu.memory_space<vmem>>, vector<16xf32>,
        tpu.vector_store %arg10[%swap3A_947, %swap3A_948], %add3A_942 {strides = array<i32>} : memref<80x128xf32, #tpu.memory_space<vmem>>, vector<16xf32>,
        %mul3A_950 = arith.constant 16 : i32
        %mul3A_951 = arith.muli %scan3A_64, %mul3A_950 : i32
        %add3A_952 = arith.constant 14 : i32
        %add3A_953 = arith.addi %mul3A_951, %add3A_952 : i32
        %swap3A_954 = arith.index_cast %add3A_953 : i32 to index
        %swap3A_955 = arith.constant 16 : index
        %swap3A_956 = tpu.vector_load %arg10[%swap3A_954, %swap3A_955] {strides = array<i32>} : memref<80x128xf32, #tpu.memory_space<vmem>>, vector<16xf32>,
        tpu.vector_store %arg10[%swap3A_954, %swap3A_955], %add3A_942 {strides = array<i32>} : memref<80x128xf32, #tpu.memory_space<vmem>>, vector<16xf32>,
        %mul3A_957 = arith.constant 16 : i32
        %mul3A_958 = arith.muli %scan3A_64, %mul3A_957 : i32
        %add3A_959 = arith.constant 14 : i32
        %add3A_960 = arith.addi %mul3A_958, %add3A_959 : i32
        %swap3A_961 = arith.index_cast %add3A_960 : i32 to index
        %swap3A_962 = arith.constant 32 : index
        %swap3A_963 = tpu.vector_load %arg10[%swap3A_961, %swap3A_962] {strides = array<i32>} : memref<80x128xf32, #tpu.memory_space<vmem>>, vector<16xf32>,
        tpu.vector_store %arg10[%swap3A_961, %swap3A_962], %add3A_942 {strides = array<i32>} : memref<80x128xf32, #tpu.memory_space<vmem>>, vector<16xf32>,
        %mul3A_964 = arith.constant 16 : i32
        %mul3A_965 = arith.muli %scan3A_64, %mul3A_964 : i32
        %add3A_966 = arith.constant 14 : i32
        %add3A_967 = arith.addi %mul3A_965, %add3A_966 : i32
        %swap3A_968 = arith.index_cast %add3A_967 : i32 to index
        %swap3A_969 = arith.constant 48 : index
        %swap3A_970 = tpu.vector_load %arg10[%swap3A_968, %swap3A_969] {strides = array<i32>} : memref<80x128xf32, #tpu.memory_space<vmem>>, vector<16xf32>,
        tpu.vector_store %arg10[%swap3A_968, %swap3A_969], %add3A_942 {strides = array<i32>} : memref<80x128xf32, #tpu.memory_space<vmem>>, vector<16xf32>,
        %mul3A_971 = arith.constant 16 : i32
        %mul3A_972 = arith.muli %scan3A_64, %mul3A_971 : i32
        %add3A_973 = arith.constant 14 : i32
        %add3A_974 = arith.addi %mul3A_972, %add3A_973 : i32
        %swap3A_975 = arith.index_cast %add3A_974 : i32 to index
        %swap3A_976 = arith.constant 64 : index
        %swap3A_977 = tpu.vector_load %arg10[%swap3A_975, %swap3A_976] {strides = array<i32>} : memref<80x128xf32, #tpu.memory_space<vmem>>, vector<16xf32>,
        tpu.vector_store %arg10[%swap3A_975, %swap3A_976], %add3A_942 {strides = array<i32>} : memref<80x128xf32, #tpu.memory_space<vmem>>, vector<16xf32>,
        %mul3A_978 = arith.constant 16 : i32
        %mul3A_979 = arith.muli %scan3A_64, %mul3A_978 : i32
        %add3A_980 = arith.constant 14 : i32
        %add3A_981 = arith.addi %mul3A_979, %add3A_980 : i32
        %swap3A_982 = arith.index_cast %add3A_981 : i32 to index
        %swap3A_983 = arith.constant 80 : index
        %swap3A_984 = tpu.vector_load %arg10[%swap3A_982, %swap3A_983] {strides = array<i32>} : memref<80x128xf32, #tpu.memory_space<vmem>>, vector<16xf32>,
        tpu.vector_store %arg10[%swap3A_982, %swap3A_983], %add3A_942 {strides = array<i32>} : memref<80x128xf32, #tpu.memory_space<vmem>>, vector<16xf32>,
        %mul3A_985 = arith.constant 16 : i32
        %mul3A_986 = arith.muli %scan3A_64, %mul3A_985 : i32
        %add3A_987 = arith.constant 14 : i32
        %add3A_988 = arith.addi %mul3A_986, %add3A_987 : i32
        %swap3A_989 = arith.index_cast %add3A_988 : i32 to index
        %swap3A_990 = arith.constant 96 : index
        %swap3A_991 = tpu.vector_load %arg10[%swap3A_989, %swap3A_990] {strides = array<i32>} : memref<80x128xf32, #tpu.memory_space<vmem>>, vector<16xf32>,
        tpu.vector_store %arg10[%swap3A_989, %swap3A_990], %add3A_942 {strides = array<i32>} : memref<80x128xf32, #tpu.memory_space<vmem>>, vector<16xf32>,
        %mul3A_992 = arith.constant 16 : i32
        %mul3A_993 = arith.muli %scan3A_64, %mul3A_992 : i32
        %add3A_994 = arith.constant 14 : i32
        %add3A_995 = arith.addi %mul3A_993, %add3A_994 : i32
        %swap3A_996 = arith.index_cast %add3A_995 : i32 to index
        %swap3A_997 = arith.constant 112 : index
        %swap3A_998 = tpu.vector_load %arg10[%swap3A_996, %swap3A_997] {strides = array<i32>} : memref<80x128xf32, #tpu.memory_space<vmem>>, vector<16xf32>,
        tpu.vector_store %arg10[%swap3A_996, %swap3A_997], %add3A_942 {strides = array<i32>} : memref<80x128xf32, #tpu.memory_space<vmem>>, vector<16xf32>,
        %broadcast_in_dim3A_999 = arith.constant 0.000000e+00 : f32
        %broadcast_in_dim3A_1000 = vector.broadcast %broadcast_in_dim3A_999 : f32 to vector<16xf32>
        %slice3A_1001 = vector.extract_strided_slice %get3A_71 {offsets = [15], sizes = [1], strides = [1]} : vector<16xf32> to vector<1xf32>
        %squeeze3A_1002 = vector.extract %slice3A_1001[0] : f32 from vector<1xf32>
        %add3A_1003 = vector.broadcast %squeeze3A_1002 : f32 to vector<16xf32>
        %add3A_1004 = arith.addf %broadcast_in_dim3A_1000, %add3A_1003 : vector<16xf32>
        %mul3A_1005 = arith.constant 16 : i32
        %mul3A_1006 = arith.muli %scan3A_64, %mul3A_1005 : i32
        %add3A_1007 = arith.constant 15 : i32
        %add3A_1008 = arith.addi %mul3A_1006, %add3A_1007 : i32
        %swap3A_1009 = arith.index_cast %add3A_1008 : i32 to index
        %swap3A_1010 = arith.constant 0 : index
        %swap3A_1011 = tpu.vector_load %arg10[%swap3A_1009, %swap3A_1010] {strides = array<i32>} : memref<80x128xf32, #tpu.memory_space<vmem>>, vector<16xf32>,
        tpu.vector_store %arg10[%swap3A_1009, %swap3A_1010], %add3A_1004 {strides = array<i32>} : memref<80x128xf32, #tpu.memory_space<vmem>>, vector<16xf32>,
        %mul3A_1012 = arith.constant 16 : i32
        %mul3A_1013 = arith.muli %scan3A_64, %mul3A_1012 : i32
        %add3A_1014 = arith.constant 15 : i32
        %add3A_1015 = arith.addi %mul3A_1013, %add3A_1014 : i32
        %swap3A_1016 = arith.index_cast %add3A_1015 : i32 to index
        %swap3A_1017 = arith.constant 16 : index
        %swap3A_1018 = tpu.vector_load %arg10[%swap3A_1016, %swap3A_1017] {strides = array<i32>} : memref<80x128xf32, #tpu.memory_space<vmem>>, vector<16xf32>,
        tpu.vector_store %arg10[%swap3A_1016, %swap3A_1017], %add3A_1004 {strides = array<i32>} : memref<80x128xf32, #tpu.memory_space<vmem>>, vector<16xf32>,
        %mul3A_1019 = arith.constant 16 : i32
        %mul3A_1020 = arith.muli %scan3A_64, %mul3A_1019 : i32
        %add3A_1021 = arith.constant 15 : i32
        %add3A_1022 = arith.addi %mul3A_1020, %add3A_1021 : i32
        %swap3A_1023 = arith.index_cast %add3A_1022 : i32 to index
        %swap3A_1024 = arith.constant 32 : index
        %swap3A_1025 = tpu.vector_load %arg10[%swap3A_1023, %swap3A_1024] {strides = array<i32>} : memref<80x128xf32, #tpu.memory_space<vmem>>, vector<16xf32>,
        tpu.vector_store %arg10[%swap3A_1023, %swap3A_1024], %add3A_1004 {strides = array<i32>} : memref<80x128xf32, #tpu.memory_space<vmem>>, vector<16xf32>,
        %mul3A_1026 = arith.constant 16 : i32
        %mul3A_1027 = arith.muli %scan3A_64, %mul3A_1026 : i32
        %add3A_1028 = arith.constant 15 : i32
        %add3A_1029 = arith.addi %mul3A_1027, %add3A_1028 : i32
        %swap3A_1030 = arith.index_cast %add3A_1029 : i32 to index
        %swap3A_1031 = arith.constant 48 : index
        %swap3A_1032 = tpu.vector_load %arg10[%swap3A_1030, %swap3A_1031] {strides = array<i32>} : memref<80x128xf32, #tpu.memory_space<vmem>>, vector<16xf32>,
        tpu.vector_store %arg10[%swap3A_1030, %swap3A_1031], %add3A_1004 {strides = array<i32>} : memref<80x128xf32, #tpu.memory_space<vmem>>, vector<16xf32>,
        %mul3A_1033 = arith.constant 16 : i32
        %mul3A_1034 = arith.muli %scan3A_64, %mul3A_1033 : i32
        %add3A_1035 = arith.constant 15 : i32
        %add3A_1036 = arith.addi %mul3A_1034, %add3A_1035 : i32
        %swap3A_1037 = arith.index_cast %add3A_1036 : i32 to index
        %swap3A_1038 = arith.constant 64 : index
        %swap3A_1039 = tpu.vector_load %arg10[%swap3A_1037, %swap3A_1038] {strides = array<i32>} : memref<80x128xf32, #tpu.memory_space<vmem>>, vector<16xf32>,
        tpu.vector_store %arg10[%swap3A_1037, %swap3A_1038], %add3A_1004 {strides = array<i32>} : memref<80x128xf32, #tpu.memory_space<vmem>>, vector<16xf32>,
        %mul3A_1040 = arith.constant 16 : i32
        %mul3A_1041 = arith.muli %scan3A_64, %mul3A_1040 : i32
        %add3A_1042 = arith.constant 15 : i32
        %add3A_1043 = arith.addi %mul3A_1041, %add3A_1042 : i32
        %swap3A_1044 = arith.index_cast %add3A_1043 : i32 to index
        %swap3A_1045 = arith.constant 80 : index
        %swap3A_1046 = tpu.vector_load %arg10[%swap3A_1044, %swap3A_1045] {strides = array<i32>} : memref<80x128xf32, #tpu.memory_space<vmem>>, vector<16xf32>,
        tpu.vector_store %arg10[%swap3A_1044, %swap3A_1045], %add3A_1004 {strides = array<i32>} : memref<80x128xf32, #tpu.memory_space<vmem>>, vector<16xf32>,
        %mul3A_1047 = arith.constant 16 : i32
        %mul3A_1048 = arith.muli %scan3A_64, %mul3A_1047 : i32
        %add3A_1049 = arith.constant 15 : i32
        %add3A_1050 = arith.addi %mul3A_1048, %add3A_1049 : i32
        %swap3A_1051 = arith.index_cast %add3A_1050 : i32 to index
        %swap3A_1052 = arith.constant 96 : index
        %swap3A_1053 = tpu.vector_load %arg10[%swap3A_1051, %swap3A_1052] {strides = array<i32>} : memref<80x128xf32, #tpu.memory_space<vmem>>, vector<16xf32>,
        tpu.vector_store %arg10[%swap3A_1051, %swap3A_1052], %add3A_1004 {strides = array<i32>} : memref<80x128xf32, #tpu.memory_space<vmem>>, vector<16xf32>,
        %mul3A_1054 = arith.constant 16 : i32
        %mul3A_1055 = arith.muli %scan3A_64, %mul3A_1054 : i32
        %add3A_1056 = arith.constant 15 : i32
        %add3A_1057 = arith.addi %mul3A_1055, %add3A_1056 : i32
        %swap3A_1058 = arith.index_cast %add3A_1057 : i32 to index
        %swap3A_1059 = arith.constant 112 : index
        %swap3A_1060 = tpu.vector_load %arg10[%swap3A_1058, %swap3A_1059] {strides = array<i32>} : memref<80x128xf32, #tpu.memory_space<vmem>>, vector<16xf32>,
        tpu.vector_store %arg10[%swap3A_1058, %swap3A_1059], %add3A_1004 {strides = array<i32>} : memref<80x128xf32, #tpu.memory_space<vmem>>, vector<16xf32>,
        %scan3A_1061 = arith.constant 0 : i32
        scf.yield %scan3A_1061 : i32
      }
      %scan3A_59 = arith.constant 5 : i32
      %mul3A = arith.constant 640 : i32
      %mul3A_60 = arith.muli %arg1, %mul3A : i32
      %mul3A_61 = arith.constant 80 : i32
      %mul3A_62 = arith.muli %scan3A_51, %mul3A_61 : i32
      %add3A = arith.addi %mul3A_60, %mul3A_62 : i32
      "tpu.region"() ({
        %run_scoped3A = tpu.sem_alloc : memref<!tpu.dma_semaphore, #tpu.memory_space<semaphore_mem>>
        %dma_start3A = arith.constant 0 : i32
        %dma_start3A_64 = tpu.memref_slice %arg4[%arg0, %add3A, %dma_start3A] : memref<2x10240x128xf32, #tpu.memory_space<hbm>> -> memref<1x80x128xf32, #tpu.memory_space<hbm>>
        %dma_start3A_65 = tpu.memref_squeeze %dma_start3A_64 : memref<1x80x128xf32, #tpu.memory_space<hbm>> -> memref<80x128xf32, #tpu.memory_space<hbm>>
        %dma_start3A_66 = arith.constant 0 : i32
        %dma_start3A_67 = tpu.memref_slice %arg4[%arg0, %add3A, %dma_start3A_66] : memref<2x10240x128xf32, #tpu.memory_space<hbm>> -> memref<1x80x128xf32, #tpu.memory_space<hbm>>
        %dma_start3A_68 = tpu.memref_squeeze %dma_start3A_67 : memref<1x80x128xf32, #tpu.memory_space<hbm>> -> memref<80x128xf32, #tpu.memory_space<hbm>>
        tpu.enqueue_dma source(%arg10 : memref<80x128xf32, #tpu.memory_space<vmem>>) target(%dma_start3A_68 : memref<80x128xf32, #tpu.memory_space<hbm>>) target_semaphore(%run_scoped3A : memref<!tpu.dma_semaphore, #tpu.memory_space<semaphore_mem>>)
        %dma_wait3A = arith.constant 0 : i32
        %dma_wait3A_69 = tpu.memref_slice %arg4[%arg0, %add3A, %dma_wait3A] : memref<2x10240x128xf32, #tpu.memory_space<hbm>> -> memref<1x80x128xf32, #tpu.memory_space<hbm>>
        %dma_wait3A_70 = tpu.memref_squeeze %dma_wait3A_69 : memref<1x80x128xf32, #tpu.memory_space<hbm>> -> memref<80x128xf32, #tpu.memory_space<hbm>>
        %dma_wait3A_71 = arith.constant 0 : i32
        %dma_wait3A_72 = tpu.memref_slice %arg4[%arg0, %add3A, %dma_wait3A_71] : memref<2x10240x128xf32, #tpu.memory_space<hbm>> -> memref<1x80x128xf32, #tpu.memory_space<hbm>>
        %dma_wait3A_73 = tpu.memref_squeeze %dma_wait3A_72 : memref<1x80x128xf32, #tpu.memory_space<hbm>> -> memref<80x128xf32, #tpu.memory_space<hbm>>
        tpu.wait_dma2 semaphore(%run_scoped3A : memref<!tpu.dma_semaphore, #tpu.memory_space<semaphore_mem>>) src(%arg10 : memref<80x128xf32, #tpu.memory_space<vmem>>) dst(%dma_wait3A_73 : memref<80x128xf32, #tpu.memory_space<hbm>>)
        tpu.yield
      }) : () -> ()
      %scan3A_63 = arith.constant 0 : i32
      scf.yield %scan3A_63 : i32
    }
    %scan3A_50 = arith.constant 8 : i32
    return
  }
}

module attributes {stable_mosaic.version = 14 : i64} {
  func.func @_proj_body(%arg0: i32, %arg1: memref<1000x128xf32, #tpu.memory_space<vmem>>, %arg2: memref<1x128x128xf32, #tpu.memory_space<vmem>>, %arg3: memref<1000x128xf32, #tpu.memory_space<vmem>>, %arg4: memref<1000x128xf32, #tpu.memory_space<vmem>>) attributes {dimension_semantics = [#tpu.dimension_semantics<arbitrary>], iteration_bounds = array<i64: 10>, scalar_prefetch = 0 : i64, scratch_operands = 0 : i64, tpu.core_type = #tpu.core_type<tc>, window_params = [{transform_indices = @transform_0, window_bounds = array<i64: 1000, 128>}, {transform_indices = @transform_1, window_bounds = array<i64: 1, 128, 128>}, {transform_indices = @transform_2, window_bounds = array<i64: 1000, 128>}, {transform_indices = @transform_3, window_bounds = array<i64: 1000, 128>}]} {
    %get3A = arith.constant 0 : index
    %get3A_0 = arith.constant 0 : index
    %get3A_1 = vector.load %arg1[%get3A, %get3A_0] : memref<1000x128xf32, #tpu.memory_space<vmem>>, vector<1000x128xf32>
    %get3A_2 = arith.constant 0 : index
    %get3A_3 = arith.constant 0 : index
    %get3A_4 = arith.constant 0 : index
    %get3A_5 = vector.load %arg2[%get3A_2, %get3A_3, %get3A_4] : memref<1x128x128xf32, #tpu.memory_space<vmem>>, vector<1x128x128xf32>
    %get3A_6 = vector.shape_cast %get3A_5 : vector<1x128x128xf32> to vector<128x128xf32>
    %dot_general3A = arith.constant dense<0.000000e+00> : vector<1000x128xf32>
    %dot_general3A_7 = tpu.matmul %get3A_1, %get3A_6, %dot_general3A {dimension_numbers = #tpu.dot_dimension_numbers<[1], [0], [0], [1], [0, 0, 1, 1], [], []>, precision = #tpu.contract_precision<fp32>, transpose_lhs_hint = false} : vector<1000x128xf32>, vector<128x128xf32>, vector<1000x128xf32> -> vector<1000x128xf32>
    %get3A_8 = arith.constant 0 : index
    %get3A_9 = arith.constant 0 : index
    %get3A_10 = vector.load %arg3[%get3A_8, %get3A_9] : memref<1000x128xf32, #tpu.memory_space<vmem>>, vector<1000x128xf32>
    %mul3A = arith.mulf %dot_general3A_7, %get3A_10 : vector<1000x128xf32>
    %swap3A = arith.constant 0 : index
    %swap3A_11 = arith.constant 0 : index
    %swap3A_12 = vector.load %arg4[%swap3A, %swap3A_11] : memref<1000x128xf32, #tpu.memory_space<vmem>>, vector<1000x128xf32>
    tpu.vector_store %arg4[%swap3A, %swap3A_11], %mul3A {strides = array<i32>} : memref<1000x128xf32, #tpu.memory_space<vmem>>, vector<1000x128xf32>,
    return
  }
  func.func @transform_0(%arg0: i32) -> (i32, i32) {
    %c0_i32 = arith.constant 0 : i32
    %c0_i32_0 = arith.constant 0 : i32
    return %arg0, %c0_i32 : i32, i32
  }
  func.func @transform_1(%arg0: i32) -> (i32, i32, i32) {
    %jit3A = arith.constant 5 : i32
    %div3A = arith.divsi %arg0, %jit3A : i32
    %sign3A = arith.constant 0 : i32
    %sign3A_0 = arith.cmpi sgt, %arg0, %sign3A : i32
    %sign3A_1 = arith.extui %sign3A_0 : i1 to i32
    %sign3A_2 = arith.constant 0 : i32
    %sign3A_3 = arith.cmpi slt, %arg0, %sign3A_2 : i32
    %sign3A_4 = arith.extui %sign3A_3 : i1 to i32
    %sign3A_5 = arith.subi %sign3A_1, %sign3A_4 : i32
    %sign3A_6 = arith.constant 0 : i32
    %sign3A_7 = arith.cmpi sgt, %jit3A, %sign3A_6 : i32
    %sign3A_8 = arith.extui %sign3A_7 : i1 to i32
    %sign3A_9 = arith.constant 0 : i32
    %sign3A_10 = arith.cmpi slt, %jit3A, %sign3A_9 : i32
    %sign3A_11 = arith.extui %sign3A_10 : i1 to i32
    %sign3A_12 = arith.subi %sign3A_8, %sign3A_11 : i32
    %ne3A = arith.cmpi ne, %sign3A_5, %sign3A_12 : i32
    %rem3A = arith.remsi %arg0, %jit3A : i32
    %ne3A_13 = arith.constant 0 : i32
    %ne3A_14 = arith.cmpi ne, %rem3A, %ne3A_13 : i32
    %and3A = arith.andi %ne3A, %ne3A_14 : i1
    %sub3A = arith.constant 1 : i32
    %sub3A_15 = arith.subi %div3A, %sub3A : i32
    %select_n3A = arith.select %and3A, %sub3A_15, %div3A : i32
    %c0_i32 = arith.constant 0 : i32
    %c0_i32_16 = arith.constant 0 : i32
    %c0_i32_17 = arith.constant 0 : i32
    return %select_n3A, %c0_i32, %c0_i32_16 : i32, i32, i32
  }
  func.func @transform_2(%arg0: i32) -> (i32, i32) {
    %c0_i32 = arith.constant 0 : i32
    %c0_i32_0 = arith.constant 0 : i32
    return %arg0, %c0_i32 : i32, i32
  }
  func.func @transform_3(%arg0: i32) -> (i32, i32) {
    %c0_i32 = arith.constant 0 : i32
    %c0_i32_0 = arith.constant 0 : i32
    return %arg0, %c0_i32 : i32, i32
  }
}

module attributes {stable_mosaic.version = 14 : i64} {
  func.func @_fin_body(%arg0: i32, %arg1: memref<1000x128xf32, #tpu.memory_space<vmem>>, %arg2: memref<1000x128xf32, #tpu.memory_space<vmem>>, %arg3: memref<1000x128xf32, #tpu.memory_space<vmem>>, %arg4: memref<1000x128xf32, #tpu.memory_space<vmem>>) attributes {dimension_semantics = [#tpu.dimension_semantics<arbitrary>], iteration_bounds = array<i64: 10>, scalar_prefetch = 0 : i64, scratch_operands = 0 : i64, tpu.core_type = #tpu.core_type<tc>, window_params = [{transform_indices = @transform_0, window_bounds = array<i64: 1000, 128>}, {transform_indices = @transform_1, window_bounds = array<i64: 1000, 128>}, {transform_indices = @transform_2, window_bounds = array<i64: 1000, 128>}, {transform_indices = @transform_3, window_bounds = array<i64: 1000, 128>}]} {
    %get3A = arith.constant 0 : index
    %get3A_0 = arith.constant 0 : index
    %get3A_1 = vector.load %arg1[%get3A, %get3A_0] : memref<1000x128xf32, #tpu.memory_space<vmem>>, vector<1000x128xf32>
    %get3A_2 = arith.constant 0 : index
    %get3A_3 = arith.constant 0 : index
    %get3A_4 = vector.load %arg2[%get3A_2, %get3A_3] : memref<1000x128xf32, #tpu.memory_space<vmem>>, vector<1000x128xf32>
    %add3A = arith.addf %get3A_1, %get3A_4 : vector<1000x128xf32>
    %get3A_5 = arith.constant 0 : index
    %get3A_6 = arith.constant 0 : index
    %get3A_7 = vector.load %arg3[%get3A_5, %get3A_6] : memref<1000x128xf32, #tpu.memory_space<vmem>>, vector<1000x128xf32>
    %mul3A = arith.mulf %add3A, %get3A_7 : vector<1000x128xf32>
    %swap3A = arith.constant 0 : index
    %swap3A_8 = arith.constant 0 : index
    %swap3A_9 = vector.load %arg4[%swap3A, %swap3A_8] : memref<1000x128xf32, #tpu.memory_space<vmem>>, vector<1000x128xf32>
    tpu.vector_store %arg4[%swap3A, %swap3A_8], %mul3A {strides = array<i32>} : memref<1000x128xf32, #tpu.memory_space<vmem>>, vector<1000x128xf32>,
    return
  }
  func.func @transform_0(%arg0: i32) -> (i32, i32) {
    %c0_i32 = arith.constant 0 : i32
    %c0_i32_0 = arith.constant 0 : i32
    return %arg0, %c0_i32 : i32, i32
  }
  func.func @transform_1(%arg0: i32) -> (i32, i32) {
    %c0_i32 = arith.constant 0 : i32
    %c0_i32_0 = arith.constant 0 : i32
    return %arg0, %c0_i32 : i32, i32
  }
  func.func @transform_2(%arg0: i32) -> (i32, i32) {
    %c0_i32 = arith.constant 0 : i32
    %c0_i32_0 = arith.constant 0 : i32
    return %arg0, %c0_i32 : i32, i32
  }
  func.func @transform_3(%arg0: i32) -> (i32, i32) {
    %c0_i32 = arith.constant 0 : i32
    %c0_i32_0 = arith.constant 0 : i32
    return %arg0, %c0_i32 : i32, i32
  }
}

</mosaic_0001>

<sc_bundles>
// kernel: kernel.6.cloned.1.call-start
scs
__scs_entry_jumppad:
0x0: {  	(pc) =	sbr.rel $0x88, $3  }
0x1: {  	(tag) =	ssettag $0x0;
	lr =	simm.s32 $0x1  }
0x2: {  	[smem:$0x3F9B] =	sst lr;
	_ =	strace $0xD0000000  }
0x3: {  	_ = 	snop  }
0x4: {  	_ = 	snop  }
0x5: {  	_ = 	snop  }
0x6: {  	_ = 	snop  }
0x7: {  	_ = 	snop  }
__scs_overlays_trampoline_lowered:
0x8: {  	[smem:$0x3FAA] =	sst s0  }
0x9: {  	[smem:$0x3FAB] =	sst s1  }
0xa: {  	[smem:$0x3FAC] =	sst s2  }
0xb: {  	[smem:$0x3FAD] =	sst s3  }
0xc: {  	[smem:$0x3FAE] =	sst s4  }
0xd: {  	[smem:$0x3FAF] =	sst s5  }
0xe: {  	[smem:$0x3FB0] =	sst s6  }
0xf: {  	[smem:$0x3FB1] =	sst s7  }
0x10: {  	[smem:$0x3FB2] =	sst s8  }
0x11: {  	[smem:$0x3FB3] =	sst s9;
	s0 =	simm.s32 @!p0 $0x0  }
0x12: {  	s1 =	sld [smem:$0x3F99];
	s0 =	simm.s32 @p0 $0x1  }
0x13: {  	[smem:$0x3FB4] =	sst s0;
	s0 =	simm.s32 @!p1 $0x0  }
0x14: {  	s2 =	sld [smem:$0x3F98];
	s0 =	simm.s32 @p1 $0x1  }
0x15: {  	[smem:$0x3FB5] =	sst s0;
	s0 =	simm.s32 @!p2 $0x0  }
0x16: {  	s3 =	sld [smem:$0x3FDB];
	s0 =	simm.s32 @p2 $0x1  }
0x17: {  	s4 =	simm.s32 $0x1BF5;
	[smem:$0x3FB7] =	sst s0  }
0x18: {  	s0 =	sld [smem:$0x3F9A];
	_ =	swait.ge [sflag:s4], $0x0  }
0x19: {  	s7 =	sld [smem:$0x3F9B]  }
0x1a: {  	s8 =	sadd.s32 $0xFFFFE003, lr  }
0x1b: {  	s9 =	sadd.s32 $0xFFFFFEF7, lr;
	s5 =	simm.s32 $0xFFFFFFFF;
	p2 =	slt.u32 s8, $0xFFFFF086  }
0x1c: {  	p1 =	slt.u32 s9, $0xF7A;
	s5 =	simm.s32 @!p2 $0x0  }
0x1d: {  	s5 =	simm.s32 @p1 $0x1;
	p0 =	seq.s32 s7, s2  }
0x1e: {  	s7 =	smul.u32 @!p0 $0xF7A, s2;
	p2 =	seq.s32 @!p0 s5, $0x0  }
0x1f: {  	s9 =	smul.u32 $0xF7A, s1;
	s8 =	simm.s32 @!p0 $0x1BF5;
	p2 =	por !p2, p0  }
0x20: {  	[sflag:s8] =	ssyncset.s32 @!p0 $0xFFFFF086;
	s6 =	sadd.s32 @!p0 s3, s7;
	s7 =	simm.s32 @!p0 $0x108  }
0x21: {  	s3 =	sadd.s32 s3, s9;
	s6 =	sadd.s32 @!p0 $0x88, s6;
	s7 =	simm.s32 @p2 $0x1082  }
0x22: {  	[simem:s7], [sflag:s8] =	dma.local @!p0 [hbm:s6], $0xF7A  }
0x23: {  	s9 =	sor.u32 $0xD0000000, s2;
	s6 =	simm.s32 $0x108;
	_ =	swait.ge @!p0 [sflag:s8], $0x0  }
0x24: {  	s3 =	sadd.s32 $0x88, s3;
	s6 =	simm.s32 @!p1 $0x1082;
	[sflag:s4] =	ssyncset.s32 $0xFFFFF086  }
0x25: {  	[simem:s6], [sflag:s4] =	dma.local [hbm:s3], $0xF7A  }
0x26: {  	[smem:$0x3F9B] =	sst s1;
	(tag) =	ssettag s2;
	_ =	strace s9  }
0x27: {  	s1 =	sld [smem:$0x3FAB]  }
0x28: {  	s2 =	sld [smem:$0x3FAC]  }
0x29: {  	s4 =	sld [smem:$0x3FAE]  }
0x2a: {  	p0 =	seq.s32 s5, $0x0;
	s5 =	sld [smem:$0x3FAF]  }
0x2b: {  	s6 =	sld [smem:$0x3FB0]  }
0x2c: {  	s7 =	sld [smem:$0x3FB1]  }
0x2d: {  	s3 =	simm.s32 $0x108;
	s8 =	sld [smem:$0x3FB2]  }
0x2e: {  	s3 =	simm.s32 @!p0 $0x1082;
	s9 =	sld [smem:$0x3FB3]  }
0x2f: {  	lr =	sadd.s32 s0, s3;
	s0 =	sld [smem:$0x3FAA]  }
0x30: {  	s3 =	sld [smem:$0x3FAD]  }
0x31: {  	[smem:$0x3FB6] =	sst s10  }
0x32: {  	s10 =	sld [smem:$0x3FB4];
	_ =	sdelay $0x3  }
0x33: {  	p0 =	seq.s32 s10, $0x1;
	s10 =	sld [smem:$0x3FB6];
	_ =	sdelay $0x3  }
0x34: {  	[smem:$0x3FB6] =	sst s10  }
0x35: {  	s10 =	sld [smem:$0x3FB5];
	_ =	sdelay $0x3  }
0x36: {  	p1 =	seq.s32 s10, $0x1;
	s10 =	sld [smem:$0x3FB6];
	_ =	sdelay $0x3  }
0x37: {  	[smem:$0x3FB6] =	sst s10  }
0x38: {  	s10 =	sld [smem:$0x3FB7]  }
0x39: {  	_ = 	snop;
	(pc) =	sbr.ind lr, $3  }
0x3a: {  	_ = 	snop  }
0x3b: {  	_ = 	snop  }
0x3c: {  	p2 =	seq.s32 s10, $0x1;
	s10 =	sld [smem:$0x3FB6]  }
0x3d: {  	_ =	shalt  }
0x3e: {  	_ =	shalt  }
0x3f: {  	_ =	shalt  }
0x40: {  	_ =	shalt  }
0x41: {  	_ =	shalt  }
0x42: {  	_ =	shalt  }
0x43: {  	_ =	shalt  }
0x44: {  	_ =	shalt  }
0x45: {  	_ =	shalt  }
0x46: {  	_ =	shalt  }
0x47: {  	_ =	shalt  }
0x48: {  	_ =	shalt  }
0x49: {  	_ =	shalt  }
0x4a: {  	_ =	shalt  }
0x4b: {  	_ =	shalt  }
0x4c: {  	_ =	shalt  }
0x4d: {  	_ =	shalt  }
0x4e: {  	_ =	shalt  }
0x4f: {  	_ =	shalt  }
0x50: {  	_ =	shalt  }
0x51: {  	_ =	shalt  }
0x52: {  	_ =	shalt  }
0x53: {  	_ =	shalt  }
0x54: {  	_ =	shalt  }
0x55: {  	_ =	shalt  }
0x56: {  	_ =	shalt  }
0x57: {  	_ =	shalt  }
0x58: {  	_ =	shalt  }
0x59: {  	_ =	shalt  }
0x5a: {  	_ =	shalt  }
0x5b: {  	_ =	shalt  }
0x5c: {  	_ =	shalt  }
0x5d: {  	_ =	shalt  }
0x5e: {  	_ =	shalt  }
0x5f: {  	_ =	shalt  }
0x60: {  	_ =	shalt  }
0x61: {  	_ =	shalt  }
0x62: {  	_ =	shalt  }
0x63: {  	_ =	shalt  }
0x64: {  	_ =	shalt  }
0x65: {  	_ =	shalt  }
0x66: {  	_ =	shalt  }
0x67: {  	_ =	shalt  }
0x68: {  	_ =	shalt  }
0x69: {  	_ =	shalt  }
0x6a: {  	_ =	shalt  }
0x6b: {  	_ =	shalt  }
0x6c: {  	_ =	shalt  }
0x6d: {  	_ =	shalt  }
0x6e: {  	_ =	shalt  }
0x6f: {  	_ =	shalt  }
0x70: {  	_ =	shalt  }
0x71: {  	_ =	shalt  }
0x72: {  	_ =	shalt  }
0x73: {  	_ =	shalt  }
0x74: {  	_ =	shalt  }
0x75: {  	_ =	shalt  }
0x76: {  	_ =	shalt  }
0x77: {  	_ =	shalt  }
0x78: {  	_ =	shalt  }
0x79: {  	_ =	shalt  }
0x7a: {  	_ =	shalt  }
0x7b: {  	_ =	shalt  }
0x7c: {  	_ =	shalt  }
0x7d: {  	_ =	shalt  }
0x7e: {  	_ =	shalt  }
0x7f: {  	_ =	shalt  }
0x80: {  	_ =	shalt  }
0x81: {  	_ =	shalt  }
0x82: {  	_ =	shalt  }
0x83: {  	_ =	shalt  }
0x84: {  	_ =	shalt  }
0x85: {  	_ =	shalt  }
0x86: {  	_ =	shalt  }
0x87: {  	_ =	shalt  }
.Lfunc_end0:
.L_simem_size_0:
called_computation_lowered:
.L_overlay_start_0:
0x88: {  	s2 =	sld [smem:$0x3FD9]  }
0x89: {  	s3 =	sld [smem:$0x3FFE];
	_ =	sdelay $0x1  }
0x8a: {  	s1 =	srdreg.scid  }
0x8b: {  	s0 =	sand.u32 $0x1, s1  }
0x8c: {  	s17 =	sshll.u32 s0, $0xA;
	s2 =	sadd.s32 s3, s2  }
0x8d: {  	s2 =	sadd.s32 s2, s17  }
0x8e: {  	[smem:$0x3FC2] =	sst s2  }
0x8f: {  	_ = 	snop  }
0x90: {  	s2 =	sld [smem:$0x3FD0];
	(tm) =	ssettm $0x1  }
0x91: {  	s18 =	sld [smem:$0x3FFB];
	_ =	sdelay $0x3  }
0x92: {  	_ =	strace s18  }
0x93: {  	s3 =	sld [smem:$0x3FFC];
	_ =	sdelay $0x3  }
0x94: {  	_ =	strace s3  }
0x95: {  	s3 =	sld [smem:$0x3FFD];
	_ =	sdelay $0x3  }
0x96: {  	_ =	strace s3  }
0x97: {  	_ =	strace $0x8FFFFFFF  }
0x98: {  	s19 =	sld [smem:$0x3FDB];
	_ =	sdelay $0x1  }
0x99: {  	s4 =	simm.s32 $_scs_section_size  }
0x9a: {  	s5 =	simm.s32 $_size__tile_overlayer_lowered;
	s6 =	simm.s32 $_tile_overlayer_lowered  }
0x9b: {  	s22 =	simm.s32 $0x1BFF;
	s21 =	sshll.u32 s6, $0x1;
	s3 =	sadd.s32 s4, s19  }
0x9c: {  	s7 =	simm.s32 $0x0;
	s20 =	sshll.u32 s5, $0x1;
	s5 =	sadd.s32 s21, s3  }
0x9d: {  	[timem:s7], [sflag:s22] =	dma.local [hbm:s5], s20  }
0x9e: {  	_ =	swait.ge [sflag:s22], s20  }
0x9f: {  	s4 =	ssub.s32 $0x0, s20;
	[sflag:s22] =	ssyncset.done $0x0  }
0xa0: {  	[sflag:s22] =	ssyncadd.s32 s4;
	_ =	sdelay $0x1  }
0xa1: {  	s23 =	simm.s32 $0x1B8B  }
0xa2: {  	_ =	swait.ge [sflag:s23], $0x1  }
0xa3: {  	[sflag:s23] =	ssyncset.done $0x0  }
0xa4: {  	s25 =	simm.s32 $0x1B8E;
	s24 =	sld [smem:$0x3FFE];
	[sflag:s23] =	ssyncadd.s32 $0xFFFFFFFF  }
0xa5: {  	s26 =	simm.s32 $execute0_lowered;
	[smem:$0x3FD2] =	sst s25  }
0xa6: {  	s5 =	sshll.u32 s26, $0x1;
	_ =	strace $0x80000046;
	[dreg:$0x1] =	wrdreg $0xFFFFFFFF  }
0xa7: {  	s28 =	simm.s32 $_size_execute0_lowered;
	s3 =	sadd.s32 s3, s5;
	[dreg:$0x0] =	wrdreg $0x0  }
0xa8: {  	s5 =	sshll.u32 s28, $0x1;
	[dreg:$0x2] =	wrdreg s3  }
0xa9: {  	[dreg:$0x3] =	wrdreg s5  }
0xaa: {  	[dreg:$0x4] =	wrdreg $0xC0  }
0xab: {  	_ =	task [dreg:s7], $0x5FFFF  }
0xac: {  	[dreg:$0x1] =	wrdreg $0xFFFFFFFF  }
0xad: {  	[dreg:$0x0] =	wrdreg $0x60  }
0xae: {  	[dreg:$0x2] =	wrdreg s24  }
0xaf: {  	[dreg:$0x3] =	wrdreg s2  }
0xb0: {  	[dreg:$0x4] =	wrdreg $0x0  }
0xb1: {  	[dreg:$0x5] =	wrdreg $0x9  }
0xb2: {  	_ =	task.clear_ibuf [dreg:s7], $0x6FFFF;
	_ =	strace $0x90000046  }
0xb3: {  	s29 =	simm.s32 $0x9;
	_ =	strace $0x80000048  }
0xb4: {  	_ =	swait.ge [sflag:s29], $0x1  }
0xb5: {  	[sflag:s29] =	ssyncadd.s32 $0xFFFFFFFF  }
0xb6: {  	_ =	strace $0x90000048  }
0xb7: {  	_ =	sfence  }
0xb8: {  	s30 =	sld [smem:$0x0];
	_ =	sdelay $0x2  }
0xb9: {  	s31 =	sshll.u32 s1, $0xD;
	s1 =	sshrl.u32 s1, $0x2  }
0xba: {  	s3 =	sand.u32 $0x4000, s31;
	s1 =	sadd.s32 s1, s30  }
0xbb: {  	s0 =	sor.u32 s3, s0;
	s1 =	sshll.u32 s1, $0x11  }
0xbc: {  	s0 =	sor.u32 s1, s0  }
0xbd: {  	s0 =	sadd.s32 $0x8F2B, s0  }
0xbe: {  	[sflag:s0] =	ssyncadd.remote.s32 $0x1  }
0xbf: {  	_ =	sfence.sel $0xFFFF  }
0xc0: {  	[dreg:$0x0] =	wrdreg $0xFFFFFFFF;
	(pc) =	sbr.abs _section_cstart, $3  }
0xc1: {  	[dreg:$0x1] =	wrdreg $0xFFFFFFFF  }
0xc2: {  	_ =	task.clear_ibuf [dreg:s7], $0x2FFFF;
	_ =	strace $0x9FFFFFFF  }
0xc3: {  	(tm) =	ssettm $0x7FFFFFFF  }
tec
execute0_lowered:
.L_overlay_start_1:
0x0: {  	(tag) =	ssettag $0x1  }
0x1: {  	s3 =	rddreg [dreg:$0x0]  }
0x2: {  	s9 =	rddreg [dreg:$0x1]  }
0x3: {  	s5 =	rddreg [dreg:$0x2]  }
0x4: {  	s0 =	rddreg [dreg:$0x3]  }
0x5: {  	s2 =	simm.s32 $0x0;
	s4 =	srdreg.scid;
	s1 =	stileid.u32  }
0x6: {  	s14 =	simm.s32 $0x400;
	s15 =	simm.s32 $0x9E80;
	s16 =	simm.s32 $0xA380  }
0x7: {  	s17 =	simm.s32 $0x0;
	[smem:$0x7FF] =	sst s2;
	s6 =	sand.u32 $0x1, s4  }
0x8: {  	s10 =	sadd.s32 $0x1400, s3;
	s7 =	sshrl.u32 s1, $0x3;
	s31 =	smul.u32 $0x5000, s1  }
0x9: {  	s3 =	sadd.s32 $0xB200, s3;
	s11 =	smul.u32 $0x9C4, s1;
	s12 =	sshll.u32 s1, $0x7  }
0xa: {  	_ =	strace $0x80000047;
	s4 =	ssub.s32 $0x2, s6;
	s7 =	smul.u32 $0x50000, s7  }
0xb: {  	p0 =	seq.s32 s6, $0x1;
	s12 =	sand.u32 $0x380, s12;
	s6 =	smul.u32 $0x140000, s6  }
0xc: {  	s8 =	sshrl.u32 s4, $0x1;
	s13 =	sshrl.u32 s31, $0x2;
	s10 =	smov.u32 @p0 s9  }
0xd: {  	s8 =	ssub.s32 s4, s8;
	s7 =	sshrl.u32 s7, $0x2;
	s9 =	sadd.s32 s10, s11  }
0xe: {  	s10 =	simm.s32 $0x2800;
	s11 =	simm.s32 $0x1;
	s7 =	sadd.s32 s7, s5  }
0xf: {  	s5 =	sadd.s32 s13, s5;
	s8 =	smax.u32 s8, $0x1;
	s13 =	simm.s32 $0x80  }
0x10: {  	v0 =	vimm.f32 $0.0e+00;
	v1 =	vimm.f32 $1.000000000e+00;
	s4 =	sadd.s32 s12, s7;
	s7 =	smul.u32 $0x280, s1;
	s12 =	simm.s32 $0x7680  }
.LBB2_1:
0x11: {  	s18 =	simm.s32 $0x80;
	s19 =	simm.s32 $0x0  }
.LBB2_2:
0x12: {  	p0 =	sne.s32 s18, $0x9F80;
	[tilespmem:s19+$0x7680] =	vst v0;
	s20 =	smov.u32 s18;
	s18 =	sadd.s32 $0x80, s18  }
.Ltmp0:
0x13: {  	[tilespmem:s19+$0x7690] =	vst v0;
	(pc) =	sbr.rel @p0 .LBB2_2-.Ltmp0, $2  }
0x14: {  	_ =	sdelay $0x2  }
0x15: {  	s19 =	sshra.s32 s20, $0x2  }
0x16: {  	[tilespmem:s19+$0x7680] =	vst v0  }
0x17: {  	[tilespmem:s19+$0x7690] =	vst v0;
	s18 =	simm.s32 $0x0  }
0x18: {  	[tilespmem:s10], [sflag:$0x1] =	stream.linear.gather [hbm4b:s9+s18], $0x4E20, $0x38;
	[tilespmem:$0xCB80] =	vst v63  }
0x19: {  	_ =	swait.ge [sflag:s11], $0x4E20  }
0x1a: {  	[sflag:s11] =	ssyncset.done $0x0  }
0x1b: {  	s19 =	simm.s32 $0x0;
	s18 =	simm.s32 $0x80;
	[sflag:s11] =	ssyncadd.s32 $0xFFFFB1E0  }
.LBB2_4:
0x1c: {  	p0 =	sne.s32 s18, $0x13800;
	v2 =	vld [tilespmem:s19+$0x2800];
	_ =	sdelay $0x7  }
0x1d: {  	[tilespmem:v2+s12+$0x0] =	vst.idx.add.f32.msk $0xffff, v1  }
0x1e: {  	v2 =	vld [tilespmem:s19+$0x2810];
	_ =	sdelay $0x3  }
.Ltmp1:
0x1f: {  	(pc) =	sbr.rel @p0 .LBB2_4-.Ltmp1, $2  }
0x20: {  	_ =	sdelay $0x2  }
0x21: {  	s19 =	sshra.s32 s18, $0x2;
	s18 =	sadd.s32 $0x80, s18;
	[tilespmem:v2+s12+$0x0] =	vst.idx.add.f32.msk $0xffff, v1  }
0x22: {  	v2 =	vld [tilespmem:s19+$0x2800];
	_ =	sdelay $0x7  }
0x23: {  	[tilespmem:v2+s12+$0x0] =	vst.idx.add.f32.msk $0xffff, v1  }
0x24: {  	v2 =	vld [tilespmem:s19+$0x2810];
	_ =	sdelay $0x7  }
0x25: {  	[tilespmem:v2+s12+$0x0] =	vst.idx.add.f32.msk $0xffff, v1  }
0x26: {  	[spmem:s4] =	stream.strided.scatter [tilespmem:s12], [sflag:$0x1], $0x2800, s14, s13, $0x38;
	[tilespmem:$0xCB80] =	vst v63  }
0x27: {  	_ =	swait.ge [sflag:s11], $0x2800  }
0x28: {  	[sflag:s11] =	ssyncset.done $0x0  }
0x29: {  	[sflag:s11] =	ssyncadd.s32 $0xFFFFD800  }
0x2a: {  	[bflag:$0x0] =	sbarrier.arrive $0xFFFF  }
0x2b: {  	[tilespmem:$0xA100] =	vst v0  }
0x2c: {  	[tilespmem:$0xA110] =	vst v0  }
0x2d: {  	[tilespmem:$0xA120] =	vst v0  }
0x2e: {  	[tilespmem:$0xA130] =	vst v0  }
0x2f: {  	[tilespmem:$0xA140] =	vst v0  }
0x30: {  	[tilespmem:$0xA150] =	vst v0  }
0x31: {  	[tilespmem:$0xA160] =	vst v0  }
0x32: {  	[tilespmem:$0xA170] =	vst v0  }
0x33: {  	[tilespmem:$0xA180] =	vst v0  }
0x34: {  	[tilespmem:$0xA190] =	vst v0  }
0x35: {  	[tilespmem:$0xA1A0] =	vst v0  }
0x36: {  	[tilespmem:$0xA1B0] =	vst v0  }
0x37: {  	[tilespmem:$0xA1C0] =	vst v0  }
0x38: {  	[tilespmem:$0xA1D0] =	vst v0  }
0x39: {  	[tilespmem:$0xA1E0] =	vst v0  }
0x3a: {  	[tilespmem:$0xA1F0] =	vst v0  }
0x3b: {  	[tilespmem:$0xA200] =	vst v0  }
0x3c: {  	[tilespmem:$0xA210] =	vst v0  }
0x3d: {  	[tilespmem:$0xA220] =	vst v0  }
0x3e: {  	[tilespmem:$0xA230] =	vst v0  }
0x3f: {  	[tilespmem:$0xA240] =	vst v0  }
0x40: {  	[tilespmem:$0xA250] =	vst v0  }
0x41: {  	[tilespmem:$0xA260] =	vst v0  }
0x42: {  	[tilespmem:$0xA270] =	vst v0  }
0x43: {  	[tilespmem:$0xA280] =	vst v0  }
0x44: {  	[tilespmem:$0xA290] =	vst v0  }
0x45: {  	[tilespmem:$0xA2A0] =	vst v0  }
0x46: {  	[tilespmem:$0xA2B0] =	vst v0  }
0x47: {  	[tilespmem:$0xA2C0] =	vst v0  }
0x48: {  	[tilespmem:$0xA2D0] =	vst v0  }
0x49: {  	[tilespmem:$0xA2E0] =	vst v0  }
0x4a: {  	[tilespmem:$0xA2F0] =	vst v0  }
0x4b: {  	[tilespmem:$0xA300] =	vst v0  }
0x4c: {  	[tilespmem:$0xA310] =	vst v0  }
0x4d: {  	[tilespmem:$0xA320] =	vst v0  }
0x4e: {  	[tilespmem:$0xA330] =	vst v0  }
0x4f: {  	[tilespmem:$0xA340] =	vst v0  }
0x50: {  	[tilespmem:$0xA350] =	vst v0  }
0x51: {  	[tilespmem:$0xA360] =	vst v0  }
0x52: {  	s19 =	simm.s32 $0x0;
	[tilespmem:$0xA370] =	vst v0  }
.LBB2_6:
0x53: {  	s18 =	sshrl.u32 s19, $0x3  }
0x54: {  	s18 =	smul.u32 $0x50000, s18;
	_ =	sdelay $0x1  }
0x55: {  	s20 =	sshll.u32 s19, $0x7;
	s18 =	sshra.s32 s18, $0x2  }
0x56: {  	s20 =	sand.u32 $0x380, s20;
	s18 =	sadd.s32 s18, s5  }
0x57: {  	s18 =	sadd.s32 s20, s18  }
0x58: {  	[tilespmem:s15], [sflag:$0x1] =	stream.strided.gather [spmem:s18], $0x280, s14, s13, $0x38;
	[tilespmem:$0xCB80] =	vst v63  }
0x59: {  	_ =	swait.ge [sflag:s11], $0x280  }
0x5a: {  	[sflag:s11] =	ssyncset.done $0x0  }
0x5b: {  	s18 =	simm.s32 $0x0;
	[sflag:s11] =	ssyncadd.s32 $0xFFFFFD80  }
0x5c: {  	s20 =	simm.s32 $0x40;
	v2 =	vld [tilespmem:s18+$0x9E80]  }
.LBB2_7:
0x5d: {  	p0 =	sne.s32 s20, $0x9C0;
	v3 =	vld [tilespmem:s18+$0xA100];
	_ =	sdelay $0x2  }
.Ltmp2:
0x5e: {  	(pc) =	sbr.rel @p0 .LBB2_7-.Ltmp2, $4  }
0x5f: {  	_ = 	snop  }
0x60: {  	v3 =	vadd.f32 v2, v3  }
0x61: {  	s21 =	sshra.s32 s20, $0x2  }
0x62: {  	s20 =	sadd.s32 $0x40, s20;
	v2 =	vld [tilespmem:s21+$0x9E80];
	[tilespmem:s18+$0xA100] =	vst v3;
	s18 =	smov.u32 s21  }
0x63: {  	v3 =	vld [tilespmem:s18+$0xA100]  }
0x64: {  	s19 =	sadd.s32 $0x1, s19  }
0x65: {  	p0 =	sne.s32 s19, $0x10  }
.Ltmp3:
0x66: {  	_ = 	snop;
	(pc) =	sbr.rel @p0 .LBB2_6-.Ltmp3, $3  }
0x67: {  	_ = 	snop  }
0x68: {  	v2 =	vadd.f32 v2, v3;
	_ =	sdelay $0x1  }
0x69: {  	[tilespmem:s18+$0xA100] =	vst v2;
	s18 =	simm.s32 $0x0  }
0x6a: {  	s19 =	sshra.s32 s18, $0x2;
	s20 =	sadd.s32 $0x40, s18  }
.LBB2_10:
0x6b: {  	p0 =	sne.s32 s20, $0x9C0;
	v2 =	vld [tilespmem:s19+$0xA100];
	_ =	sdelay $0x4  }
0x6c: {  	v2 =	vmax.f32 v2, $1.000000000e+00  }
0x6d: {  	v3 =	vshra.s32 v2, $0x1;
	v2 =	vmul.f32 $5.000000000e-01, v2  }
0x6e: {  	v3 =	vsub.s32 $0x5F3759DF, v3  }
0x6f: {  	v4 =	vmul.f32 v3, v2;
	_ =	sdelay $0x1  }
0x70: {  	v4 =	vmul.f32 v3, v4;
	_ =	sdelay $0x1  }
0x71: {  	v4 =	vsub.f32 $1.500000000e+00, v4;
	_ =	sdelay $0x1  }
0x72: {  	v3 =	vmul.f32 v3, v4;
	_ =	sdelay $0x1  }
0x73: {  	v4 =	vmul.f32 v3, v2;
	_ =	sdelay $0x1  }
0x74: {  	v4 =	vmul.f32 v4, v3;
	_ =	sdelay $0x1  }
0x75: {  	v4 =	vsub.f32 $1.500000000e+00, v4;
	_ =	sdelay $0x1  }
0x76: {  	v3 =	vmul.f32 v4, v3;
	_ =	sdelay $0x1  }
0x77: {  	v2 =	vmul.f32 v3, v2;
	_ =	sdelay $0x1  }
0x78: {  	v2 =	vmul.f32 v2, v3;
	_ =	sdelay $0x1  }
.Ltmp4:
0x79: {  	v2 =	vsub.f32 $1.500000000e+00, v2;
	(pc) =	sbr.rel @p0 .LBB2_10-.Ltmp4, $3  }
0x7a: {  	_ = 	snop  }
0x7b: {  	v2 =	vmul.f32 v2, v3;
	_ =	sdelay $0x1  }
0x7c: {  	[tilespmem:s19+$0xA100] =	vst v2;
	s19 =	sshra.s32 s20, $0x2;
	s20 =	sadd.s32 $0x40, s20  }
0x7d: {  	v2 =	vld [tilespmem:s19+$0xA100];
	_ =	sdelay $0x4  }
0x7e: {  	v2 =	vmax.f32 v2, $1.000000000e+00  }
0x7f: {  	v3 =	vshra.s32 v2, $0x1;
	v2 =	vmul.f32 $5.000000000e-01, v2  }
0x80: {  	v3 =	vsub.s32 $0x5F3759DF, v3  }
0x81: {  	v4 =	vmul.f32 v3, v2;
	_ =	sdelay $0x1  }
0x82: {  	v4 =	vmul.f32 v3, v4;
	_ =	sdelay $0x1  }
0x83: {  	v4 =	vsub.f32 $1.500000000e+00, v4;
	_ =	sdelay $0x1  }
0x84: {  	v3 =	vmul.f32 v3, v4;
	_ =	sdelay $0x1  }
0x85: {  	v4 =	vmul.f32 v3, v2;
	_ =	sdelay $0x1  }
0x86: {  	v4 =	vmul.f32 v4, v3;
	_ =	sdelay $0x1  }
0x87: {  	v4 =	vsub.f32 $1.500000000e+00, v4;
	_ =	sdelay $0x1  }
0x88: {  	v3 =	vmul.f32 v4, v3;
	_ =	sdelay $0x1  }
0x89: {  	v2 =	vmul.f32 v3, v2;
	_ =	sdelay $0x1  }
0x8a: {  	v2 =	vmul.f32 v2, v3;
	_ =	sdelay $0x1  }
0x8b: {  	v2 =	vsub.f32 $1.500000000e+00, v2;
	_ =	sdelay $0x1  }
0x8c: {  	v2 =	vmul.f32 v2, v3;
	_ =	sdelay $0x1  }
0x8d: {  	[tilespmem:s19+$0xA100] =	vst v2;
	s19 =	simm.s32 $0xA100  }
.LBB2_12:
0x8e: {  	v2 =	vmov s19;
	_ =	sdelay $0x3  }
0x8f: {  	s20 =	simm.s32 $0x0  }
0x90: {  	v3 =	vld.idx.msk [tilespmem:v2+s20+$0x0 ss:$0x1], $0xffff;
	_ =	sdelay $0x4  }
0x91: {  	v3 =	vadd.f32 $0.0e+00, v3;
	_ =	sdelay $0x1  }
0x92: {  	v4 =	vbroadcast v3, $0x0  }
0x93: {  	s20 =	simm.s32 $0xA780  }
0x94: {  	[tilespmem:s20+$0xFFFFFC00] =	vst v4  }
0x95: {  	[tilespmem:s20+$0xFFFFFC10] =	vst v4  }
0x96: {  	[tilespmem:s20+$0xFFFFFC20] =	vst v4  }
0x97: {  	[tilespmem:s20+$0xFFFFFC30] =	vst v4  }
0x98: {  	[tilespmem:s20+$0xFFFFFC40] =	vst v4  }
0x99: {  	[tilespmem:s20+$0xFFFFFC50] =	vst v4  }
0x9a: {  	v5 =	vbroadcast v3, $0x1;
	[tilespmem:s20+$0xFFFFFC60] =	vst v4  }
0x9b: {  	[tilespmem:s20+$0xFFFFFC70] =	vst v4  }
0x9c: {  	[tilespmem:s20+$0xFFFFFC80] =	vst v5  }
0x9d: {  	[tilespmem:s20+$0xFFFFFC90] =	vst v5  }
0x9e: {  	[tilespmem:s20+$0xFFFFFCA0] =	vst v5  }
0x9f: {  	[tilespmem:s20+$0xFFFFFCB0] =	vst v5  }
0xa0: {  	[tilespmem:s20+$0xFFFFFCC0] =	vst v5  }
0xa1: {  	[tilespmem:s20+$0xFFFFFCD0] =	vst v5  }
0xa2: {  	v51 =	vbroadcast v3, $0x2;
	[tilespmem:s20+$0xFFFFFCE0] =	vst v5  }
0xa3: {  	[tilespmem:s20+$0xFFFFFCF0] =	vst v5  }
0xa4: {  	[tilespmem:s20+$0xFFFFFD00] =	vst v51  }
0xa5: {  	[tilespmem:s20+$0xFFFFFD10] =	vst v51  }
0xa6: {  	[tilespmem:s20+$0xFFFFFD20] =	vst v51  }
0xa7: {  	[tilespmem:s20+$0xFFFFFD30] =	vst v51  }
0xa8: {  	[tilespmem:s20+$0xFFFFFD40] =	vst v51  }
0xa9: {  	[tilespmem:s20+$0xFFFFFD50] =	vst v51  }
0xaa: {  	v52 =	vbroadcast v3, $0x3;
	[tilespmem:s20+$0xFFFFFD60] =	vst v51  }
0xab: {  	[tilespmem:s20+$0xFFFFFD70] =	vst v51  }
0xac: {  	[tilespmem:s20+$0xFFFFFD80] =	vst v52  }
0xad: {  	[tilespmem:s20+$0xFFFFFD90] =	vst v52  }
0xae: {  	[tilespmem:s20+$0xFFFFFDA0] =	vst v52  }
0xaf: {  	[tilespmem:s20+$0xFFFFFDB0] =	vst v52  }
0xb0: {  	[tilespmem:s20+$0xFFFFFDC0] =	vst v52  }
0xb1: {  	[tilespmem:s20+$0xFFFFFDD0] =	vst v52  }
0xb2: {  	v53 =	vbroadcast v3, $0x4;
	[tilespmem:s20+$0xFFFFFDE0] =	vst v52  }
0xb3: {  	[tilespmem:s20+$0xFFFFFDF0] =	vst v52  }
0xb4: {  	[tilespmem:s20+$0xFFFFFE00] =	vst v53  }
0xb5: {  	[tilespmem:s20+$0xFFFFFE10] =	vst v53  }
0xb6: {  	[tilespmem:s20+$0xFFFFFE20] =	vst v53  }
0xb7: {  	[tilespmem:s20+$0xFFFFFE30] =	vst v53  }
0xb8: {  	[tilespmem:s20+$0xFFFFFE40] =	vst v53  }
0xb9: {  	[tilespmem:s20+$0xFFFFFE50] =	vst v53  }
0xba: {  	v54 =	vbroadcast v3, $0x5;
	[tilespmem:s20+$0xFFFFFE60] =	vst v53  }
0xbb: {  	[tilespmem:s20+$0xFFFFFE70] =	vst v53  }
0xbc: {  	[tilespmem:s20+$0xFFFFFE80] =	vst v54  }
0xbd: {  	[tilespmem:s20+$0xFFFFFE90] =	vst v54  }
0xbe: {  	[tilespmem:s20+$0xFFFFFEA0] =	vst v54  }
0xbf: {  	[tilespmem:s20+$0xFFFFFEB0] =	vst v54  }
0xc0: {  	[tilespmem:s20+$0xFFFFFEC0] =	vst v54  }
0xc1: {  	[tilespmem:s20+$0xFFFFFED0] =	vst v54  }
0xc2: {  	v55 =	vbroadcast v3, $0x6;
	[tilespmem:s20+$0xFFFFFEE0] =	vst v54  }
0xc3: {  	[tilespmem:s20+$0xFFFFFEF0] =	vst v54  }
0xc4: {  	[tilespmem:s20+$0xFFFFFF00] =	vst v55  }
0xc5: {  	[tilespmem:s20+$0xFFFFFF10] =	vst v55  }
0xc6: {  	[tilespmem:s20+$0xFFFFFF20] =	vst v55  }
0xc7: {  	[tilespmem:s20+$0xFFFFFF30] =	vst v55  }
0xc8: {  	[tilespmem:s20+$0xFFFFFF40] =	vst v55  }
0xc9: {  	[tilespmem:s20+$0xFFFFFF50] =	vst v55  }
0xca: {  	v56 =	vbroadcast v3, $0x7;
	[tilespmem:s20+$0xFFFFFF60] =	vst v55  }
0xcb: {  	[tilespmem:s20+$0xFFFFFF70] =	vst v55  }
0xcc: {  	[tilespmem:s20+$0xFFFFFF80] =	vst v56  }
0xcd: {  	[tilespmem:s20+$0xFFFFFF90] =	vst v56  }
0xce: {  	[tilespmem:s20+$0xFFFFFFA0] =	vst v56  }
0xcf: {  	[tilespmem:s20+$0xFFFFFFB0] =	vst v56  }
0xd0: {  	[tilespmem:s20+$0xFFFFFFC0] =	vst v56  }
0xd1: {  	[tilespmem:s20+$0xFFFFFFD0] =	vst v56  }
0xd2: {  	v57 =	vbroadcast v3, $0x8;
	[tilespmem:s20+$0xFFFFFFE0] =	vst v56  }
0xd3: {  	[tilespmem:s20+$0xFFFFFFF0] =	vst v56  }
0xd4: {  	[tilespmem:s20+$0x0] =	vst v57  }
0xd5: {  	[tilespmem:s20+$0x10] =	vst v57  }
0xd6: {  	[tilespmem:s20+$0x20] =	vst v57  }
0xd7: {  	[tilespmem:s20+$0x30] =	vst v57  }
0xd8: {  	[tilespmem:s20+$0x40] =	vst v57  }
0xd9: {  	[tilespmem:s20+$0x50] =	vst v57  }
0xda: {  	v58 =	vbroadcast v3, $0x9;
	[tilespmem:s20+$0x60] =	vst v57  }
0xdb: {  	[tilespmem:s20+$0x70] =	vst v57  }
0xdc: {  	[tilespmem:s20+$0x80] =	vst v58  }
0xdd: {  	[tilespmem:s20+$0x90] =	vst v58  }
0xde: {  	[tilespmem:s20+$0xA0] =	vst v58  }
0xdf: {  	[tilespmem:s20+$0xB0] =	vst v58  }
0xe0: {  	[tilespmem:s20+$0xC0] =	vst v58  }
0xe1: {  	[tilespmem:s20+$0xD0] =	vst v58  }
0xe2: {  	v59 =	vbroadcast v3, $0xA;
	[tilespmem:s20+$0xE0] =	vst v58  }
0xe3: {  	[tilespmem:s20+$0xF0] =	vst v58  }
0xe4: {  	[tilespmem:s20+$0x100] =	vst v59  }
0xe5: {  	[tilespmem:s20+$0x110] =	vst v59  }
0xe6: {  	[tilespmem:s20+$0x120] =	vst v59  }
0xe7: {  	[tilespmem:s20+$0x130] =	vst v59  }
0xe8: {  	[tilespmem:s20+$0x140] =	vst v59  }
0xe9: {  	[tilespmem:s20+$0x150] =	vst v59  }
0xea: {  	v60 =	vbroadcast v3, $0xB;
	[tilespmem:s20+$0x160] =	vst v59  }
0xeb: {  	[tilespmem:s20+$0x170] =	vst v59  }
0xec: {  	[tilespmem:s20+$0x180] =	vst v60  }
0xed: {  	[tilespmem:s20+$0x190] =	vst v60  }
0xee: {  	[tilespmem:s20+$0x1A0] =	vst v60  }
0xef: {  	[tilespmem:s20+$0x1B0] =	vst v60  }
0xf0: {  	[tilespmem:s20+$0x1C0] =	vst v60  }
0xf1: {  	[tilespmem:s20+$0x1D0] =	vst v60  }
0xf2: {  	v61 =	vbroadcast v3, $0xC;
	[tilespmem:s20+$0x1E0] =	vst v60  }
0xf3: {  	[tilespmem:s20+$0x1F0] =	vst v60  }
0xf4: {  	[tilespmem:s20+$0x200] =	vst v61  }
0xf5: {  	[tilespmem:s20+$0x210] =	vst v61  }
0xf6: {  	[tilespmem:s20+$0x220] =	vst v61  }
0xf7: {  	[tilespmem:s20+$0x230] =	vst v61  }
0xf8: {  	[tilespmem:s20+$0x240] =	vst v61  }
0xf9: {  	[tilespmem:s20+$0x250] =	vst v61  }
0xfa: {  	v62 =	vbroadcast v3, $0xD;
	[tilespmem:s20+$0x260] =	vst v61  }
0xfb: {  	[tilespmem:s20+$0x270] =	vst v61  }
0xfc: {  	[tilespmem:s20+$0x280] =	vst v62  }
0xfd: {  	[tilespmem:s20+$0x290] =	vst v62  }
0xfe: {  	[tilespmem:s20+$0x2A0] =	vst v62  }
0xff: {  	[tilespmem:s20+$0x2B0] =	vst v62  }
0x100: {  	[tilespmem:s20+$0x2C0] =	vst v62  }
0x101: {  	[tilespmem:s20+$0x2D0] =	vst v62  }
0x102: {  	v63 =	vbroadcast v3, $0xE;
	[tilespmem:s20+$0x2E0] =	vst v62  }
0x103: {  	[tilespmem:s20+$0x2F0] =	vst v62  }
0x104: {  	[tilespmem:s20+$0x300] =	vst v63  }
0x105: {  	[tilespmem:s20+$0x310] =	vst v63  }
0x106: {  	[tilespmem:s20+$0x320] =	vst v63  }
0x107: {  	[tilespmem:s20+$0x330] =	vst v63  }
0x108: {  	[tilespmem:s20+$0x340] =	vst v63  }
0x109: {  	[tilespmem:s20+$0x350] =	vst v63  }
0x10a: {  	v3 =	vbroadcast v3, $0xF;
	[tilespmem:s20+$0x360] =	vst v63  }
0x10b: {  	[tilespmem:s20+$0x370] =	vst v63  }
0x10c: {  	[tilespmem:s20+$0x380] =	vst v3  }
0x10d: {  	[tilespmem:s20+$0x390] =	vst v3  }
0x10e: {  	[tilespmem:s20+$0x3A0] =	vst v3  }
0x10f: {  	[tilespmem:s20+$0x3B0] =	vst v3  }
0x110: {  	[tilespmem:s20+$0x3C0] =	vst v3  }
0x111: {  	[tilespmem:s20+$0x3D0] =	vst v3  }
0x112: {  	[tilespmem:s20+$0x3E0] =	vst v3  }
0x113: {  	s22 =	simm.s32 $0x10;
	s21 =	simm.s32 $0x80;
	[tilespmem:s20+$0x3F0] =	vst v3  }
.LBB2_13:
0x114: {  	p0 =	sne.s32 s21, $0x100;
	v3 =	vld.idx.msk [tilespmem:v2+s22+$0x0 ss:$0x1], $0xffff;
	_ =	sdelay $0x5  }
0x115: {  	v3 =	vadd.f32 $0.0e+00, v3;
	_ =	sdelay $0x1  }
0x116: {  	v12 =	vbroadcast v3, $0x0;
	v13 =	vbroadcast v3, $0x1  }
0x117: {  	s20 =	sadd.s32 $0x800, s20;
	v14 =	vbroadcast v3, $0x2;
	v15 =	vbroadcast v3, $0x3  }
0x118: {  	v16 =	vbroadcast v3, $0x4;
	v17 =	vbroadcast v3, $0x5;
	[tilespmem:s20+$0xFFFFFC00] =	vst v12  }
0x119: {  	v18 =	vbroadcast v3, $0x6;
	v11 =	vbroadcast v3, $0x7;
	[tilespmem:s20+$0xFFFFFC10] =	vst v12  }
0x11a: {  	v10 =	vbroadcast v3, $0x8;
	v9 =	vbroadcast v3, $0x9;
	[tilespmem:s20+$0xFFFFFC20] =	vst v12  }
0x11b: {  	v8 =	vbroadcast v3, $0xA;
	v7 =	vbroadcast v3, $0xB;
	[tilespmem:s20+$0xFFFFFC30] =	vst v12  }
0x11c: {  	v6 =	vbroadcast v3, $0xC;
	v5 =	vbroadcast v3, $0xD;
	[tilespmem:s20+$0xFFFFFC40] =	vst v12  }
0x11d: {  	v4 =	vbroadcast v3, $0xE;
	v3 =	vbroadcast v3, $0xF;
	[tilespmem:s20+$0xFFFFFC50] =	vst v12  }
0x11e: {  	[tilespmem:s20+$0xFFFFFC60] =	vst v12  }
0x11f: {  	[tilespmem:s20+$0xFFFFFC70] =	vst v12  }
0x120: {  	[tilespmem:s20+$0xFFFFFC80] =	vst v13  }
0x121: {  	[tilespmem:s20+$0xFFFFFC90] =	vst v13  }
0x122: {  	[tilespmem:s20+$0xFFFFFCA0] =	vst v13  }
0x123: {  	[tilespmem:s20+$0xFFFFFCB0] =	vst v13  }
0x124: {  	[tilespmem:s20+$0xFFFFFCC0] =	vst v13  }
0x125: {  	[tilespmem:s20+$0xFFFFFCD0] =	vst v13  }
0x126: {  	[tilespmem:s20+$0xFFFFFCE0] =	vst v13  }
0x127: {  	[tilespmem:s20+$0xFFFFFCF0] =	vst v13  }
0x128: {  	[tilespmem:s20+$0xFFFFFD00] =	vst v14  }
0x129: {  	[tilespmem:s20+$0xFFFFFD10] =	vst v14  }
0x12a: {  	[tilespmem:s20+$0xFFFFFD20] =	vst v14  }
0x12b: {  	[tilespmem:s20+$0xFFFFFD30] =	vst v14  }
0x12c: {  	[tilespmem:s20+$0xFFFFFD40] =	vst v14  }
0x12d: {  	[tilespmem:s20+$0xFFFFFD50] =	vst v14  }
0x12e: {  	[tilespmem:s20+$0xFFFFFD60] =	vst v14  }
0x12f: {  	[tilespmem:s20+$0xFFFFFD70] =	vst v14  }
0x130: {  	[tilespmem:s20+$0xFFFFFD80] =	vst v15  }
0x131: {  	[tilespmem:s20+$0xFFFFFD90] =	vst v15  }
0x132: {  	[tilespmem:s20+$0xFFFFFDA0] =	vst v15  }
0x133: {  	[tilespmem:s20+$0xFFFFFDB0] =	vst v15  }
0x134: {  	[tilespmem:s20+$0xFFFFFDC0] =	vst v15  }
0x135: {  	[tilespmem:s20+$0xFFFFFDD0] =	vst v15  }
0x136: {  	[tilespmem:s20+$0xFFFFFDE0] =	vst v15  }
0x137: {  	[tilespmem:s20+$0xFFFFFDF0] =	vst v15  }
0x138: {  	[tilespmem:s20+$0xFFFFFE00] =	vst v16  }
0x139: {  	[tilespmem:s20+$0xFFFFFE10] =	vst v16  }
0x13a: {  	[tilespmem:s20+$0xFFFFFE20] =	vst v16  }
0x13b: {  	[tilespmem:s20+$0xFFFFFE30] =	vst v16  }
0x13c: {  	[tilespmem:s20+$0xFFFFFE40] =	vst v16  }
0x13d: {  	[tilespmem:s20+$0xFFFFFE50] =	vst v16  }
0x13e: {  	[tilespmem:s20+$0xFFFFFE60] =	vst v16  }
0x13f: {  	[tilespmem:s20+$0xFFFFFE70] =	vst v16  }
0x140: {  	[tilespmem:s20+$0xFFFFFE80] =	vst v17  }
0x141: {  	[tilespmem:s20+$0xFFFFFE90] =	vst v17  }
0x142: {  	[tilespmem:s20+$0xFFFFFEA0] =	vst v17  }
0x143: {  	[tilespmem:s20+$0xFFFFFEB0] =	vst v17  }
0x144: {  	[tilespmem:s20+$0xFFFFFEC0] =	vst v17  }
0x145: {  	[tilespmem:s20+$0xFFFFFED0] =	vst v17  }
0x146: {  	[tilespmem:s20+$0xFFFFFEE0] =	vst v17  }
0x147: {  	[tilespmem:s20+$0xFFFFFEF0] =	vst v17  }
0x148: {  	[tilespmem:s20+$0xFFFFFF00] =	vst v18  }
0x149: {  	[tilespmem:s20+$0xFFFFFF10] =	vst v18  }
0x14a: {  	[tilespmem:s20+$0xFFFFFF20] =	vst v18  }
0x14b: {  	[tilespmem:s20+$0xFFFFFF30] =	vst v18  }
0x14c: {  	[tilespmem:s20+$0xFFFFFF40] =	vst v18  }
0x14d: {  	[tilespmem:s20+$0xFFFFFF50] =	vst v18  }
0x14e: {  	[tilespmem:s20+$0xFFFFFF60] =	vst v18  }
0x14f: {  	[tilespmem:s20+$0xFFFFFF70] =	vst v18  }
0x150: {  	[tilespmem:s20+$0xFFFFFF80] =	vst v11  }
0x151: {  	[tilespmem:s20+$0xFFFFFF90] =	vst v11  }
0x152: {  	[tilespmem:s20+$0xFFFFFFA0] =	vst v11  }
0x153: {  	[tilespmem:s20+$0xFFFFFFB0] =	vst v11  }
0x154: {  	[tilespmem:s20+$0xFFFFFFC0] =	vst v11  }
0x155: {  	[tilespmem:s20+$0xFFFFFFD0] =	vst v11  }
0x156: {  	[tilespmem:s20+$0xFFFFFFE0] =	vst v11  }
0x157: {  	[tilespmem:s20+$0xFFFFFFF0] =	vst v11  }
0x158: {  	[tilespmem:s20+$0x0] =	vst v10  }
0x159: {  	[tilespmem:s20+$0x10] =	vst v10  }
0x15a: {  	[tilespmem:s20+$0x20] =	vst v10  }
0x15b: {  	[tilespmem:s20+$0x30] =	vst v10  }
0x15c: {  	[tilespmem:s20+$0x40] =	vst v10  }
0x15d: {  	[tilespmem:s20+$0x50] =	vst v10  }
0x15e: {  	[tilespmem:s20+$0x60] =	vst v10  }
0x15f: {  	[tilespmem:s20+$0x70] =	vst v10  }
0x160: {  	[tilespmem:s20+$0x80] =	vst v9  }
0x161: {  	[tilespmem:s20+$0x90] =	vst v9  }
0x162: {  	[tilespmem:s20+$0xA0] =	vst v9  }
0x163: {  	[tilespmem:s20+$0xB0] =	vst v9  }
0x164: {  	[tilespmem:s20+$0xC0] =	vst v9  }
0x165: {  	[tilespmem:s20+$0xD0] =	vst v9  }
0x166: {  	[tilespmem:s20+$0xE0] =	vst v9  }
0x167: {  	[tilespmem:s20+$0xF0] =	vst v9  }
0x168: {  	[tilespmem:s20+$0x100] =	vst v8  }
0x169: {  	[tilespmem:s20+$0x110] =	vst v8  }
0x16a: {  	[tilespmem:s20+$0x120] =	vst v8  }
0x16b: {  	[tilespmem:s20+$0x130] =	vst v8  }
0x16c: {  	[tilespmem:s20+$0x140] =	vst v8  }
0x16d: {  	[tilespmem:s20+$0x150] =	vst v8  }
0x16e: {  	[tilespmem:s20+$0x160] =	vst v8  }
0x16f: {  	[tilespmem:s20+$0x170] =	vst v8  }
0x170: {  	[tilespmem:s20+$0x180] =	vst v7  }
0x171: {  	[tilespmem:s20+$0x190] =	vst v7  }
0x172: {  	[tilespmem:s20+$0x1A0] =	vst v7  }
0x173: {  	[tilespmem:s20+$0x1B0] =	vst v7  }
0x174: {  	[tilespmem:s20+$0x1C0] =	vst v7  }
0x175: {  	[tilespmem:s20+$0x1D0] =	vst v7  }
0x176: {  	[tilespmem:s20+$0x1E0] =	vst v7  }
0x177: {  	[tilespmem:s20+$0x1F0] =	vst v7  }
0x178: {  	[tilespmem:s20+$0x200] =	vst v6  }
0x179: {  	[tilespmem:s20+$0x210] =	vst v6  }
0x17a: {  	[tilespmem:s20+$0x220] =	vst v6  }
0x17b: {  	[tilespmem:s20+$0x230] =	vst v6  }
0x17c: {  	[tilespmem:s20+$0x240] =	vst v6  }
0x17d: {  	[tilespmem:s20+$0x250] =	vst v6  }
0x17e: {  	[tilespmem:s20+$0x260] =	vst v6  }
0x17f: {  	[tilespmem:s20+$0x270] =	vst v6  }
0x180: {  	[tilespmem:s20+$0x280] =	vst v5  }
0x181: {  	[tilespmem:s20+$0x290] =	vst v5  }
0x182: {  	[tilespmem:s20+$0x2A0] =	vst v5  }
0x183: {  	[tilespmem:s20+$0x2B0] =	vst v5  }
0x184: {  	[tilespmem:s20+$0x2C0] =	vst v5  }
0x185: {  	[tilespmem:s20+$0x2D0] =	vst v5  }
0x186: {  	[tilespmem:s20+$0x2E0] =	vst v5  }
0x187: {  	[tilespmem:s20+$0x2F0] =	vst v5  }
0x188: {  	[tilespmem:s20+$0x300] =	vst v4  }
0x189: {  	[tilespmem:s20+$0x310] =	vst v4  }
0x18a: {  	[tilespmem:s20+$0x320] =	vst v4  }
0x18b: {  	[tilespmem:s20+$0x330] =	vst v4  }
0x18c: {  	[tilespmem:s20+$0x340] =	vst v4  }
0x18d: {  	[tilespmem:s20+$0x350] =	vst v4  }
0x18e: {  	[tilespmem:s20+$0x360] =	vst v4  }
0x18f: {  	[tilespmem:s20+$0x370] =	vst v4  }
0x190: {  	[tilespmem:s20+$0x380] =	vst v3  }
0x191: {  	[tilespmem:s20+$0x390] =	vst v3  }
0x192: {  	[tilespmem:s20+$0x3A0] =	vst v3  }
.Ltmp5:
0x193: {  	[tilespmem:s20+$0x3B0] =	vst v3;
	(pc) =	sbr.rel @p0 .LBB2_13-.Ltmp5, $4  }
0x194: {  	[tilespmem:s20+$0x3C0] =	vst v3  }
0x195: {  	[tilespmem:s20+$0x3D0] =	vst v3  }
0x196: {  	[tilespmem:s20+$0x3E0] =	vst v3  }
0x197: {  	s22 =	sshra.s32 s21, $0x2;
	s21 =	sadd.s32 $0x40, s21;
	[tilespmem:s20+$0x3F0] =	vst v3  }
0x198: {  	_ =	sdelay $0x3  }
0x199: {  	v2 =	vld.idx.msk [tilespmem:v2+s22+$0x0 ss:$0x1], $0xffff;
	_ =	sdelay $0x4  }
0x19a: {  	v2 =	vadd.f32 $0.0e+00, v2;
	_ =	sdelay $0x1  }
0x19b: {  	v3 =	vbroadcast v2, $0x0  }
0x19c: {  	s20 =	sadd.s32 $0x800, s20  }
0x19d: {  	[tilespmem:s20+$0xFFFFFC00] =	vst v3  }
0x19e: {  	[tilespmem:s20+$0xFFFFFC10] =	vst v3  }
0x19f: {  	[tilespmem:s20+$0xFFFFFC20] =	vst v3  }
0x1a0: {  	[tilespmem:s20+$0xFFFFFC30] =	vst v3  }
0x1a1: {  	[tilespmem:s20+$0xFFFFFC40] =	vst v3  }
0x1a2: {  	[tilespmem:s20+$0xFFFFFC50] =	vst v3  }
0x1a3: {  	v4 =	vbroadcast v2, $0x1;
	[tilespmem:s20+$0xFFFFFC60] =	vst v3  }
0x1a4: {  	[tilespmem:s20+$0xFFFFFC70] =	vst v3  }
0x1a5: {  	[tilespmem:s20+$0xFFFFFC80] =	vst v4  }
0x1a6: {  	[tilespmem:s20+$0xFFFFFC90] =	vst v4  }
0x1a7: {  	[tilespmem:s20+$0xFFFFFCA0] =	vst v4  }
0x1a8: {  	[tilespmem:s20+$0xFFFFFCB0] =	vst v4  }
0x1a9: {  	[tilespmem:s20+$0xFFFFFCC0] =	vst v4  }
0x1aa: {  	[tilespmem:s20+$0xFFFFFCD0] =	vst v4  }
0x1ab: {  	v58 =	vbroadcast v2, $0x3;
	[tilespmem:s20+$0xFFFFFCE0] =	vst v4  }
0x1ac: {  	[tilespmem:s20+$0xFFFFFCF0] =	vst v4  }
0x1ad: {  	[tilespmem:s20+$0xFFFFFD80] =	vst v58  }
0x1ae: {  	[tilespmem:s20+$0xFFFFFD90] =	vst v58  }
0x1af: {  	[tilespmem:s20+$0xFFFFFDA0] =	vst v58  }
0x1b0: {  	[tilespmem:s20+$0xFFFFFDB0] =	vst v58  }
0x1b1: {  	[tilespmem:s20+$0xFFFFFDC0] =	vst v58  }
0x1b2: {  	[tilespmem:s20+$0xFFFFFDD0] =	vst v58  }
0x1b3: {  	v59 =	vbroadcast v2, $0x5;
	[tilespmem:s20+$0xFFFFFDE0] =	vst v58  }
0x1b4: {  	[tilespmem:s20+$0xFFFFFDF0] =	vst v58  }
0x1b5: {  	[tilespmem:s20+$0xFFFFFE80] =	vst v59  }
0x1b6: {  	[tilespmem:s20+$0xFFFFFE90] =	vst v59  }
0x1b7: {  	[tilespmem:s20+$0xFFFFFEA0] =	vst v59  }
0x1b8: {  	[tilespmem:s20+$0xFFFFFEB0] =	vst v59  }
0x1b9: {  	[tilespmem:s20+$0xFFFFFEC0] =	vst v59  }
0x1ba: {  	[tilespmem:s20+$0xFFFFFED0] =	vst v59  }
0x1bb: {  	v60 =	vbroadcast v2, $0x7;
	[tilespmem:s20+$0xFFFFFEE0] =	vst v59  }
0x1bc: {  	[tilespmem:s20+$0xFFFFFEF0] =	vst v59  }
0x1bd: {  	[tilespmem:s20+$0xFFFFFF80] =	vst v60  }
0x1be: {  	[tilespmem:s20+$0xFFFFFF90] =	vst v60  }
0x1bf: {  	[tilespmem:s20+$0xFFFFFFA0] =	vst v60  }
0x1c0: {  	[tilespmem:s20+$0xFFFFFFB0] =	vst v60  }
0x1c1: {  	[tilespmem:s20+$0xFFFFFFC0] =	vst v60  }
0x1c2: {  	[tilespmem:s20+$0xFFFFFFD0] =	vst v60  }
0x1c3: {  	v61 =	vbroadcast v2, $0x9;
	[tilespmem:s20+$0xFFFFFFE0] =	vst v60  }
0x1c4: {  	[tilespmem:s20+$0xFFFFFFF0] =	vst v60  }
0x1c5: {  	[tilespmem:s20+$0x80] =	vst v61  }
0x1c6: {  	[tilespmem:s20+$0x90] =	vst v61  }
0x1c7: {  	[tilespmem:s20+$0xA0] =	vst v61  }
0x1c8: {  	[tilespmem:s20+$0xB0] =	vst v61  }
0x1c9: {  	[tilespmem:s20+$0xC0] =	vst v61  }
0x1ca: {  	[tilespmem:s20+$0xD0] =	vst v61  }
0x1cb: {  	v62 =	vbroadcast v2, $0xB;
	[tilespmem:s20+$0xE0] =	vst v61  }
0x1cc: {  	[tilespmem:s20+$0xF0] =	vst v61  }
0x1cd: {  	[tilespmem:s20+$0x180] =	vst v62  }
0x1ce: {  	[tilespmem:s20+$0x190] =	vst v62  }
0x1cf: {  	[tilespmem:s20+$0x1A0] =	vst v62  }
0x1d0: {  	[tilespmem:s20+$0x1B0] =	vst v62  }
0x1d1: {  	[tilespmem:s20+$0x1C0] =	vst v62  }
0x1d2: {  	[tilespmem:s20+$0x1D0] =	vst v62  }
0x1d3: {  	v63 =	vbroadcast v2, $0xD;
	[tilespmem:s20+$0x1E0] =	vst v62  }
0x1d4: {  	[tilespmem:s20+$0x1F0] =	vst v62  }
0x1d5: {  	v3 =	vbroadcast v2, $0x2;
	[tilespmem:s20+$0x280] =	vst v63  }
0x1d6: {  	[tilespmem:s20+$0x290] =	vst v63  }
0x1d7: {  	[tilespmem:s20+$0xFFFFFD00] =	vst v3  }
0x1d8: {  	[tilespmem:s20+$0xFFFFFD10] =	vst v3  }
0x1d9: {  	[tilespmem:s20+$0xFFFFFD20] =	vst v3  }
0x1da: {  	[tilespmem:s20+$0xFFFFFD30] =	vst v3  }
0x1db: {  	[tilespmem:s20+$0xFFFFFD40] =	vst v3  }
0x1dc: {  	[tilespmem:s20+$0xFFFFFD50] =	vst v3  }
0x1dd: {  	[tilespmem:s20+$0xFFFFFD60] =	vst v3  }
0x1de: {  	[tilespmem:s20+$0xFFFFFD70] =	vst v3;
	v3 =	vbroadcast v2, $0x4  }
0x1df: {  	[tilespmem:s20+$0x2A0] =	vst v63  }
0x1e0: {  	[tilespmem:s20+$0xFFFFFE00] =	vst v3  }
0x1e1: {  	[tilespmem:s20+$0xFFFFFE10] =	vst v3  }
0x1e2: {  	[tilespmem:s20+$0xFFFFFE20] =	vst v3  }
0x1e3: {  	[tilespmem:s20+$0xFFFFFE30] =	vst v3  }
0x1e4: {  	[tilespmem:s20+$0xFFFFFE40] =	vst v3  }
0x1e5: {  	[tilespmem:s20+$0xFFFFFE50] =	vst v3  }
0x1e6: {  	[tilespmem:s20+$0xFFFFFE60] =	vst v3  }
0x1e7: {  	[tilespmem:s20+$0xFFFFFE70] =	vst v3;
	v3 =	vbroadcast v2, $0x6  }
0x1e8: {  	[tilespmem:s20+$0x2B0] =	vst v63  }
0x1e9: {  	[tilespmem:s20+$0xFFFFFF00] =	vst v3  }
0x1ea: {  	[tilespmem:s20+$0xFFFFFF10] =	vst v3  }
0x1eb: {  	[tilespmem:s20+$0xFFFFFF20] =	vst v3  }
0x1ec: {  	[tilespmem:s20+$0xFFFFFF30] =	vst v3  }
0x1ed: {  	[tilespmem:s20+$0xFFFFFF40] =	vst v3  }
0x1ee: {  	[tilespmem:s20+$0xFFFFFF50] =	vst v3  }
0x1ef: {  	[tilespmem:s20+$0xFFFFFF60] =	vst v3  }
0x1f0: {  	[tilespmem:s20+$0xFFFFFF70] =	vst v3;
	v3 =	vbroadcast v2, $0x8  }
0x1f1: {  	[tilespmem:s20+$0x2C0] =	vst v63  }
0x1f2: {  	[tilespmem:s20+$0x0] =	vst v3  }
0x1f3: {  	[tilespmem:s20+$0x10] =	vst v3  }
0x1f4: {  	[tilespmem:s20+$0x20] =	vst v3  }
0x1f5: {  	[tilespmem:s20+$0x30] =	vst v3  }
0x1f6: {  	[tilespmem:s20+$0x40] =	vst v3  }
0x1f7: {  	[tilespmem:s20+$0x50] =	vst v3  }
0x1f8: {  	[tilespmem:s20+$0x60] =	vst v3  }
0x1f9: {  	[tilespmem:s20+$0x70] =	vst v3;
	v3 =	vbroadcast v2, $0xA  }
0x1fa: {  	[tilespmem:s20+$0x2D0] =	vst v63  }
0x1fb: {  	[tilespmem:s20+$0x100] =	vst v3  }
0x1fc: {  	[tilespmem:s20+$0x110] =	vst v3  }
0x1fd: {  	[tilespmem:s20+$0x120] =	vst v3  }
0x1fe: {  	[tilespmem:s20+$0x130] =	vst v3  }
0x1ff: {  	[tilespmem:s20+$0x140] =	vst v3  }
0x200: {  	[tilespmem:s20+$0x150] =	vst v3  }
0x201: {  	[tilespmem:s20+$0x160] =	vst v3  }
0x202: {  	[tilespmem:s20+$0x170] =	vst v3;
	v3 =	vbroadcast v2, $0xC  }
0x203: {  	[tilespmem:s20+$0x2E0] =	vst v63  }
0x204: {  	[tilespmem:s20+$0x200] =	vst v3  }
0x205: {  	[tilespmem:s20+$0x210] =	vst v3  }
0x206: {  	[tilespmem:s20+$0x220] =	vst v3  }
0x207: {  	[tilespmem:s20+$0x230] =	vst v3  }
0x208: {  	[tilespmem:s20+$0x240] =	vst v3  }
0x209: {  	[tilespmem:s20+$0x250] =	vst v3  }
0x20a: {  	[tilespmem:s20+$0x260] =	vst v3  }
0x20b: {  	[tilespmem:s20+$0x270] =	vst v3;
	v3 =	vbroadcast v2, $0xE  }
0x20c: {  	[tilespmem:s20+$0x2F0] =	vst v63  }
0x20d: {  	[tilespmem:s20+$0x300] =	vst v3  }
0x20e: {  	[tilespmem:s20+$0x310] =	vst v3  }
0x20f: {  	[tilespmem:s20+$0x320] =	vst v3  }
0x210: {  	[tilespmem:s20+$0x330] =	vst v3  }
0x211: {  	[tilespmem:s20+$0x340] =	vst v3  }
0x212: {  	[tilespmem:s20+$0x350] =	vst v3  }
0x213: {  	v2 =	vbroadcast v2, $0xF;
	[tilespmem:s20+$0x360] =	vst v3  }
0x214: {  	[tilespmem:s20+$0x370] =	vst v3  }
0x215: {  	[tilespmem:s20+$0x380] =	vst v2  }
0x216: {  	s21 =	smul.u32 $0x50, s18;
	[tilespmem:s20+$0x390] =	vst v2  }
0x217: {  	[tilespmem:s20+$0x3A0] =	vst v2  }
0x218: {  	s21 =	sadd.s32 s7, s21;
	[tilespmem:s20+$0x3B0] =	vst v2  }
0x219: {  	s21 =	sshll.u32 s21, $0x7;
	[tilespmem:s20+$0x3C0] =	vst v2  }
0x21a: {  	s18 =	sadd.s32 $0x1, s18;
	s21 =	sadd.s32 s6, s21;
	[tilespmem:s20+$0x3D0] =	vst v2  }
0x21b: {  	p0 =	sne.s32 s18, $0x8;
	s21 =	sshrl.u32 s21, $0x3;
	[tilespmem:s20+$0x3E0] =	vst v2  }
.Ltmp6:
0x21c: {  	s31 =	sadd.s32 s3, s21;
	[tilespmem:s20+$0x3F0] =	vst v2;
	(pc) =	sbr.rel @p0 .LBB2_12-.Ltmp6, $4  }
0x21d: {  	[hbm4b:s31+s2] =	stream.linear.scatter [tilespmem:s16], [sflag:$0x1], $0x2800, $0x38;
	[tilespmem:$0xCB80] =	vst v63  }
0x21e: {  	_ =	swait.ge [sflag:s11], $0x2800  }
0x21f: {  	[sflag:s11] =	ssyncset.done $0x0  }
0x220: {  	s19 =	sadd.s32 $0x50, s19;
	[sflag:s11] =	ssyncadd.s32 $0xFFFFD800  }
0x221: {  	s17 =	sadd.s32 $0x1, s17  }
0x222: {  	p0 =	sne.s32 s17, s8  }
.Ltmp7:
0x223: {  	_ = 	snop;
	(pc) =	sbr.rel @p0 .LBB2_1-.Ltmp7, $1  }
0x224: {  	_ =	sdelay $0x3  }
0x225: {  	_ =	sfence.sel $0x180000  }
0x226: {  	[bflag:$0x0] =	sbarrier.arrive $0xFFFF  }
0x227: {  	p0 =	sne.s32 s1, $0x0;
	_ =	strace $0x90000047  }
0x228: {  	s0 =	sadd.s32 @!p0 $0x100000, s0;
	[bflag:$0x2] =	sbarrier.arrive $0xFFFF  }
0x229: {  	[sflag:s0] =	ssyncadd.tile.s32 @!p0 $0x1;
	_ =	shalt  }
.Lfunc_end2:
_tile_overlayer_lowered:
.L_overlay_start_2:
0x22a: {  	(tag) =	ssettag $0x2  }
0x22b: {  	s0 =	rddreg [dreg:$0x0];
	s2 =	stileid.u32  }
0x22c: {  	s1 =	rddreg [dreg:$0x1];
	p0 =	sne.s32 s2, $0x0  }
0x22d: {  	s3 =	rddreg [dreg:$0x2];
	[bflag:$0x3] =	sbarrier.arrive $0xFFFF;
	s2 =	simm.s32 @!p0 $0x1C01  }
0x22e: {  	[timem:s3], [sflag:s2] =	dma.local @!p0 [hbm:s0], s1  }
0x22f: {  	s0 =	simm.s32 @!p0 $0x1  }
0x230: {  	_ =	swait.ge @!p0 [sflag:s0], s1  }
0x231: {  	s1 =	ssub.s32 @!p0 $0x0, s1;
	[sflag:s0] =	ssyncset.done @!p0 $0x0  }
0x232: {  	[sflag:s0] =	ssyncadd.s32 @!p0 s1  }
0x233: {  	[bflag:$0x3] =	sbarrier.arrive $0xFFFF  }
0x234: {  	_ =	shalt  }

// kernel: kernel.9.cloned.1.call-start
scs
__scs_entry_jumppad:
0x0: {  	(pc) =	sbr.rel $0x88, $3  }
0x1: {  	(tag) =	ssettag $0x0;
	lr =	simm.s32 $0x1  }
0x2: {  	[smem:$0x3F9B] =	sst lr;
	_ =	strace $0xD0000000  }
0x3: {  	_ = 	snop  }
0x4: {  	_ = 	snop  }
0x5: {  	_ = 	snop  }
0x6: {  	_ = 	snop  }
0x7: {  	_ = 	snop  }
__scs_overlays_trampoline_lowered:
0x8: {  	[smem:$0x3FAA] =	sst s0  }
0x9: {  	[smem:$0x3FAB] =	sst s1  }
0xa: {  	[smem:$0x3FAC] =	sst s2  }
0xb: {  	[smem:$0x3FAD] =	sst s3  }
0xc: {  	[smem:$0x3FAE] =	sst s4  }
0xd: {  	[smem:$0x3FAF] =	sst s5  }
0xe: {  	[smem:$0x3FB0] =	sst s6  }
0xf: {  	[smem:$0x3FB1] =	sst s7  }
0x10: {  	[smem:$0x3FB2] =	sst s8  }
0x11: {  	[smem:$0x3FB3] =	sst s9;
	s0 =	simm.s32 @!p0 $0x0  }
0x12: {  	s1 =	sld [smem:$0x3F99];
	s0 =	simm.s32 @p0 $0x1  }
0x13: {  	[smem:$0x3FB4] =	sst s0;
	s0 =	simm.s32 @!p1 $0x0  }
0x14: {  	s2 =	sld [smem:$0x3F98];
	s0 =	simm.s32 @p1 $0x1  }
0x15: {  	[smem:$0x3FB5] =	sst s0;
	s0 =	simm.s32 @!p2 $0x0  }
0x16: {  	s3 =	sld [smem:$0x3FDB];
	s0 =	simm.s32 @p2 $0x1  }
0x17: {  	s4 =	simm.s32 $0x1BF5;
	[smem:$0x3FB7] =	sst s0  }
0x18: {  	s0 =	sld [smem:$0x3F9A];
	_ =	swait.ge [sflag:s4], $0x0  }
0x19: {  	s7 =	sld [smem:$0x3F9B]  }
0x1a: {  	s8 =	sadd.s32 $0xFFFFE003, lr  }
0x1b: {  	s9 =	sadd.s32 $0xFFFFFEF7, lr;
	s5 =	simm.s32 $0xFFFFFFFF;
	p2 =	slt.u32 s8, $0xFFFFF086  }
0x1c: {  	p1 =	slt.u32 s9, $0xF7A;
	s5 =	simm.s32 @!p2 $0x0  }
0x1d: {  	s5 =	simm.s32 @p1 $0x1;
	p0 =	seq.s32 s7, s2  }
0x1e: {  	s7 =	smul.u32 @!p0 $0xF7A, s2;
	p2 =	seq.s32 @!p0 s5, $0x0  }
0x1f: {  	s9 =	smul.u32 $0xF7A, s1;
	s8 =	simm.s32 @!p0 $0x1BF5;
	p2 =	por !p2, p0  }
0x20: {  	[sflag:s8] =	ssyncset.s32 @!p0 $0xFFFFF086;
	s6 =	sadd.s32 @!p0 s3, s7;
	s7 =	simm.s32 @!p0 $0x108  }
0x21: {  	s3 =	sadd.s32 s3, s9;
	s6 =	sadd.s32 @!p0 $0x88, s6;
	s7 =	simm.s32 @p2 $0x1082  }
0x22: {  	[simem:s7], [sflag:s8] =	dma.local @!p0 [hbm:s6], $0xF7A  }
0x23: {  	s9 =	sor.u32 $0xD0000000, s2;
	s6 =	simm.s32 $0x108;
	_ =	swait.ge @!p0 [sflag:s8], $0x0  }
0x24: {  	s3 =	sadd.s32 $0x88, s3;
	s6 =	simm.s32 @!p1 $0x1082;
	[sflag:s4] =	ssyncset.s32 $0xFFFFF086  }
0x25: {  	[simem:s6], [sflag:s4] =	dma.local [hbm:s3], $0xF7A  }
0x26: {  	[smem:$0x3F9B] =	sst s1;
	(tag) =	ssettag s2;
	_ =	strace s9  }
0x27: {  	s1 =	sld [smem:$0x3FAB]  }
0x28: {  	s2 =	sld [smem:$0x3FAC]  }
0x29: {  	s4 =	sld [smem:$0x3FAE]  }
0x2a: {  	p0 =	seq.s32 s5, $0x0;
	s5 =	sld [smem:$0x3FAF]  }
0x2b: {  	s6 =	sld [smem:$0x3FB0]  }
0x2c: {  	s7 =	sld [smem:$0x3FB1]  }
0x2d: {  	s3 =	simm.s32 $0x108;
	s8 =	sld [smem:$0x3FB2]  }
0x2e: {  	s3 =	simm.s32 @!p0 $0x1082;
	s9 =	sld [smem:$0x3FB3]  }
0x2f: {  	lr =	sadd.s32 s0, s3;
	s0 =	sld [smem:$0x3FAA]  }
0x30: {  	s3 =	sld [smem:$0x3FAD]  }
0x31: {  	[smem:$0x3FB6] =	sst s10  }
0x32: {  	s10 =	sld [smem:$0x3FB4];
	_ =	sdelay $0x3  }
0x33: {  	p0 =	seq.s32 s10, $0x1;
	s10 =	sld [smem:$0x3FB6];
	_ =	sdelay $0x3  }
0x34: {  	[smem:$0x3FB6] =	sst s10  }
0x35: {  	s10 =	sld [smem:$0x3FB5];
	_ =	sdelay $0x3  }
0x36: {  	p1 =	seq.s32 s10, $0x1;
	s10 =	sld [smem:$0x3FB6];
	_ =	sdelay $0x3  }
0x37: {  	[smem:$0x3FB6] =	sst s10  }
0x38: {  	s10 =	sld [smem:$0x3FB7]  }
0x39: {  	_ = 	snop;
	(pc) =	sbr.ind lr, $3  }
0x3a: {  	_ = 	snop  }
0x3b: {  	_ = 	snop  }
0x3c: {  	p2 =	seq.s32 s10, $0x1;
	s10 =	sld [smem:$0x3FB6]  }
0x3d: {  	_ =	shalt  }
0x3e: {  	_ =	shalt  }
0x3f: {  	_ =	shalt  }
0x40: {  	_ =	shalt  }
0x41: {  	_ =	shalt  }
0x42: {  	_ =	shalt  }
0x43: {  	_ =	shalt  }
0x44: {  	_ =	shalt  }
0x45: {  	_ =	shalt  }
0x46: {  	_ =	shalt  }
0x47: {  	_ =	shalt  }
0x48: {  	_ =	shalt  }
0x49: {  	_ =	shalt  }
0x4a: {  	_ =	shalt  }
0x4b: {  	_ =	shalt  }
0x4c: {  	_ =	shalt  }
0x4d: {  	_ =	shalt  }
0x4e: {  	_ =	shalt  }
0x4f: {  	_ =	shalt  }
0x50: {  	_ =	shalt  }
0x51: {  	_ =	shalt  }
0x52: {  	_ =	shalt  }
0x53: {  	_ =	shalt  }
0x54: {  	_ =	shalt  }
0x55: {  	_ =	shalt  }
0x56: {  	_ =	shalt  }
0x57: {  	_ =	shalt  }
0x58: {  	_ =	shalt  }
0x59: {  	_ =	shalt  }
0x5a: {  	_ =	shalt  }
0x5b: {  	_ =	shalt  }
0x5c: {  	_ =	shalt  }
0x5d: {  	_ =	shalt  }
0x5e: {  	_ =	shalt  }
0x5f: {  	_ =	shalt  }
0x60: {  	_ =	shalt  }
0x61: {  	_ =	shalt  }
0x62: {  	_ =	shalt  }
0x63: {  	_ =	shalt  }
0x64: {  	_ =	shalt  }
0x65: {  	_ =	shalt  }
0x66: {  	_ =	shalt  }
0x67: {  	_ =	shalt  }
0x68: {  	_ =	shalt  }
0x69: {  	_ =	shalt  }
0x6a: {  	_ =	shalt  }
0x6b: {  	_ =	shalt  }
0x6c: {  	_ =	shalt  }
0x6d: {  	_ =	shalt  }
0x6e: {  	_ =	shalt  }
0x6f: {  	_ =	shalt  }
0x70: {  	_ =	shalt  }
0x71: {  	_ =	shalt  }
0x72: {  	_ =	shalt  }
0x73: {  	_ =	shalt  }
0x74: {  	_ =	shalt  }
0x75: {  	_ =	shalt  }
0x76: {  	_ =	shalt  }
0x77: {  	_ =	shalt  }
0x78: {  	_ =	shalt  }
0x79: {  	_ =	shalt  }
0x7a: {  	_ =	shalt  }
0x7b: {  	_ =	shalt  }
0x7c: {  	_ =	shalt  }
0x7d: {  	_ =	shalt  }
0x7e: {  	_ =	shalt  }
0x7f: {  	_ =	shalt  }
0x80: {  	_ =	shalt  }
0x81: {  	_ =	shalt  }
0x82: {  	_ =	shalt  }
0x83: {  	_ =	shalt  }
0x84: {  	_ =	shalt  }
0x85: {  	_ =	shalt  }
0x86: {  	_ =	shalt  }
0x87: {  	_ =	shalt  }
.Lfunc_end0:
.L_simem_size_0:
called_computation.1_lowered:
.L_overlay_start_0:
0x88: {  	s2 =	sld [smem:$0x3FD9]  }
0x89: {  	s3 =	sld [smem:$0x3FFE];
	_ =	sdelay $0x1  }
0x8a: {  	s1 =	srdreg.scid  }
0x8b: {  	s0 =	sand.u32 $0x1, s1  }
0x8c: {  	s17 =	sshll.u32 s0, $0xA;
	s2 =	sadd.s32 s3, s2  }
0x8d: {  	s2 =	sadd.s32 s2, s17  }
0x8e: {  	[smem:$0x3FC2] =	sst s2  }
0x8f: {  	_ = 	snop  }
0x90: {  	s2 =	sld [smem:$0x3FC7]  }
0x91: {  	s18 =	sld [smem:$0x3FD0];
	(tm) =	ssettm $0x1  }
0x92: {  	s4 =	sld [smem:$0x3FFB];
	_ =	sdelay $0x3  }
0x93: {  	_ =	strace s4  }
0x94: {  	s4 =	sld [smem:$0x3FFC];
	_ =	sdelay $0x3  }
0x95: {  	_ =	strace s4  }
0x96: {  	s4 =	sld [smem:$0x3FFD];
	_ =	sdelay $0x3  }
0x97: {  	_ =	strace s4  }
0x98: {  	_ =	strace $0x8FFFFFFF  }
0x99: {  	s19 =	sld [smem:$0x3FDB];
	_ =	sdelay $0x1  }
0x9a: {  	s5 =	simm.s32 $_scs_section_size  }
0x9b: {  	s6 =	simm.s32 $_size__tile_overlayer_lowered;
	s7 =	simm.s32 $_tile_overlayer_lowered  }
0x9c: {  	s22 =	simm.s32 $0x1BFF;
	s21 =	sshll.u32 s7, $0x1;
	s4 =	sadd.s32 s5, s19  }
0x9d: {  	s8 =	simm.s32 $0x0;
	s20 =	sshll.u32 s6, $0x1;
	s6 =	sadd.s32 s21, s4  }
0x9e: {  	[timem:s8], [sflag:s22] =	dma.local [hbm:s6], s20  }
0x9f: {  	_ =	swait.ge [sflag:s22], s20  }
0xa0: {  	s5 =	ssub.s32 $0x0, s20;
	[sflag:s22] =	ssyncset.done $0x0  }
0xa1: {  	[sflag:s22] =	ssyncadd.s32 s5;
	_ =	sdelay $0x1  }
0xa2: {  	s23 =	simm.s32 $0x1B8B  }
0xa3: {  	_ =	swait.ge [sflag:s23], $0x1  }
0xa4: {  	[sflag:s23] =	ssyncset.done $0x0  }
0xa5: {  	s25 =	simm.s32 $0x1B8E;
	s24 =	sld [smem:$0x3FFE];
	[sflag:s23] =	ssyncadd.s32 $0xFFFFFFFF  }
0xa6: {  	s26 =	simm.s32 $execute0_lowered;
	[smem:$0x3FD2] =	sst s25  }
0xa7: {  	s6 =	sshll.u32 s26, $0x1;
	_ =	strace $0x80000049;
	[dreg:$0x1] =	wrdreg $0xFFFFFFFF  }
0xa8: {  	s28 =	simm.s32 $_size_execute0_lowered;
	s4 =	sadd.s32 s4, s6;
	[dreg:$0x0] =	wrdreg $0x0  }
0xa9: {  	s6 =	sshll.u32 s28, $0x1;
	[dreg:$0x2] =	wrdreg s4  }
0xaa: {  	[dreg:$0x3] =	wrdreg s6  }
0xab: {  	[dreg:$0x4] =	wrdreg $0xC0  }
0xac: {  	_ =	task [dreg:s8], $0x5FFFF  }
0xad: {  	[dreg:$0x1] =	wrdreg $0xFFFFFFFF  }
0xae: {  	[dreg:$0x0] =	wrdreg $0x60  }
0xaf: {  	[dreg:$0x2] =	wrdreg s18  }
0xb0: {  	[dreg:$0x3] =	wrdreg s2  }
0xb1: {  	[dreg:$0x4] =	wrdreg s24  }
0xb2: {  	[dreg:$0x5] =	wrdreg $0x0  }
0xb3: {  	[dreg:$0x6] =	wrdreg $0x9  }
0xb4: {  	_ =	task.clear_ibuf [dreg:s8], $0x7FFFF;
	_ =	strace $0x90000049  }
0xb5: {  	s29 =	simm.s32 $0x9;
	_ =	strace $0x8000004B  }
0xb6: {  	_ =	swait.ge [sflag:s29], $0x1  }
0xb7: {  	[sflag:s29] =	ssyncadd.s32 $0xFFFFFFFF  }
0xb8: {  	_ =	strace $0x9000004B  }
0xb9: {  	_ =	sfence  }
0xba: {  	s30 =	sld [smem:$0x0];
	_ =	sdelay $0x2  }
0xbb: {  	s31 =	sshll.u32 s1, $0xD;
	s1 =	sshrl.u32 s1, $0x2  }
0xbc: {  	s3 =	sand.u32 $0x4000, s31;
	s1 =	sadd.s32 s1, s30  }
0xbd: {  	s0 =	sor.u32 s3, s0;
	s1 =	sshll.u32 s1, $0x11  }
0xbe: {  	s0 =	sor.u32 s1, s0  }
0xbf: {  	s0 =	sadd.s32 $0x8F2B, s0  }
0xc0: {  	[sflag:s0] =	ssyncadd.remote.s32 $0x1  }
0xc1: {  	_ =	sfence.sel $0xFFFF  }
0xc2: {  	[dreg:$0x0] =	wrdreg $0xFFFFFFFF;
	(pc) =	sbr.abs _section_cstart, $3  }
0xc3: {  	[dreg:$0x1] =	wrdreg $0xFFFFFFFF  }
0xc4: {  	_ =	task.clear_ibuf [dreg:s8], $0x2FFFF;
	_ =	strace $0x9FFFFFFF  }
0xc5: {  	(tm) =	ssettm $0x7FFFFFFF  }
tec
execute0_lowered:
.L_overlay_start_1:
0x0: {  	(tag) =	ssettag $0x1  }
0x1: {  	s0 =	rddreg [dreg:$0x0]  }
0x2: {  	s2 =	rddreg [dreg:$0x1];
	s1 =	srdreg.scid  }
0x3: {  	s3 =	rddreg [dreg:$0x2];
	s10 =	stileid.u32  }
0x4: {  	s4 =	rddreg [dreg:$0x3];
	s5 =	simm.s32 $0x0;
	s28 =	simm.s32 $0x50  }
0x5: {  	s29 =	simm.s32 $0x1B000;
	s31 =	simm.s32 $0x18800;
	s11 =	simm.s32 $0x3  }
0x6: {  	s1 =	sand.u32 $0x1, s1;
	s7 =	smul.u32 $0x14000, s10;
	[smem:$0x7FF] =	sst s5  }
0x7: {  	s12 =	smul.u32 $0x50000, s10;
	s8 =	sadd.s32 $0x5B200, s3;
	s13 =	sadd.s32 $0x6F200, s3  }
0x8: {  	s15 =	sshll.u32 s10, $0x1;
	s24 =	smul.u32 $0x4E200, s10;
	s10 =	simm.s32 $0x2  }
0x9: {  	s6 =	smul.u32 $0x140000, s1;
	_ =	strace $0x8000004A;
	[dreg:$0x5] =	wrdreg s8  }
0xa: {  	s14 =	ssub.s32 $0x2, s1;
	s8 =	sor.u32 s1, s15;
	s1 =	smul.u32 $0x27100, s1  }
0xb: {  	[dreg:$0x6] =	wrdreg s13;
	s15 =	simm.s32 $0x15B80;
	s16 =	smul.u32 $0x2710, s8  }
0xc: {  	s9 =	sshrl.u32 s14, $0x1;
	s21 =	smul.u32 $0x5000, s8;
	s30 =	sadd.s32 s24, s2  }
0xd: {  	s24 =	simm.s32 $0x5;
	s6 =	sadd.s32 s7, s6;
	s1 =	sadd.s32 s1, s30  }
0xe: {  	s7 =	sshrl.u32 s12, $0x2;
	[dreg:$0xb] =	wrdreg s21;
	s1 =	sadd.s32 $0xA00, s1  }
0xf: {  	s12 =	simm.s32 $0x4;
	s17 =	sadd.s32 s7, s4;
	[dreg:$0x12] =	wrdreg s1  }
0x10: {  	s6 =	sshrl.u32 s6, $0x3;
	s7 =	sadd.s32 $0x2800, s17;
	[dreg:$0x7] =	wrdreg s17  }
0x11: {  	s18 =	sadd.s32 $0x50, s16;
	s19 =	sadd.s32 $0x5000, s17;
	[dreg:$0x8] =	wrdreg s7  }
0x12: {  	s13 =	smov.u32 s16;
	s20 =	sadd.s32 $0x7800, s17;
	[dreg:$0x9] =	wrdreg s19  }
0x13: {  	s21 =	sadd.s32 $0x780, s16;
	s22 =	sadd.s32 $0xA000, s17;
	[dreg:$0xa] =	wrdreg s20  }
0x14: {  	s16 =	simm.s32 $0x15C00;
	s23 =	sadd.s32 $0xC800, s17;
	[dreg:$0xc] =	wrdreg s22  }
0x15: {  	s3 =	sadd.s32 s6, s3;
	s25 =	sadd.s32 $0xF000, s17;
	[dreg:$0xd] =	wrdreg s23  }
0x16: {  	s6 =	ssub.s32 s14, s9;
	s26 =	sadd.s32 $0x11800, s17;
	[dreg:$0xe] =	wrdreg s25  }
0x17: {  	s1 =	simm.s32 $0x1;
	[dreg:$0xf] =	wrdreg s26;
	s3 =	sadd.s32 $0x1400, s3  }
0x18: {  	s6 =	smax.u32 s6, $0x1;
	s23 =	simm.s32 $0x16000;
	s25 =	simm.s32 $0x14000  }
0x19: {  	s26 =	simm.s32 $0x15000;
	s7 =	simm.s32 $0x0;
	[dreg:$0x10] =	wrdreg s3  }
0x1a: {  	v0 =	vimm.f32 $0.0e+00;
	s19 =	simm.s32 $0x0;
	[dreg:$0x11] =	wrdreg s6;
	s3 =	simm.s32 $0x1D800  }
.LBB2_1:
0x1b: {  	s6 =	sand.u32 $0xFE00, s5  }
0x1c: {  	[dreg:$0x13] =	wrdreg s7;
	s30 =	sand.u32 $0x70, s5;
	s8 =	sshrl.u32 s6, $0x2  }
0x1d: {  	s6 =	simm.s32 $0x40;
	s7 =	sor.u32 s30, s8;
	s8 =	simm.s32 $0x0  }
.LBB2_2:
0x1e: {  	p0 =	sne.s32 s6, $0x9FC0  }
0x1f: {  	[tilespmem:s7+$0x16000] =	vst v0;
	s8 =	sadd.s32 $0x10, s8;
	s7 =	smov.u32 s6;
	s6 =	sadd.s32 $0x40, s6  }
.Ltmp0:
0x20: {  	(pc) =	sbr.rel @p0 .LBB2_2-.Ltmp0, $4  }
0x21: {  	_ = 	snop  }
0x22: {  	s7 =	sand.u32 $0xFE00, s7  }
0x23: {  	s14 =	sand.u32 $0x70, s8;
	s7 =	sshrl.u32 s7, $0x2  }
0x24: {  	s7 =	sor.u32 s14, s7  }
0x25: {  	[tilespmem:s7+$0x16000] =	vst v0  }
0x26: {  	[spmem:s17] =	stream.linear.scatter [tilespmem:s23], [sflag:$0x5], $0x2800, $0x38;
	v63 =	vld [tilespmem:$0x0]  }
0x27: {  	_ =	swait.ge [sflag:s24], $0x2800  }
0x28: {  	[sflag:s24] =	ssyncset.done $0x0  }
0x29: {  	s6 =	rddreg [dreg:$0x8];
	[sflag:s24] =	ssyncadd.s32 $0xFFFFD800  }
0x2a: {  	[spmem:s6] =	stream.linear.scatter [tilespmem:s23], [sflag:$0x5], $0x2800, $0x38;
	v63 =	vld [tilespmem:$0x0]  }
0x2b: {  	_ =	swait.ge [sflag:s24], $0x2800  }
0x2c: {  	[sflag:s24] =	ssyncset.done $0x0  }
0x2d: {  	s9 =	rddreg [dreg:$0x9];
	[sflag:s24] =	ssyncadd.s32 $0xFFFFD800  }
0x2e: {  	[spmem:s9] =	stream.linear.scatter [tilespmem:s23], [sflag:$0x5], $0x2800, $0x38;
	v63 =	vld [tilespmem:$0x0]  }
0x2f: {  	_ =	swait.ge [sflag:s24], $0x2800  }
0x30: {  	[sflag:s24] =	ssyncset.done $0x0  }
0x31: {  	s14 =	rddreg [dreg:$0xa];
	[sflag:s24] =	ssyncadd.s32 $0xFFFFD800  }
0x32: {  	[spmem:s14] =	stream.linear.scatter [tilespmem:s23], [sflag:$0x5], $0x2800, $0x38;
	v63 =	vld [tilespmem:$0x0]  }
0x33: {  	_ =	swait.ge [sflag:s24], $0x2800  }
0x34: {  	[sflag:s24] =	ssyncset.done $0x0  }
0x35: {  	s17 =	rddreg [dreg:$0xc];
	[sflag:s24] =	ssyncadd.s32 $0xFFFFD800  }
0x36: {  	[spmem:s17] =	stream.linear.scatter [tilespmem:s23], [sflag:$0x5], $0x2800, $0x38;
	v63 =	vld [tilespmem:$0x0]  }
0x37: {  	_ =	swait.ge [sflag:s24], $0x2800  }
0x38: {  	[sflag:s24] =	ssyncset.done $0x0  }
0x39: {  	s20 =	rddreg [dreg:$0xd];
	[sflag:s24] =	ssyncadd.s32 $0xFFFFD800  }
0x3a: {  	[spmem:s20] =	stream.linear.scatter [tilespmem:s23], [sflag:$0x5], $0x2800, $0x38;
	v63 =	vld [tilespmem:$0x0]  }
0x3b: {  	_ =	swait.ge [sflag:s24], $0x2800  }
0x3c: {  	[sflag:s24] =	ssyncset.done $0x0  }
0x3d: {  	s22 =	rddreg [dreg:$0xe];
	[sflag:s24] =	ssyncadd.s32 $0xFFFFD800  }
0x3e: {  	[spmem:s22] =	stream.linear.scatter [tilespmem:s23], [sflag:$0x5], $0x2800, $0x38;
	v63 =	vld [tilespmem:$0x0]  }
0x3f: {  	_ =	swait.ge [sflag:s24], $0x2800  }
0x40: {  	[sflag:s24] =	ssyncset.done $0x0  }
0x41: {  	s30 =	rddreg [dreg:$0xf];
	[sflag:s24] =	ssyncadd.s32 $0xFFFFD800  }
0x42: {  	[spmem:s30] =	stream.linear.scatter [tilespmem:s23], [sflag:$0x5], $0x2800, $0x38;
	v63 =	vld [tilespmem:$0x0]  }
0x43: {  	_ =	swait.ge [sflag:s24], $0x2800  }
0x44: {  	[sflag:s24] =	ssyncset.done $0x0  }
0x45: {  	[sflag:s24] =	ssyncadd.s32 $0xFFFFD800  }
0x46: {  	[bflag:$0x0] =	sbarrier.arrive $0xFFFF  }
0x47: {  	s20 =	simm.s32 $0x0;
	s22 =	rddreg [dreg:$0x12]  }
.LBB2_4:
0x48: {  	s6 =	sshll.u32 s20, $0xC;
	s7 =	rddreg [dreg:$0xb]  }
0x49: {  	s6 =	sadd.s32 s7, s6  }
0x4a: {  	s14 =	rddreg [dreg:$0x5];
	s6 =	sshrl.u32 s6, $0x3  }
0x4b: {  	s7 =	sadd.s32 s14, s6  }
0x4c: {  	[tilespmem:s25], [sflag:$0x5] =	stream.linear.gather [hbm4b:s7+s19], $0xC80, $0x38;
	v63 =	vld [tilespmem:$0x0]  }
0x4d: {  	_ =	swait.ge [sflag:s24], $0xC80  }
0x4e: {  	[sflag:s24] =	ssyncset.done $0x0;
	s17 =	rddreg [dreg:$0x6]  }
0x4f: {  	[sflag:s24] =	ssyncadd.s32 $0xFFFFF380;
	s6 =	sadd.s32 s17, s6  }
0x50: {  	[tilespmem:s26], [sflag:$0x5] =	stream.linear.gather [hbm4b:s6+s19], $0xC80, $0x38;
	v63 =	vld [tilespmem:$0x0]  }
0x51: {  	_ =	swait.ge [sflag:s24], $0xC80  }
0x52: {  	[sflag:s24] =	ssyncset.done $0x0  }
0x53: {  	s8 =	smul.u32 $0x7D0, s20;
	[sflag:s24] =	ssyncadd.s32 $0xFFFFF380  }
0x54: {  	[tilespmem:s23], [sflag:$0x5] =	stream.indirect.gather [hbm4b:s0+s28], $0x80, s25, s28, $0xb8;
	v63 =	vld [tilespmem:$0x0]  }
0x55: {  	s7 =	sadd.s32 s13, s8;
	_ =	swait.ge [sflag:s24], $0x2800  }
0x56: {  	s6 =	sshll.u32 s7, $0x4;
	[sflag:s24] =	ssyncset.done $0x0  }
0x57: {  	s6 =	sadd.s32 s2, s6;
	[sflag:s24] =	ssyncadd.s32 $0xFFFFD800  }
0x58: {  	[tilespmem:s29], [sflag:$0x5] =	stream.linear.gather [hbm4b:s6+s19], $0x2800, $0x38;
	v63 =	vld [tilespmem:$0x0]  }
0x59: {  	_ =	swait.ge [sflag:s24], $0x2800  }
0x5a: {  	[sflag:s24] =	ssyncset.done $0x0  }
0x5b: {  	[sflag:s24] =	ssyncadd.s32 $0xFFFFD800  }
0x5c: {  	[spmem:s4] =	stream.indirect.scatter.add.f32 [tilespmem:s23], [sflag:$0x5], $0x80, s26, s28, $0xb8;
	v63 =	vld [tilespmem:$0x0]  }
0x5d: {  	_ =	swait.ge [sflag:s24], $0x2800  }
0x5e: {  	[sflag:s24] =	ssyncset.done $0x0  }
0x5f: {  	[sflag:s24] =	ssyncadd.s32 $0xFFFFD800  }
0x60: {  	[spmem:s4] =	stream.indirect.scatter.add.f32 [tilespmem:s29], [sflag:$0x5], $0x80, s26, s28, $0xb8;
	v63 =	vld [tilespmem:$0x0]  }
0x61: {  	_ =	swait.ge [sflag:s24], $0x2800  }
0x62: {  	s14 =	sadd.s32 s8, s18;
	[sflag:s24] =	ssyncset.done $0x0  }
0x63: {  	s9 =	simm.s32 $0x14080;
	s6 =	sshll.u32 s14, $0x4;
	[sflag:s24] =	ssyncadd.s32 $0xFFFFD800  }
0x64: {  	[tilespmem:s23], [sflag:$0x1] =	stream.indirect.gather [hbm4b:s0+s28], $0x80, s9, s28, $0xb8;
	v63 =	vld [tilespmem:$0x0]  }
0x65: {  	s6 =	sadd.s32 s2, s6  }
0x66: {  	[tilespmem:s29], [sflag:$0x1] =	stream.linear.gather [hbm4b:s6+s19], $0x2800, $0x38;
	v63 =	vld [tilespmem:$0x0]  }
0x67: {  	s17 =	simm.s32 $0x14100  }
0x68: {  	[tilespmem:s31], [sflag:$0x2] =	stream.indirect.gather [hbm4b:s0+s28], $0x80, s17, s28, $0xb8;
	v63 =	vld [tilespmem:$0x0]  }
0x69: {  	_ = 	snop  }
0x6a: {  	[tilespmem:s3], [sflag:$0x2] =	stream.linear.gather [hbm4b:s22+s5], $0x2800, $0x38;
	v63 =	vld [tilespmem:$0x0]  }
0x6b: {  	_ =	swait.ge [sflag:s1], $0x2800  }
0x6c: {  	[sflag:s1] =	ssyncset.done $0x0  }
0x6d: {  	[sflag:s1] =	ssyncadd.s32 $0xFFFFD800  }
0x6e: {  	_ =	swait.ge [sflag:s1], $0x2800  }
0x6f: {  	[sflag:s1] =	ssyncset.done $0x0  }
0x70: {  	s7 =	simm.s32 $0x15080;
	[sflag:s1] =	ssyncadd.s32 $0xFFFFD800  }
0x71: {  	[spmem:s4] =	stream.indirect.scatter.add.f32 [tilespmem:s23], [sflag:$0x3], $0x80, s7, s28, $0xb8;
	v63 =	vld [tilespmem:$0x0]  }
0x72: {  	_ = 	snop  }
0x73: {  	[spmem:s4] =	stream.indirect.scatter.add.f32 [tilespmem:s29], [sflag:$0x3], $0x80, s7, s28, $0xb8;
	v63 =	vld [tilespmem:$0x0]  }
0x74: {  	_ =	swait.ge [sflag:s10], $0x2800  }
0x75: {  	[sflag:s10] =	ssyncset.done $0x0  }
0x76: {  	[sflag:s10] =	ssyncadd.s32 $0xFFFFD800  }
0x77: {  	_ =	swait.ge [sflag:s10], $0x2800  }
0x78: {  	[sflag:s10] =	ssyncset.done $0x0  }
0x79: {  	s9 =	simm.s32 $0x15100;
	[sflag:s10] =	ssyncadd.s32 $0xFFFFD800  }
0x7a: {  	[spmem:s4] =	stream.indirect.scatter.add.f32 [tilespmem:s31], [sflag:$0x4], $0x80, s9, s28, $0xb8;
	v63 =	vld [tilespmem:$0x0]  }
0x7b: {  	_ = 	snop  }
0x7c: {  	[spmem:s4] =	stream.indirect.scatter.add.f32 [tilespmem:s3], [sflag:$0x4], $0x80, s9, s28, $0xb8;
	v63 =	vld [tilespmem:$0x0]  }
0x7d: {  	_ =	swait.ge [sflag:s11], $0x2800  }
0x7e: {  	[sflag:s11] =	ssyncset.done $0x0  }
0x7f: {  	[sflag:s11] =	ssyncadd.s32 $0xFFFFD800  }
0x80: {  	_ =	swait.ge [sflag:s11], $0x2800  }
0x81: {  	[sflag:s11] =	ssyncset.done $0x0  }
0x82: {  	s14 =	simm.s32 $0x14180;
	[sflag:s11] =	ssyncadd.s32 $0xFFFFD800  }
0x83: {  	[tilespmem:s23], [sflag:$0x1] =	stream.indirect.gather [hbm4b:s0+s28], $0x80, s14, s28, $0xb8;
	v63 =	vld [tilespmem:$0x0]  }
0x84: {  	s17 =	sadd.s32 $0x500, s22  }
0x85: {  	[tilespmem:s29], [sflag:$0x1] =	stream.linear.gather [hbm4b:s17+s5], $0x2800, $0x38;
	v63 =	vld [tilespmem:$0x0]  }
0x86: {  	_ =	swait.ge [sflag:s12], $0x2800  }
0x87: {  	[sflag:s12] =	ssyncset.done $0x0  }
0x88: {  	[sflag:s12] =	ssyncadd.s32 $0xFFFFD800  }
0x89: {  	s30 =	simm.s32 $0x100;
	_ =	swait.ge [sflag:s12], $0x2800  }
0x8a: {  	s14 =	simm.s32 $0x800;
	s17 =	sadd.s32 $0xA00, s22;
	[sflag:s12] =	ssyncset.done $0x0  }
.LBB2_5:
0x8b: {  	s9 =	sadd.s32 $0x14100, s30  }
0x8c: {  	[sflag:s12] =	ssyncadd.s32 $0xFFFFD800;
	s6 =	smov.u32 s14;
	s7 =	sadd.s32 $0x400, s14  }
0x8d: {  	[tilespmem:s31], [sflag:$0x2] =	stream.indirect.gather [hbm4b:s0+s28], $0x80, s9, s28, $0xb8;
	v63 =	vld [tilespmem:$0x0]  }
0x8e: {  	p0 =	sne.s32 s14, $0x2800  }
0x8f: {  	[tilespmem:s3], [sflag:$0x2] =	stream.linear.gather [hbm4b:s17+s5], $0x2800, $0x38;
	v63 =	vld [tilespmem:$0x0]  }
0x90: {  	_ =	swait.ge [sflag:s1], $0x2800  }
0x91: {  	[sflag:s1] =	ssyncset.done $0x0  }
0x92: {  	[sflag:s1] =	ssyncadd.s32 $0xFFFFD800  }
0x93: {  	_ =	swait.ge [sflag:s1], $0x2800  }
0x94: {  	[sflag:s1] =	ssyncset.done $0x0  }
0x95: {  	s9 =	sadd.s32 $0x15080, s30;
	[sflag:s1] =	ssyncadd.s32 $0xFFFFD800  }
0x96: {  	[spmem:s4] =	stream.indirect.scatter.add.f32 [tilespmem:s23], [sflag:$0x3], $0x80, s9, s28, $0xb8;
	v63 =	vld [tilespmem:$0x0]  }
0x97: {  	_ = 	snop  }
0x98: {  	[spmem:s4] =	stream.indirect.scatter.add.f32 [tilespmem:s29], [sflag:$0x3], $0x80, s9, s28, $0xb8;
	v63 =	vld [tilespmem:$0x0]  }
0x99: {  	_ =	swait.ge [sflag:s10], $0x2800  }
0x9a: {  	[sflag:s10] =	ssyncset.done $0x0  }
0x9b: {  	[sflag:s10] =	ssyncadd.s32 $0xFFFFD800  }
0x9c: {  	_ =	swait.ge [sflag:s10], $0x2800  }
0x9d: {  	[sflag:s10] =	ssyncset.done $0x0  }
0x9e: {  	s9 =	sadd.s32 $0x15100, s30;
	[sflag:s10] =	ssyncadd.s32 $0xFFFFD800  }
0x9f: {  	[spmem:s4] =	stream.indirect.scatter.add.f32 [tilespmem:s31], [sflag:$0x4], $0x80, s9, s28, $0xb8;
	v63 =	vld [tilespmem:$0x0]  }
0xa0: {  	_ = 	snop  }
0xa1: {  	[spmem:s4] =	stream.indirect.scatter.add.f32 [tilespmem:s3], [sflag:$0x4], $0x80, s9, s28, $0xb8;
	v63 =	vld [tilespmem:$0x0]  }
0xa2: {  	_ =	swait.ge [sflag:s11], $0x2800  }
0xa3: {  	[sflag:s11] =	ssyncset.done $0x0  }
0xa4: {  	[sflag:s11] =	ssyncadd.s32 $0xFFFFD800  }
0xa5: {  	_ =	swait.ge [sflag:s11], $0x2800  }
0xa6: {  	[sflag:s11] =	ssyncset.done $0x0  }
0xa7: {  	s9 =	sadd.s32 $0x14180, s30;
	[sflag:s11] =	ssyncadd.s32 $0xFFFFD800  }
0xa8: {  	[tilespmem:s23], [sflag:$0x1] =	stream.indirect.gather [hbm4b:s0+s28], $0x80, s9, s28, $0xb8;
	v63 =	vld [tilespmem:$0x0]  }
0xa9: {  	s9 =	sadd.s32 $0x500, s17  }
0xaa: {  	[tilespmem:s29], [sflag:$0x1] =	stream.linear.gather [hbm4b:s9+s5], $0x2800, $0x38;
	v63 =	vld [tilespmem:$0x0]  }
.Ltmp1:
0xab: {  	_ =	swait.ge [sflag:s12], $0x2800;
	(pc) =	sbr.rel @p0 .LBB2_5-.Ltmp1, $4  }
0xac: {  	[sflag:s12] =	ssyncset.done $0x0  }
0xad: {  	[sflag:s12] =	ssyncadd.s32 $0xFFFFD800  }
0xae: {  	s14 =	smov.u32 s7;
	_ =	swait.ge [sflag:s12], $0x2800  }
0xaf: {  	s30 =	sshra.s32 s6, $0x2;
	s17 =	sadd.s32 $0xA00, s17;
	[sflag:s12] =	ssyncset.done $0x0  }
0xb0: {  	s6 =	sadd.s32 $0x14100, s30;
	[sflag:s12] =	ssyncadd.s32 $0xFFFFD800  }
0xb1: {  	[tilespmem:s31], [sflag:$0x2] =	stream.indirect.gather [hbm4b:s0+s28], $0x80, s6, s28, $0xb8;
	v63 =	vld [tilespmem:$0x0]  }
0xb2: {  	_ = 	snop  }
0xb3: {  	[tilespmem:s3], [sflag:$0x2] =	stream.linear.gather [hbm4b:s17+s5], $0x2800, $0x38;
	v63 =	vld [tilespmem:$0x0]  }
0xb4: {  	_ =	swait.ge [sflag:s1], $0x2800  }
0xb5: {  	[sflag:s1] =	ssyncset.done $0x0  }
0xb6: {  	[sflag:s1] =	ssyncadd.s32 $0xFFFFD800  }
0xb7: {  	_ =	swait.ge [sflag:s1], $0x2800  }
0xb8: {  	[sflag:s1] =	ssyncset.done $0x0  }
0xb9: {  	s14 =	sadd.s32 $0x15080, s30;
	[sflag:s1] =	ssyncadd.s32 $0xFFFFD800  }
0xba: {  	[spmem:s4] =	stream.indirect.scatter.add.f32 [tilespmem:s23], [sflag:$0x3], $0x80, s14, s28, $0xb8;
	v63 =	vld [tilespmem:$0x0]  }
0xbb: {  	_ = 	snop  }
0xbc: {  	[spmem:s4] =	stream.indirect.scatter.add.f32 [tilespmem:s29], [sflag:$0x3], $0x80, s14, s28, $0xb8;
	v63 =	vld [tilespmem:$0x0]  }
0xbd: {  	_ =	swait.ge [sflag:s10], $0x2800  }
0xbe: {  	[sflag:s10] =	ssyncset.done $0x0  }
0xbf: {  	[sflag:s10] =	ssyncadd.s32 $0xFFFFD800  }
0xc0: {  	_ =	swait.ge [sflag:s10], $0x2800  }
0xc1: {  	[sflag:s10] =	ssyncset.done $0x0  }
0xc2: {  	s7 =	sadd.s32 $0x15100, s30;
	[sflag:s10] =	ssyncadd.s32 $0xFFFFD800  }
0xc3: {  	[spmem:s4] =	stream.indirect.scatter.add.f32 [tilespmem:s31], [sflag:$0x4], $0x80, s7, s28, $0xb8;
	v63 =	vld [tilespmem:$0x0]  }
0xc4: {  	_ = 	snop  }
0xc5: {  	[spmem:s4] =	stream.indirect.scatter.add.f32 [tilespmem:s3], [sflag:$0x4], $0x80, s7, s28, $0xb8;
	v63 =	vld [tilespmem:$0x0]  }
0xc6: {  	_ =	swait.ge [sflag:s11], $0x2800  }
0xc7: {  	[sflag:s11] =	ssyncset.done $0x0  }
0xc8: {  	[sflag:s11] =	ssyncadd.s32 $0xFFFFD800  }
0xc9: {  	_ =	swait.ge [sflag:s11], $0x2800  }
0xca: {  	[sflag:s11] =	ssyncset.done $0x0  }
0xcb: {  	s9 =	sadd.s32 $0x14180, s30;
	[sflag:s11] =	ssyncadd.s32 $0xFFFFD800  }
0xcc: {  	[tilespmem:s23], [sflag:$0x1] =	stream.indirect.gather [hbm4b:s0+s28], $0x80, s9, s28, $0xb8;
	v63 =	vld [tilespmem:$0x0]  }
0xcd: {  	s14 =	sadd.s32 $0x500, s17  }
0xce: {  	[tilespmem:s29], [sflag:$0x1] =	stream.linear.gather [hbm4b:s14+s5], $0x2800, $0x38;
	v63 =	vld [tilespmem:$0x0]  }
0xcf: {  	_ =	swait.ge [sflag:s12], $0x2800  }
0xd0: {  	[sflag:s12] =	ssyncset.done $0x0  }
0xd1: {  	[sflag:s12] =	ssyncadd.s32 $0xFFFFD800  }
0xd2: {  	_ =	swait.ge [sflag:s12], $0x2800  }
0xd3: {  	s30 =	sadd.s32 s21, s8;
	[sflag:s12] =	ssyncset.done $0x0  }
0xd4: {  	s6 =	sshll.u32 s30, $0x4;
	s17 =	simm.s32 $0x14C00;
	[sflag:s12] =	ssyncadd.s32 $0xFFFFD800  }
0xd5: {  	[tilespmem:s31], [sflag:$0x2] =	stream.indirect.gather [hbm4b:s0+s28], $0x80, s17, s28, $0xb8;
	v63 =	vld [tilespmem:$0x0]  }
0xd6: {  	s6 =	sadd.s32 s2, s6  }
0xd7: {  	[tilespmem:s3], [sflag:$0x2] =	stream.linear.gather [hbm4b:s6+s5], $0x2800, $0x38;
	v63 =	vld [tilespmem:$0x0]  }
0xd8: {  	_ =	swait.ge [sflag:s1], $0x2800  }
0xd9: {  	[sflag:s1] =	ssyncset.done $0x0  }
0xda: {  	[sflag:s1] =	ssyncadd.s32 $0xFFFFD800  }
0xdb: {  	_ =	swait.ge [sflag:s1], $0x2800  }
0xdc: {  	[sflag:s1] =	ssyncset.done $0x0  }
0xdd: {  	[sflag:s1] =	ssyncadd.s32 $0xFFFFD800  }
0xde: {  	[spmem:s4] =	stream.indirect.scatter.add.f32 [tilespmem:s23], [sflag:$0x3], $0x80, s15, s28, $0xb8;
	v63 =	vld [tilespmem:$0x0]  }
0xdf: {  	_ = 	snop  }
0xe0: {  	[spmem:s4] =	stream.indirect.scatter.add.f32 [tilespmem:s29], [sflag:$0x3], $0x80, s15, s28, $0xb8;
	v63 =	vld [tilespmem:$0x0]  }
0xe1: {  	_ =	swait.ge [sflag:s10], $0x2800  }
0xe2: {  	[sflag:s10] =	ssyncset.done $0x0  }
0xe3: {  	[sflag:s10] =	ssyncadd.s32 $0xFFFFD800  }
0xe4: {  	_ =	swait.ge [sflag:s10], $0x2800  }
0xe5: {  	[sflag:s10] =	ssyncset.done $0x0  }
0xe6: {  	[sflag:s10] =	ssyncadd.s32 $0xFFFFD800  }
0xe7: {  	[spmem:s4] =	stream.indirect.scatter.add.f32 [tilespmem:s31], [sflag:$0x4], $0x80, s16, s28, $0xb8;
	v63 =	vld [tilespmem:$0x0]  }
0xe8: {  	_ = 	snop  }
0xe9: {  	[spmem:s4] =	stream.indirect.scatter.add.f32 [tilespmem:s3], [sflag:$0x4], $0x80, s16, s28, $0xb8;
	v63 =	vld [tilespmem:$0x0]  }
0xea: {  	_ =	swait.ge [sflag:s11], $0x2800  }
0xeb: {  	[sflag:s11] =	ssyncset.done $0x0  }
0xec: {  	[sflag:s11] =	ssyncadd.s32 $0xFFFFD800  }
0xed: {  	_ =	swait.ge [sflag:s11], $0x2800  }
0xee: {  	[sflag:s11] =	ssyncset.done $0x0  }
0xef: {  	s20 =	sadd.s32 $0x1, s20;
	[sflag:s11] =	ssyncadd.s32 $0xFFFFD800  }
0xf0: {  	p0 =	sne.s32 s20, $0x5;
	_ =	swait.ge [sflag:s12], $0x2800  }
.Ltmp2:
0xf1: {  	[sflag:s12] =	ssyncset.done $0x0;
	(pc) =	sbr.rel @p0 .LBB2_4-.Ltmp2, $4  }
0xf2: {  	[sflag:s12] =	ssyncadd.s32 $0xFFFFD800  }
0xf3: {  	_ =	swait.ge [sflag:s12], $0x2800  }
0xf4: {  	[sflag:s12] =	ssyncset.done $0x0  }
0xf5: {  	s22 =	sadd.s32 $0x7D00, s22;
	[sflag:s12] =	ssyncadd.s32 $0xFFFFD800  }
0xf6: {  	s6 =	stileid.u32;
	[bflag:$0x0] =	sbarrier.arrive $0xFFFF  }
0xf7: {  	s6 =	sshll.u32 s6, $0x6;
	s17 =	rddreg [dreg:$0x7]  }
0xf8: {  	s8 =	rddreg [dreg:$0x10];
	s6 =	sor.u32 $0x1C05, s6;
	s7 =	sshrl.u32 s17, $0x3  }
0xf9: {  	[hbm:s8], [sflag:s6] =	dma.local [spmem:s7], $0x2800  }
0xfa: {  	_ =	swait.ge [sflag:s24], $0x2800  }
0xfb: {  	s22 =	rddreg [dreg:$0x13]  }
0xfc: {  	s30 =	rddreg [dreg:$0x11];
	s7 =	sadd.s32 $0x1, s22  }
0xfd: {  	p0 =	sne.s32 s7, s30  }
.Ltmp3:
0xfe: {  	_ = 	snop;
	(pc) =	sbr.rel @p0 .LBB2_1-.Ltmp3, $3  }
0xff: {  	_ =	sdelay $0x1  }
0x100: {  	[sflag:s24] =	ssyncset.done $0x0  }
0x101: {  	[sflag:s24] =	ssyncadd.s32 $0xFFFFD800  }
0x102: {  	_ =	sfence.sel $0x180000  }
0x103: {  	[bflag:$0x0] =	sbarrier.arrive $0xFFFF  }
0x104: {  	_ =	strace $0x9000004A  }
0x105: {  	s0 =	stileid.u32;
	[bflag:$0x2] =	sbarrier.arrive $0xFFFF  }
0x106: {  	p0 =	sne.s32 s0, $0x0;
	s0 =	rddreg [dreg:$0x4]  }
0x107: {  	s0 =	sadd.s32 @!p0 $0x100000, s0  }
0x108: {  	[sflag:s0] =	ssyncadd.tile.s32 @!p0 $0x1;
	_ =	shalt  }
.Lfunc_end2:
_tile_overlayer_lowered:
.L_overlay_start_2:
0x109: {  	(tag) =	ssettag $0x2  }
0x10a: {  	s0 =	rddreg [dreg:$0x0];
	s2 =	stileid.u32  }
0x10b: {  	s1 =	rddreg [dreg:$0x1];
	p0 =	sne.s32 s2, $0x0  }
0x10c: {  	s3 =	rddreg [dreg:$0x2];
	[bflag:$0x3] =	sbarrier.arrive $0xFFFF;
	s2 =	simm.s32 @!p0 $0x1C05  }
0x10d: {  	[timem:s3], [sflag:s2] =	dma.local @!p0 [hbm:s0], s1  }
0x10e: {  	s0 =	simm.s32 @!p0 $0x5  }
0x10f: {  	_ =	swait.ge @!p0 [sflag:s0], s1  }
0x110: {  	s1 =	ssub.s32 @!p0 $0x0, s1;
	[sflag:s0] =	ssyncset.done @!p0 $0x0  }
0x111: {  	[sflag:s0] =	ssyncadd.s32 @!p0 s1  }
0x112: {  	[bflag:$0x3] =	sbarrier.arrive $0xFFFF  }
0x113: {  	_ =	shalt  }

</sc_bundles>
